<compile_context>
chip_gen: v7x
topology: tpu7x:2x2x1
jax: 0.10.2.dev20260603
libtpu: 0.0.44.dev20260713+nightly
codegen_flags: <defaults>
</compile_context>

<pallas_src>
import functools

import jax
import jax.numpy as jnp
from jax import lax
from jax.experimental import pallas as pl
from jax.experimental.pallas import tpu as pltpu
from jax.experimental.pallas import tpu_sc as plsc

_INF = 1.0e7
_EOS_ID = 2
_LANES = 16
_K = 16
_CHUNK = 50000
_GROUP = 25
_CROWS = 64
_ABLK = 5


def _make_sc_topk(n_rows, vocab, n_drafts):
    n_prompts = n_rows // n_drafts
    n_chunks = vocab // _CHUNK
    assert n_chunks * _CHUNK == vocab and n_chunks % 2 == 0
    groups_per_chunk = _CHUNK // (_GROUP * _LANES)
    assert groups_per_chunk * _GROUP * _LANES == _CHUNK

    mesh = plsc.VectorSubcoreMesh(core_axis_name="c", subcore_axis_name="s")

    @functools.partial(
        pl.kernel,
        out_type=(
            jax.ShapeDtypeStruct((n_prompts, n_drafts, _K), jnp.float32),
            jax.ShapeDtypeStruct((n_prompts, n_drafts, _K), jnp.int32),
        ),
        mesh=mesh,
        compiler_params=pltpu.CompilerParams(needs_layout_passes=False,
                                             use_tc_tiling_on_sc=False),
        scratch_types=[
            pltpu.VMEM((_CHUNK,), jnp.float32),
            pltpu.VMEM((_CHUNK,), jnp.float32),
            pltpu.VMEM((_CROWS * _LANES,), jnp.float32),
            pltpu.VMEM((_CROWS * _LANES,), jnp.int32),
            pltpu.VMEM((_K,), jnp.float32),
            pltpu.VMEM((_K,), jnp.int32),
            pltpu.SemaphoreType.DMA,
            pltpu.SemaphoreType.DMA,
        ],
    )
    def sc_topk(probs_hbm, out_val, out_idx, buf0, buf1, cb_val, cb_idx,
                ov, oi, sem0, sem1):
        wid = lax.axis_index("s") * 2 + lax.axis_index("c")
        iota = lax.iota(jnp.int32, _LANES)
        bufs = (buf0, buf1)
        sems = (sem0, sem1)

        def src(d, c):
            return probs_hbm.at[wid * n_drafts + d, pl.ds(c * _CHUNK, _CHUNK)]

        def start(d, c, par):
            pltpu.async_copy(src(d, c), bufs[par], sems[par])

        def wait(d, c, par):
            pltpu.make_async_copy(src(d, c), bufs[par], sems[par]).wait()

        def any_lane(mask):
            cnt = plsc.all_reduce_population_count(mask)
            return lax.squeeze(lax.slice(cnt, (0,), (1,)), (0,)) > 0

        def elem(vec, i):
            return lax.squeeze(lax.slice(vec, (i,), (i + 1,)), (0,))

        def merge_vec(rv, ri, v, vi):
            sv, si = plsc.sort_key_val(v, vi, descending=True)
            take = sv > rv
            hi_v = jnp.where(take, sv, rv)
            hi_i = jnp.where(take, si, ri)
            nv, ni = plsc.sort_key_val(hi_v, hi_i, descending=False)
            return nv, ni

        def consolidate(cc, trip):
            r_val, r_idx, thresh, p = cc

            def body(e, rc):
                rv, ri, th = rc
                v = cb_val[pl.ds(e * _LANES, _LANES)]
                vi = cb_idx[pl.ds(e * _LANES, _LANES)]
                valid = e < p
                v = jnp.where(valid, v, 0.0)
                vi = jnp.where(valid, vi, 0)
                rv, ri = merge_vec(rv, ri, v, vi)
                return (rv, ri, jnp.maximum(th, elem(rv, 0)))

            r_val, r_idx, thresh = lax.fori_loop(
                0, trip, body, (r_val, r_idx, thresh))
            p = jnp.where(trip > 0, jnp.zeros((_LANES,), jnp.int32), p)
            return (r_val, r_idx, thresh, p)

        start(0, 0, 0)

        def row_body(d, _):
            carry = (jnp.zeros((_K,), jnp.float32),
                     jnp.zeros((_K,), jnp.int32),
                     jnp.float32(0.0),
                     jnp.zeros((_LANES,), jnp.int32))
            for c in range(n_chunks):
                par = c % 2
                wait(d, c, par)
                if c + 1 < n_chunks:
                    start(d, c + 1, (c + 1) % 2)
                else:
                    start(jnp.minimum(d + 1, n_drafts - 1), 0, 0)
                buf = bufs[par]

                if c == 0:
                    r_val, r_idx, thresh, p = carry
                    for k in range(2 * _GROUP):
                        v = buf[pl.ds(k * _LANES, _LANES)]
                        vi = (k * _LANES) + iota
                        r_val, r_idx = merge_vec(r_val, r_idx, v, vi)
                    carry = (r_val, r_idx, elem(r_val, 0), p)

                def group_body(g, carry, c=c, buf=buf):
                    r_val, r_idx, thresh, p = carry
                    gb = g * (_GROUP * _LANES)
                    vecs = [buf[pl.ds(gb + k * _LANES, _LANES)]
                            for k in range(_GROUP)]
                    while len(vecs) > 1:
                        nxt = [jnp.maximum(vecs[i], vecs[i + 1])
                               for i in range(0, len(vecs) - 1, 2)]
                        if len(vecs) % 2:
                            nxt.append(vecs[-1])
                        vecs = nxt
                    m = vecs[0]

                    hit = any_lane(m > thresh)

                    def append_block(b, cc):
                        rv, ri, th, pp = cc
                        for k in range(_GROUP // _ABLK):
                            off = gb + (b * (_GROUP // _ABLK) + k) * _LANES
                            v = buf[pl.ds(off, _LANES)]
                            mask = v > th
                            addr = pp * _LANES + iota
                            vi = (c * _CHUNK) + off + iota
                            plsc.store_scatter(cb_val, [addr], v, mask=mask)
                            plsc.store_scatter(cb_idx, [addr], vi, mask=mask)
                            pp = pp + jnp.where(mask, 1, 0)
                        return (rv, ri, th, pp)

                    carry = lax.fori_loop(0, jnp.where(hit, _ABLK, 0),
                                          append_block, carry)
                    p_now = carry[3]
                    need = any_lane(p_now > _CROWS - _GROUP - 1)
                    return consolidate(carry, jnp.where(need, _CROWS, 0))

                g_lo = 2 if c == 0 else 0
                carry = lax.fori_loop(g_lo, groups_per_chunk, group_body, carry)

            ps, _ = plsc.sort_key_val(carry[3], carry[3], descending=False)
            r_val, r_idx, _, _ = consolidate(carry, elem(ps, _LANES - 1))
            si, sv = plsc.sort_key_val(r_idx, r_val, descending=False)
            ov[...] = sv
            oi[...] = si
            pltpu.sync_copy(ov, out_val.at[wid, d])
            pltpu.sync_copy(oi, out_idx.at[wid, d])
            return 0

        lax.fori_loop(0, n_drafts, row_body, 0)
        wait(n_drafts - 1, 0, 0)

    return sc_topk


def kernel(probs, still_prompt, is_first, cur_pos, n_token_consider,
           n_token_sample, alive_seq, alive_log_probs, fin_seq, fin_log_probs):
    n_prompts, n_drafts = alive_log_probs.shape
    vocab = probs.shape[-1]

    sc_topk = _make_sc_topk(probs.shape[0], vocab, n_drafts)
    cand_val, cand_idx = sc_topk(probs)

    scores = alive_log_probs[:, :, None] + jnp.log(cand_val)
    scores_flat = scores.reshape(n_prompts, n_drafts * _K)
    idx_flat = cand_idx.reshape(n_prompts, n_drafts * _K)

    topk_log_probs, pos = jax.lax.top_k(scores_flat, 2 * n_drafts)
    topk_beam_id = pos // _K

    oh_pos = (pos[:, :, None] == jnp.arange(n_drafts * _K)[None, None, :])
    fin_flat = (idx_flat == _EOS_ID).astype(jnp.float32)
    topk_finished = jnp.einsum("bkd,bd->bk", oh_pos.astype(jnp.float32),
                               fin_flat) > 0.5

    alive_scores = topk_log_probs + jnp.where(topk_finished, -_INF, 0.0)
    _, alive_sel = jax.lax.top_k(alive_scores, n_drafts)
    oh_sel = (alive_sel[:, :, None] == jnp.arange(2 * n_drafts)[None, None, :])
    ids = jnp.einsum("bkd,bd->bk", oh_sel.astype(jnp.float32),
                     topk_beam_id.astype(jnp.float32)).astype(jnp.int32)

    ids = jnp.where(is_first[:, None], jnp.zeros_like(ids), ids)
    ids = jnp.where(still_prompt[:, None],
                    jnp.broadcast_to(jnp.arange(n_drafts, dtype=ids.dtype),
                                     (n_prompts, n_drafts)),
                    ids)
    return ids

# --- scband reference (transcript-rebuilt; emitter-appended) ---
"""Pipeline reference for scband-beam-57612691308621 (READ-ONLY COPY).

The authoritative reference and input builder live on the scoring server;
editing this copy changes nothing except your own understanding.
"""

import jax, jax.numpy as jnp
import numpy as np

INF = 1.0e7
EOS_ID = 2
N_PROMPTS = 32
N_DRAFTS = 8
VOCAB = 100000
SEQ_LEN = 2048
CUR_POS = 1024

def setup_inputs(seed: int = 0):
    key = jax.random.key(seed)
    k1, k2, k3, k4 = jax.random.split(key, 4)
    probs = jax.random.uniform(k1, (N_PROMPTS * N_DRAFTS, VOCAB), dtype=jnp.float32, minval=1e-9, maxval=1.0)
    probs = probs / probs.sum(axis=-1, keepdims=True)
    still_prompt = jnp.zeros((N_PROMPTS,), dtype=bool)
    is_first = jnp.zeros((N_PROMPTS,), dtype=bool)
    alive_seq = jax.random.randint(k2, (N_PROMPTS, N_DRAFTS, SEQ_LEN), 0, VOCAB)
    fin_seq = jax.random.randint(k3, (N_PROMPTS, N_DRAFTS, SEQ_LEN), 0, VOCAB)
    alive_log_probs = jax.random.normal(k4, (N_PROMPTS, N_DRAFTS), dtype=jnp.float32) * 0.1
    fin_log_probs = jnp.zeros((N_PROMPTS, N_DRAFTS), dtype=jnp.float32) - INF
    return {"probs": probs, "still_prompt": still_prompt, "is_first": is_first,
            "cur_pos": CUR_POS, "n_token_consider": 2048, "n_token_sample": 256,
            "alive_seq": alive_seq, "alive_log_probs": alive_log_probs,
            "fin_seq": fin_seq, "fin_log_probs": fin_log_probs}

def reference(probs, still_prompt, is_first, cur_pos, n_token_consider, n_token_sample,
              alive_seq, alive_log_probs, fin_seq, fin_log_probs):
    n_prompts, n_drafts, seq_len = alive_seq.shape
    vocab = probs.shape[-1]
    # use_mix=False, smoothing=None path of Beam.forward
    reshaped_probs = probs.reshape(n_prompts, n_drafts, vocab)
    log_probs = jnp.log(reshaped_probs)
    curr_log_probs = alive_log_probs[:, :, None] + log_probs
    flat_curr_log_probs = curr_log_probs.reshape(n_prompts, n_drafts * vocab)
    topk_log_probs, topk_idx = jax.lax.top_k(flat_curr_log_probs, 2 * n_drafts)
    topk_beam_id = topk_idx // vocab
    topk_idx = topk_idx % vocab
    # first-generation override (vectorized with mask instead of nonzero indexing)
    first_time_log_probs = log_probs[:, 0, :]
    ft_lp, ft_idx = jax.lax.top_k(first_time_log_probs, 2 * n_drafts)
    ft_lp = alive_log_probs[:, 0:1] + ft_lp
    m = is_first[:, None]
    topk_idx = jnp.where(m, ft_idx, topk_idx)
    topk_log_probs = jnp.where(m, ft_lp, topk_log_probs)
    topk_beam_id = jnp.where(m, jnp.zeros_like(topk_beam_id), topk_beam_id)
    topk_seq = jnp.take_along_axis(alive_seq, topk_beam_id[:, :, None], axis=1)
    topk_seq = topk_seq.at[:, :, cur_pos].set(topk_idx)
    topk_finished = topk_idx == EOS_ID
    # grow_alive: mask finished with -INF, keep top n_drafts live beams
    alive_scores = topk_log_probs + jnp.where(topk_finished, -INF, 0.0)
    new_alive_log_probs, alive_sel = jax.lax.top_k(alive_scores, n_drafts)
    new_alive_seq = jnp.take_along_axis(topk_seq, alive_sel[:, :, None], axis=1)
    attention_change_ids = jnp.take_along_axis(topk_beam_id, alive_sel, axis=1)
    # grow_fin: mask unfinished with -INF, merge with previous finished pool
    fin_scores = topk_log_probs + jnp.where(topk_finished, 0.0, -INF)
    cat_seq = jnp.concatenate([fin_seq, topk_seq], axis=1)
    cat_lp = jnp.concatenate([fin_log_probs, fin_scores], axis=1)
    new_fin_log_probs, fin_sel = jax.lax.top_k(cat_lp, n_drafts)
    new_fin_seq = jnp.take_along_axis(cat_seq, fin_sel[:, :, None], axis=1)
    # still_prompt gating
    sp_p = still_prompt[:, None]
    sp_s = still_prompt[:, None, None]
    attention_change_ids = jnp.where(sp_p, jnp.broadcast_to(jnp.arange(n_drafts, dtype=attention_change_ids.dtype), (n_prompts, n_drafts)), attention_change_ids)
    new_alive_seq = jnp.where(sp_s, alive_seq, new_alive_seq)
    new_alive_log_probs = jnp.where(sp_p, alive_log_probs, new_alive_log_probs)
    new_fin_seq = jnp.where(sp_s, fin_seq, new_fin_seq)
    new_fin_log_probs = jnp.where(sp_p, fin_log_probs, new_fin_log_probs)
    return attention_change_ids

if __name__ == "__main__":
    import jax
    _d = setup_inputs()
    print(jax.jit(kernel)(*tuple(_d.values())))

</pallas_src>

<mosaic_0001>
#map = affine_map<(d0, d1) -> (0, 0)>
#map1 = affine_map<(d0, d1) -> (0, 0, 0)>
module attributes {stable_mosaic.version = 14 : i64} {
  func.func @sc_topk(%arg0: i32, %arg1: i32, %arg2: memref<256x100000xf32, #tpu.memory_space<hbm>>, %arg3: memref<32x8x16xf32, #tpu.memory_space<hbm>>, %arg4: memref<32x8x16xi32, #tpu.memory_space<hbm>>, %arg5: memref<50000xf32, #tpu.memory_space<vmem>>, %arg6: memref<50000xf32, #tpu.memory_space<vmem>>, %arg7: memref<1024xf32, #tpu.memory_space<vmem>>, %arg8: memref<1024xi32, #tpu.memory_space<vmem>>, %arg9: memref<16xf32, #tpu.memory_space<vmem>>, %arg10: memref<16xi32, #tpu.memory_space<vmem>>, %arg11: memref<!tpu.dma_semaphore, #tpu.memory_space<semaphore_mem>>, %arg12: memref<!tpu.dma_semaphore, #tpu.memory_space<semaphore_mem>>) attributes {dimension_semantics = [#tpu.dimension_semantics<core_parallel>, #tpu.dimension_semantics<subcore_parallel>], iteration_bounds = array<i64: 2, 16>, scalar_prefetch = 0 : i64, scratch_operands = 8 : i64, tpu.core_type = #tpu.core_type<sc_vector_subcore>, window_params = [{transform_indices = #map}, {transform_indices = #map1}, {transform_indices = #map1}]} {
    %mul3A = arith.constant 2 : i32
    %mul3A_0 = arith.muli %arg1, %mul3A : i32
    %add3A = arith.addi %mul3A_0, %arg0 : i32
    %iota3A = tpu.iota {dimensions = array<i32: 0>} : vector<16xi32>
    %mul3A_1 = arith.constant 8 : i32
    %mul3A_2 = arith.muli %add3A, %mul3A_1 : i32
    %add3A_3 = arith.constant 0 : i32
    %add3A_4 = arith.addi %mul3A_2, %add3A_3 : i32
    %dma_start3A = arith.constant 0 : i32
    %dma_start3A_5 = tpu.memref_slice %arg2[%add3A_4, %dma_start3A] : memref<256x100000xf32, #tpu.memory_space<hbm>> -> memref<1x50000xf32, #tpu.memory_space<hbm>>
    %dma_start3A_6 = tpu.memref_squeeze %dma_start3A_5 : memref<1x50000xf32, #tpu.memory_space<hbm>> -> memref<50000xf32, #tpu.memory_space<hbm>>
    %dma_start3A_7 = arith.constant 0 : i32
    %dma_start3A_8 = tpu.memref_slice %arg2[%add3A_4, %dma_start3A_7] : memref<256x100000xf32, #tpu.memory_space<hbm>> -> memref<1x50000xf32, #tpu.memory_space<hbm>>
    %dma_start3A_9 = tpu.memref_squeeze %dma_start3A_8 : memref<1x50000xf32, #tpu.memory_space<hbm>> -> memref<50000xf32, #tpu.memory_space<hbm>>
    tpu.enqueue_dma source(%dma_start3A_9 : memref<50000xf32, #tpu.memory_space<hbm>>) target(%arg5 : memref<50000xf32, #tpu.memory_space<vmem>>) target_semaphore(%arg11 : memref<!tpu.dma_semaphore, #tpu.memory_space<semaphore_mem>>)
    %scan3A = arith.constant 0 : i32
    %scan3A_10 = arith.constant 0 : i32
    %scan3A_11 = arith.constant 8 : i32
    %scan3A_12 = arith.addi %scan3A_10, %scan3A_11 : i32
    %scan3A_13 = arith.constant 1 : i32
    %scan3A_14 = scf.for %scan3A_25 = %scan3A_10 to %scan3A_12 step %scan3A_13 iter_args(%scan3A_26 = %scan3A) -> (i32)  : i32 {
      %broadcast_in_dim3A = arith.constant 0.000000e+00 : f32
      %broadcast_in_dim3A_27 = vector.broadcast %broadcast_in_dim3A : f32 to vector<16xf32>
      %broadcast_in_dim3A_28 = arith.constant 0 : i32
      %broadcast_in_dim3A_29 = vector.broadcast %broadcast_in_dim3A_28 : i32 to vector<16xi32>
      %broadcast_in_dim3A_30 = arith.constant 0 : i32
      %broadcast_in_dim3A_31 = vector.broadcast %broadcast_in_dim3A_30 : i32 to vector<16xi32>
      %mul3A_32 = arith.constant 8 : i32
      %mul3A_33 = arith.muli %add3A, %mul3A_32 : i32
      %add3A_34 = arith.addi %mul3A_33, %scan3A_25 : i32
      %dma_wait3A_35 = arith.constant 0 : i32
      %dma_wait3A_36 = tpu.memref_slice %arg2[%add3A_34, %dma_wait3A_35] : memref<256x100000xf32, #tpu.memory_space<hbm>> -> memref<1x50000xf32, #tpu.memory_space<hbm>>
      %dma_wait3A_37 = tpu.memref_squeeze %dma_wait3A_36 : memref<1x50000xf32, #tpu.memory_space<hbm>> -> memref<50000xf32, #tpu.memory_space<hbm>>
      %dma_wait3A_38 = arith.constant 0 : i32
      %dma_wait3A_39 = tpu.memref_slice %arg2[%add3A_34, %dma_wait3A_38] : memref<256x100000xf32, #tpu.memory_space<hbm>> -> memref<1x50000xf32, #tpu.memory_space<hbm>>
      %dma_wait3A_40 = tpu.memref_squeeze %dma_wait3A_39 : memref<1x50000xf32, #tpu.memory_space<hbm>> -> memref<50000xf32, #tpu.memory_space<hbm>>
      tpu.wait_dma2 semaphore(%arg11 : memref<!tpu.dma_semaphore, #tpu.memory_space<semaphore_mem>>) src(%dma_wait3A_40 : memref<50000xf32, #tpu.memory_space<hbm>>) dst(%arg5 : memref<50000xf32, #tpu.memory_space<vmem>>)
      %mul3A_41 = arith.constant 8 : i32
      %mul3A_42 = arith.muli %add3A, %mul3A_41 : i32
      %add3A_43 = arith.addi %mul3A_42, %scan3A_25 : i32
      %dma_start3A_44 = arith.constant 50000 : i32
      %dma_start3A_45 = tpu.memref_slice %arg2[%add3A_43, %dma_start3A_44] : memref<256x100000xf32, #tpu.memory_space<hbm>> -> memref<1x50000xf32, #tpu.memory_space<hbm>>
      %dma_start3A_46 = tpu.memref_squeeze %dma_start3A_45 : memref<1x50000xf32, #tpu.memory_space<hbm>> -> memref<50000xf32, #tpu.memory_space<hbm>>
      %dma_start3A_47 = arith.constant 50000 : i32
      %dma_start3A_48 = tpu.memref_slice %arg2[%add3A_43, %dma_start3A_47] : memref<256x100000xf32, #tpu.memory_space<hbm>> -> memref<1x50000xf32, #tpu.memory_space<hbm>>
      %dma_start3A_49 = tpu.memref_squeeze %dma_start3A_48 : memref<1x50000xf32, #tpu.memory_space<hbm>> -> memref<50000xf32, #tpu.memory_space<hbm>>
      tpu.enqueue_dma source(%dma_start3A_49 : memref<50000xf32, #tpu.memory_space<hbm>>) target(%arg6 : memref<50000xf32, #tpu.memory_space<vmem>>) target_semaphore(%arg12 : memref<!tpu.dma_semaphore, #tpu.memory_space<semaphore_mem>>)
      %get3A = arith.constant 0 : index
      %get3A_50 = tpu.vector_load %arg5[%get3A] {strides = array<i32>} : memref<50000xf32, #tpu.memory_space<vmem>>, vector<16xf32>,
      %add3A_51 = arith.constant 0 : i32
      %add3A_52 = vector.broadcast %add3A_51 : i32 to vector<16xi32>
      %add3A_53 = arith.addi %add3A_52, %iota3A : vector<16xi32>
      %masked_sort3A = arith.constant dense<true> : vector<16xi1>
      %masked_sort3A_54, %masked_sort3A_55, %masked_sort3A_56 = tpu.sort %get3A_50, %add3A_53 masked %masked_sort3A {descending = true} : (vector<16xf32>, vector<16xi32>, vector<16xi1>) -> (vector<16xi1>, vector<16xf32>, vector<16xi32>)
      %gt3A = arith.cmpf ogt, %masked_sort3A_55, %broadcast_in_dim3A_27 : vector<16xf32>
      %select_n3A = arith.select %gt3A, %masked_sort3A_55, %broadcast_in_dim3A_27 : vector<16xi1>, vector<16xf32>
      %select_n3A_57 = arith.select %gt3A, %masked_sort3A_56, %broadcast_in_dim3A_29 : vector<16xi1>, vector<16xi32>
      %masked_sort3A_58 = arith.constant dense<true> : vector<16xi1>
      %masked_sort3A_59, %masked_sort3A_60, %masked_sort3A_61 = tpu.sort %select_n3A, %select_n3A_57 masked %masked_sort3A_58 : (vector<16xf32>, vector<16xi32>, vector<16xi1>) -> (vector<16xi1>, vector<16xf32>, vector<16xi32>)
      %get3A_62 = arith.constant 16 : index
      %get3A_63 = tpu.vector_load %arg5[%get3A_62] {strides = array<i32>} : memref<50000xf32, #tpu.memory_space<vmem>>, vector<16xf32>,
      %add3A_64 = arith.constant 16 : i32
      %add3A_65 = vector.broadcast %add3A_64 : i32 to vector<16xi32>
      %add3A_66 = arith.addi %add3A_65, %iota3A : vector<16xi32>
      %masked_sort3A_67 = arith.constant dense<true> : vector<16xi1>
      %masked_sort3A_68, %masked_sort3A_69, %masked_sort3A_70 = tpu.sort %get3A_63, %add3A_66 masked %masked_sort3A_67 {descending = true} : (vector<16xf32>, vector<16xi32>, vector<16xi1>) -> (vector<16xi1>, vector<16xf32>, vector<16xi32>)
      %gt3A_71 = arith.cmpf ogt, %masked_sort3A_69, %masked_sort3A_60 : vector<16xf32>
      %select_n3A_72 = arith.select %gt3A_71, %masked_sort3A_69, %masked_sort3A_60 : vector<16xi1>, vector<16xf32>
      %select_n3A_73 = arith.select %gt3A_71, %masked_sort3A_70, %masked_sort3A_61 : vector<16xi1>, vector<16xi32>
      %masked_sort3A_74 = arith.constant dense<true> : vector<16xi1>
      %masked_sort3A_75, %masked_sort3A_76, %masked_sort3A_77 = tpu.sort %select_n3A_72, %select_n3A_73 masked %masked_sort3A_74 : (vector<16xf32>, vector<16xi32>, vector<16xi1>) -> (vector<16xi1>, vector<16xf32>, vector<16xi32>)
      %get3A_78 = arith.constant 32 : index
      %get3A_79 = tpu.vector_load %arg5[%get3A_78] {strides = array<i32>} : memref<50000xf32, #tpu.memory_space<vmem>>, vector<16xf32>,
      %add3A_80 = arith.constant 32 : i32
      %add3A_81 = vector.broadcast %add3A_80 : i32 to vector<16xi32>
      %add3A_82 = arith.addi %add3A_81, %iota3A : vector<16xi32>
      %masked_sort3A_83 = arith.constant dense<true> : vector<16xi1>
      %masked_sort3A_84, %masked_sort3A_85, %masked_sort3A_86 = tpu.sort %get3A_79, %add3A_82 masked %masked_sort3A_83 {descending = true} : (vector<16xf32>, vector<16xi32>, vector<16xi1>) -> (vector<16xi1>, vector<16xf32>, vector<16xi32>)
      %gt3A_87 = arith.cmpf ogt, %masked_sort3A_85, %masked_sort3A_76 : vector<16xf32>
      %select_n3A_88 = arith.select %gt3A_87, %masked_sort3A_85, %masked_sort3A_76 : vector<16xi1>, vector<16xf32>
      %select_n3A_89 = arith.select %gt3A_87, %masked_sort3A_86, %masked_sort3A_77 : vector<16xi1>, vector<16xi32>
      %masked_sort3A_90 = arith.constant dense<true> : vector<16xi1>
      %masked_sort3A_91, %masked_sort3A_92, %masked_sort3A_93 = tpu.sort %select_n3A_88, %select_n3A_89 masked %masked_sort3A_90 : (vector<16xf32>, vector<16xi32>, vector<16xi1>) -> (vector<16xi1>, vector<16xf32>, vector<16xi32>)
      %get3A_94 = arith.constant 48 : index
      %get3A_95 = tpu.vector_load %arg5[%get3A_94] {strides = array<i32>} : memref<50000xf32, #tpu.memory_space<vmem>>, vector<16xf32>,
      %add3A_96 = arith.constant 48 : i32
      %add3A_97 = vector.broadcast %add3A_96 : i32 to vector<16xi32>
      %add3A_98 = arith.addi %add3A_97, %iota3A : vector<16xi32>
      %masked_sort3A_99 = arith.constant dense<true> : vector<16xi1>
      %masked_sort3A_100, %masked_sort3A_101, %masked_sort3A_102 = tpu.sort %get3A_95, %add3A_98 masked %masked_sort3A_99 {descending = true} : (vector<16xf32>, vector<16xi32>, vector<16xi1>) -> (vector<16xi1>, vector<16xf32>, vector<16xi32>)
      %gt3A_103 = arith.cmpf ogt, %masked_sort3A_101, %masked_sort3A_92 : vector<16xf32>
      %select_n3A_104 = arith.select %gt3A_103, %masked_sort3A_101, %masked_sort3A_92 : vector<16xi1>, vector<16xf32>
      %select_n3A_105 = arith.select %gt3A_103, %masked_sort3A_102, %masked_sort3A_93 : vector<16xi1>, vector<16xi32>
      %masked_sort3A_106 = arith.constant dense<true> : vector<16xi1>
      %masked_sort3A_107, %masked_sort3A_108, %masked_sort3A_109 = tpu.sort %select_n3A_104, %select_n3A_105 masked %masked_sort3A_106 : (vector<16xf32>, vector<16xi32>, vector<16xi1>) -> (vector<16xi1>, vector<16xf32>, vector<16xi32>)
      %get3A_110 = arith.constant 64 : index
      %get3A_111 = tpu.vector_load %arg5[%get3A_110] {strides = array<i32>} : memref<50000xf32, #tpu.memory_space<vmem>>, vector<16xf32>,
      %add3A_112 = arith.constant 64 : i32
      %add3A_113 = vector.broadcast %add3A_112 : i32 to vector<16xi32>
      %add3A_114 = arith.addi %add3A_113, %iota3A : vector<16xi32>
      %masked_sort3A_115 = arith.constant dense<true> : vector<16xi1>
      %masked_sort3A_116, %masked_sort3A_117, %masked_sort3A_118 = tpu.sort %get3A_111, %add3A_114 masked %masked_sort3A_115 {descending = true} : (vector<16xf32>, vector<16xi32>, vector<16xi1>) -> (vector<16xi1>, vector<16xf32>, vector<16xi32>)
      %gt3A_119 = arith.cmpf ogt, %masked_sort3A_117, %masked_sort3A_108 : vector<16xf32>
      %select_n3A_120 = arith.select %gt3A_119, %masked_sort3A_117, %masked_sort3A_108 : vector<16xi1>, vector<16xf32>
      %select_n3A_121 = arith.select %gt3A_119, %masked_sort3A_118, %masked_sort3A_109 : vector<16xi1>, vector<16xi32>
      %masked_sort3A_122 = arith.constant dense<true> : vector<16xi1>
      %masked_sort3A_123, %masked_sort3A_124, %masked_sort3A_125 = tpu.sort %select_n3A_120, %select_n3A_121 masked %masked_sort3A_122 : (vector<16xf32>, vector<16xi32>, vector<16xi1>) -> (vector<16xi1>, vector<16xf32>, vector<16xi32>)
      %get3A_126 = arith.constant 80 : index
      %get3A_127 = tpu.vector_load %arg5[%get3A_126] {strides = array<i32>} : memref<50000xf32, #tpu.memory_space<vmem>>, vector<16xf32>,
      %add3A_128 = arith.constant 80 : i32
      %add3A_129 = vector.broadcast %add3A_128 : i32 to vector<16xi32>
      %add3A_130 = arith.addi %add3A_129, %iota3A : vector<16xi32>
      %masked_sort3A_131 = arith.constant dense<true> : vector<16xi1>
      %masked_sort3A_132, %masked_sort3A_133, %masked_sort3A_134 = tpu.sort %get3A_127, %add3A_130 masked %masked_sort3A_131 {descending = true} : (vector<16xf32>, vector<16xi32>, vector<16xi1>) -> (vector<16xi1>, vector<16xf32>, vector<16xi32>)
      %gt3A_135 = arith.cmpf ogt, %masked_sort3A_133, %masked_sort3A_124 : vector<16xf32>
      %select_n3A_136 = arith.select %gt3A_135, %masked_sort3A_133, %masked_sort3A_124 : vector<16xi1>, vector<16xf32>
      %select_n3A_137 = arith.select %gt3A_135, %masked_sort3A_134, %masked_sort3A_125 : vector<16xi1>, vector<16xi32>
      %masked_sort3A_138 = arith.constant dense<true> : vector<16xi1>
      %masked_sort3A_139, %masked_sort3A_140, %masked_sort3A_141 = tpu.sort %select_n3A_136, %select_n3A_137 masked %masked_sort3A_138 : (vector<16xf32>, vector<16xi32>, vector<16xi1>) -> (vector<16xi1>, vector<16xf32>, vector<16xi32>)
      %get3A_142 = arith.constant 96 : index
      %get3A_143 = tpu.vector_load %arg5[%get3A_142] {strides = array<i32>} : memref<50000xf32, #tpu.memory_space<vmem>>, vector<16xf32>,
      %add3A_144 = arith.constant 96 : i32
      %add3A_145 = vector.broadcast %add3A_144 : i32 to vector<16xi32>
      %add3A_146 = arith.addi %add3A_145, %iota3A : vector<16xi32>
      %masked_sort3A_147 = arith.constant dense<true> : vector<16xi1>
      %masked_sort3A_148, %masked_sort3A_149, %masked_sort3A_150 = tpu.sort %get3A_143, %add3A_146 masked %masked_sort3A_147 {descending = true} : (vector<16xf32>, vector<16xi32>, vector<16xi1>) -> (vector<16xi1>, vector<16xf32>, vector<16xi32>)
      %gt3A_151 = arith.cmpf ogt, %masked_sort3A_149, %masked_sort3A_140 : vector<16xf32>
      %select_n3A_152 = arith.select %gt3A_151, %masked_sort3A_149, %masked_sort3A_140 : vector<16xi1>, vector<16xf32>
      %select_n3A_153 = arith.select %gt3A_151, %masked_sort3A_150, %masked_sort3A_141 : vector<16xi1>, vector<16xi32>
      %masked_sort3A_154 = arith.constant dense<true> : vector<16xi1>
      %masked_sort3A_155, %masked_sort3A_156, %masked_sort3A_157 = tpu.sort %select_n3A_152, %select_n3A_153 masked %masked_sort3A_154 : (vector<16xf32>, vector<16xi32>, vector<16xi1>) -> (vector<16xi1>, vector<16xf32>, vector<16xi32>)
      %get3A_158 = arith.constant 112 : index
      %get3A_159 = tpu.vector_load %arg5[%get3A_158] {strides = array<i32>} : memref<50000xf32, #tpu.memory_space<vmem>>, vector<16xf32>,
      %add3A_160 = arith.constant 112 : i32
      %add3A_161 = vector.broadcast %add3A_160 : i32 to vector<16xi32>
      %add3A_162 = arith.addi %add3A_161, %iota3A : vector<16xi32>
      %masked_sort3A_163 = arith.constant dense<true> : vector<16xi1>
      %masked_sort3A_164, %masked_sort3A_165, %masked_sort3A_166 = tpu.sort %get3A_159, %add3A_162 masked %masked_sort3A_163 {descending = true} : (vector<16xf32>, vector<16xi32>, vector<16xi1>) -> (vector<16xi1>, vector<16xf32>, vector<16xi32>)
      %gt3A_167 = arith.cmpf ogt, %masked_sort3A_165, %masked_sort3A_156 : vector<16xf32>
      %select_n3A_168 = arith.select %gt3A_167, %masked_sort3A_165, %masked_sort3A_156 : vector<16xi1>, vector<16xf32>
      %select_n3A_169 = arith.select %gt3A_167, %masked_sort3A_166, %masked_sort3A_157 : vector<16xi1>, vector<16xi32>
      %masked_sort3A_170 = arith.constant dense<true> : vector<16xi1>
      %masked_sort3A_171, %masked_sort3A_172, %masked_sort3A_173 = tpu.sort %select_n3A_168, %select_n3A_169 masked %masked_sort3A_170 : (vector<16xf32>, vector<16xi32>, vector<16xi1>) -> (vector<16xi1>, vector<16xf32>, vector<16xi32>)
      %get3A_174 = arith.constant 128 : index
      %get3A_175 = tpu.vector_load %arg5[%get3A_174] {strides = array<i32>} : memref<50000xf32, #tpu.memory_space<vmem>>, vector<16xf32>,
      %add3A_176 = arith.constant 128 : i32
      %add3A_177 = vector.broadcast %add3A_176 : i32 to vector<16xi32>
      %add3A_178 = arith.addi %add3A_177, %iota3A : vector<16xi32>
      %masked_sort3A_179 = arith.constant dense<true> : vector<16xi1>
      %masked_sort3A_180, %masked_sort3A_181, %masked_sort3A_182 = tpu.sort %get3A_175, %add3A_178 masked %masked_sort3A_179 {descending = true} : (vector<16xf32>, vector<16xi32>, vector<16xi1>) -> (vector<16xi1>, vector<16xf32>, vector<16xi32>)
      %gt3A_183 = arith.cmpf ogt, %masked_sort3A_181, %masked_sort3A_172 : vector<16xf32>
      %select_n3A_184 = arith.select %gt3A_183, %masked_sort3A_181, %masked_sort3A_172 : vector<16xi1>, vector<16xf32>
      %select_n3A_185 = arith.select %gt3A_183, %masked_sort3A_182, %masked_sort3A_173 : vector<16xi1>, vector<16xi32>
      %masked_sort3A_186 = arith.constant dense<true> : vector<16xi1>
      %masked_sort3A_187, %masked_sort3A_188, %masked_sort3A_189 = tpu.sort %select_n3A_184, %select_n3A_185 masked %masked_sort3A_186 : (vector<16xf32>, vector<16xi32>, vector<16xi1>) -> (vector<16xi1>, vector<16xf32>, vector<16xi32>)
      %get3A_190 = arith.constant 144 : index
      %get3A_191 = tpu.vector_load %arg5[%get3A_190] {strides = array<i32>} : memref<50000xf32, #tpu.memory_space<vmem>>, vector<16xf32>,
      %add3A_192 = arith.constant 144 : i32
      %add3A_193 = vector.broadcast %add3A_192 : i32 to vector<16xi32>
      %add3A_194 = arith.addi %add3A_193, %iota3A : vector<16xi32>
      %masked_sort3A_195 = arith.constant dense<true> : vector<16xi1>
      %masked_sort3A_196, %masked_sort3A_197, %masked_sort3A_198 = tpu.sort %get3A_191, %add3A_194 masked %masked_sort3A_195 {descending = true} : (vector<16xf32>, vector<16xi32>, vector<16xi1>) -> (vector<16xi1>, vector<16xf32>, vector<16xi32>)
      %gt3A_199 = arith.cmpf ogt, %masked_sort3A_197, %masked_sort3A_188 : vector<16xf32>
      %select_n3A_200 = arith.select %gt3A_199, %masked_sort3A_197, %masked_sort3A_188 : vector<16xi1>, vector<16xf32>
      %select_n3A_201 = arith.select %gt3A_199, %masked_sort3A_198, %masked_sort3A_189 : vector<16xi1>, vector<16xi32>
      %masked_sort3A_202 = arith.constant dense<true> : vector<16xi1>
      %masked_sort3A_203, %masked_sort3A_204, %masked_sort3A_205 = tpu.sort %select_n3A_200, %select_n3A_201 masked %masked_sort3A_202 : (vector<16xf32>, vector<16xi32>, vector<16xi1>) -> (vector<16xi1>, vector<16xf32>, vector<16xi32>)
      %get3A_206 = arith.constant 160 : index
      %get3A_207 = tpu.vector_load %arg5[%get3A_206] {strides = array<i32>} : memref<50000xf32, #tpu.memory_space<vmem>>, vector<16xf32>,
      %add3A_208 = arith.constant 160 : i32
      %add3A_209 = vector.broadcast %add3A_208 : i32 to vector<16xi32>
      %add3A_210 = arith.addi %add3A_209, %iota3A : vector<16xi32>
      %masked_sort3A_211 = arith.constant dense<true> : vector<16xi1>
      %masked_sort3A_212, %masked_sort3A_213, %masked_sort3A_214 = tpu.sort %get3A_207, %add3A_210 masked %masked_sort3A_211 {descending = true} : (vector<16xf32>, vector<16xi32>, vector<16xi1>) -> (vector<16xi1>, vector<16xf32>, vector<16xi32>)
      %gt3A_215 = arith.cmpf ogt, %masked_sort3A_213, %masked_sort3A_204 : vector<16xf32>
      %select_n3A_216 = arith.select %gt3A_215, %masked_sort3A_213, %masked_sort3A_204 : vector<16xi1>, vector<16xf32>
      %select_n3A_217 = arith.select %gt3A_215, %masked_sort3A_214, %masked_sort3A_205 : vector<16xi1>, vector<16xi32>
      %masked_sort3A_218 = arith.constant dense<true> : vector<16xi1>
      %masked_sort3A_219, %masked_sort3A_220, %masked_sort3A_221 = tpu.sort %select_n3A_216, %select_n3A_217 masked %masked_sort3A_218 : (vector<16xf32>, vector<16xi32>, vector<16xi1>) -> (vector<16xi1>, vector<16xf32>, vector<16xi32>)
      %get3A_222 = arith.constant 176 : index
      %get3A_223 = tpu.vector_load %arg5[%get3A_222] {strides = array<i32>} : memref<50000xf32, #tpu.memory_space<vmem>>, vector<16xf32>,
      %add3A_224 = arith.constant 176 : i32
      %add3A_225 = vector.broadcast %add3A_224 : i32 to vector<16xi32>
      %add3A_226 = arith.addi %add3A_225, %iota3A : vector<16xi32>
      %masked_sort3A_227 = arith.constant dense<true> : vector<16xi1>
      %masked_sort3A_228, %masked_sort3A_229, %masked_sort3A_230 = tpu.sort %get3A_223, %add3A_226 masked %masked_sort3A_227 {descending = true} : (vector<16xf32>, vector<16xi32>, vector<16xi1>) -> (vector<16xi1>, vector<16xf32>, vector<16xi32>)
      %gt3A_231 = arith.cmpf ogt, %masked_sort3A_229, %masked_sort3A_220 : vector<16xf32>
      %select_n3A_232 = arith.select %gt3A_231, %masked_sort3A_229, %masked_sort3A_220 : vector<16xi1>, vector<16xf32>
      %select_n3A_233 = arith.select %gt3A_231, %masked_sort3A_230, %masked_sort3A_221 : vector<16xi1>, vector<16xi32>
      %masked_sort3A_234 = arith.constant dense<true> : vector<16xi1>
      %masked_sort3A_235, %masked_sort3A_236, %masked_sort3A_237 = tpu.sort %select_n3A_232, %select_n3A_233 masked %masked_sort3A_234 : (vector<16xf32>, vector<16xi32>, vector<16xi1>) -> (vector<16xi1>, vector<16xf32>, vector<16xi32>)
      %get3A_238 = arith.constant 192 : index
      %get3A_239 = tpu.vector_load %arg5[%get3A_238] {strides = array<i32>} : memref<50000xf32, #tpu.memory_space<vmem>>, vector<16xf32>,
      %add3A_240 = arith.constant 192 : i32
      %add3A_241 = vector.broadcast %add3A_240 : i32 to vector<16xi32>
      %add3A_242 = arith.addi %add3A_241, %iota3A : vector<16xi32>
      %masked_sort3A_243 = arith.constant dense<true> : vector<16xi1>
      %masked_sort3A_244, %masked_sort3A_245, %masked_sort3A_246 = tpu.sort %get3A_239, %add3A_242 masked %masked_sort3A_243 {descending = true} : (vector<16xf32>, vector<16xi32>, vector<16xi1>) -> (vector<16xi1>, vector<16xf32>, vector<16xi32>)
      %gt3A_247 = arith.cmpf ogt, %masked_sort3A_245, %masked_sort3A_236 : vector<16xf32>
      %select_n3A_248 = arith.select %gt3A_247, %masked_sort3A_245, %masked_sort3A_236 : vector<16xi1>, vector<16xf32>
      %select_n3A_249 = arith.select %gt3A_247, %masked_sort3A_246, %masked_sort3A_237 : vector<16xi1>, vector<16xi32>
      %masked_sort3A_250 = arith.constant dense<true> : vector<16xi1>
      %masked_sort3A_251, %masked_sort3A_252, %masked_sort3A_253 = tpu.sort %select_n3A_248, %select_n3A_249 masked %masked_sort3A_250 : (vector<16xf32>, vector<16xi32>, vector<16xi1>) -> (vector<16xi1>, vector<16xf32>, vector<16xi32>)
      %get3A_254 = arith.constant 208 : index
      %get3A_255 = tpu.vector_load %arg5[%get3A_254] {strides = array<i32>} : memref<50000xf32, #tpu.memory_space<vmem>>, vector<16xf32>,
      %add3A_256 = arith.constant 208 : i32
      %add3A_257 = vector.broadcast %add3A_256 : i32 to vector<16xi32>
      %add3A_258 = arith.addi %add3A_257, %iota3A : vector<16xi32>
      %masked_sort3A_259 = arith.constant dense<true> : vector<16xi1>
      %masked_sort3A_260, %masked_sort3A_261, %masked_sort3A_262 = tpu.sort %get3A_255, %add3A_258 masked %masked_sort3A_259 {descending = true} : (vector<16xf32>, vector<16xi32>, vector<16xi1>) -> (vector<16xi1>, vector<16xf32>, vector<16xi32>)
      %gt3A_263 = arith.cmpf ogt, %masked_sort3A_261, %masked_sort3A_252 : vector<16xf32>
      %select_n3A_264 = arith.select %gt3A_263, %masked_sort3A_261, %masked_sort3A_252 : vector<16xi1>, vector<16xf32>
      %select_n3A_265 = arith.select %gt3A_263, %masked_sort3A_262, %masked_sort3A_253 : vector<16xi1>, vector<16xi32>
      %masked_sort3A_266 = arith.constant dense<true> : vector<16xi1>
      %masked_sort3A_267, %masked_sort3A_268, %masked_sort3A_269 = tpu.sort %select_n3A_264, %select_n3A_265 masked %masked_sort3A_266 : (vector<16xf32>, vector<16xi32>, vector<16xi1>) -> (vector<16xi1>, vector<16xf32>, vector<16xi32>)
      %get3A_270 = arith.constant 224 : index
      %get3A_271 = tpu.vector_load %arg5[%get3A_270] {strides = array<i32>} : memref<50000xf32, #tpu.memory_space<vmem>>, vector<16xf32>,
      %add3A_272 = arith.constant 224 : i32
      %add3A_273 = vector.broadcast %add3A_272 : i32 to vector<16xi32>
      %add3A_274 = arith.addi %add3A_273, %iota3A : vector<16xi32>
      %masked_sort3A_275 = arith.constant dense<true> : vector<16xi1>
      %masked_sort3A_276, %masked_sort3A_277, %masked_sort3A_278 = tpu.sort %get3A_271, %add3A_274 masked %masked_sort3A_275 {descending = true} : (vector<16xf32>, vector<16xi32>, vector<16xi1>) -> (vector<16xi1>, vector<16xf32>, vector<16xi32>)
      %gt3A_279 = arith.cmpf ogt, %masked_sort3A_277, %masked_sort3A_268 : vector<16xf32>
      %select_n3A_280 = arith.select %gt3A_279, %masked_sort3A_277, %masked_sort3A_268 : vector<16xi1>, vector<16xf32>
      %select_n3A_281 = arith.select %gt3A_279, %masked_sort3A_278, %masked_sort3A_269 : vector<16xi1>, vector<16xi32>
      %masked_sort3A_282 = arith.constant dense<true> : vector<16xi1>
      %masked_sort3A_283, %masked_sort3A_284, %masked_sort3A_285 = tpu.sort %select_n3A_280, %select_n3A_281 masked %masked_sort3A_282 : (vector<16xf32>, vector<16xi32>, vector<16xi1>) -> (vector<16xi1>, vector<16xf32>, vector<16xi32>)
      %get3A_286 = arith.constant 240 : index
      %get3A_287 = tpu.vector_load %arg5[%get3A_286] {strides = array<i32>} : memref<50000xf32, #tpu.memory_space<vmem>>, vector<16xf32>,
      %add3A_288 = arith.constant 240 : i32
      %add3A_289 = vector.broadcast %add3A_288 : i32 to vector<16xi32>
      %add3A_290 = arith.addi %add3A_289, %iota3A : vector<16xi32>
      %masked_sort3A_291 = arith.constant dense<true> : vector<16xi1>
      %masked_sort3A_292, %masked_sort3A_293, %masked_sort3A_294 = tpu.sort %get3A_287, %add3A_290 masked %masked_sort3A_291 {descending = true} : (vector<16xf32>, vector<16xi32>, vector<16xi1>) -> (vector<16xi1>, vector<16xf32>, vector<16xi32>)
      %gt3A_295 = arith.cmpf ogt, %masked_sort3A_293, %masked_sort3A_284 : vector<16xf32>
      %select_n3A_296 = arith.select %gt3A_295, %masked_sort3A_293, %masked_sort3A_284 : vector<16xi1>, vector<16xf32>
      %select_n3A_297 = arith.select %gt3A_295, %masked_sort3A_294, %masked_sort3A_285 : vector<16xi1>, vector<16xi32>
      %masked_sort3A_298 = arith.constant dense<true> : vector<16xi1>
      %masked_sort3A_299, %masked_sort3A_300, %masked_sort3A_301 = tpu.sort %select_n3A_296, %select_n3A_297 masked %masked_sort3A_298 : (vector<16xf32>, vector<16xi32>, vector<16xi1>) -> (vector<16xi1>, vector<16xf32>, vector<16xi32>)
      %get3A_302 = arith.constant 256 : index
      %get3A_303 = tpu.vector_load %arg5[%get3A_302] {strides = array<i32>} : memref<50000xf32, #tpu.memory_space<vmem>>, vector<16xf32>,
      %add3A_304 = arith.constant 256 : i32
      %add3A_305 = vector.broadcast %add3A_304 : i32 to vector<16xi32>
      %add3A_306 = arith.addi %add3A_305, %iota3A : vector<16xi32>
      %masked_sort3A_307 = arith.constant dense<true> : vector<16xi1>
      %masked_sort3A_308, %masked_sort3A_309, %masked_sort3A_310 = tpu.sort %get3A_303, %add3A_306 masked %masked_sort3A_307 {descending = true} : (vector<16xf32>, vector<16xi32>, vector<16xi1>) -> (vector<16xi1>, vector<16xf32>, vector<16xi32>)
      %gt3A_311 = arith.cmpf ogt, %masked_sort3A_309, %masked_sort3A_300 : vector<16xf32>
      %select_n3A_312 = arith.select %gt3A_311, %masked_sort3A_309, %masked_sort3A_300 : vector<16xi1>, vector<16xf32>
      %select_n3A_313 = arith.select %gt3A_311, %masked_sort3A_310, %masked_sort3A_301 : vector<16xi1>, vector<16xi32>
      %masked_sort3A_314 = arith.constant dense<true> : vector<16xi1>
      %masked_sort3A_315, %masked_sort3A_316, %masked_sort3A_317 = tpu.sort %select_n3A_312, %select_n3A_313 masked %masked_sort3A_314 : (vector<16xf32>, vector<16xi32>, vector<16xi1>) -> (vector<16xi1>, vector<16xf32>, vector<16xi32>)
      %get3A_318 = arith.constant 272 : index
      %get3A_319 = tpu.vector_load %arg5[%get3A_318] {strides = array<i32>} : memref<50000xf32, #tpu.memory_space<vmem>>, vector<16xf32>,
      %add3A_320 = arith.constant 272 : i32
      %add3A_321 = vector.broadcast %add3A_320 : i32 to vector<16xi32>
      %add3A_322 = arith.addi %add3A_321, %iota3A : vector<16xi32>
      %masked_sort3A_323 = arith.constant dense<true> : vector<16xi1>
      %masked_sort3A_324, %masked_sort3A_325, %masked_sort3A_326 = tpu.sort %get3A_319, %add3A_322 masked %masked_sort3A_323 {descending = true} : (vector<16xf32>, vector<16xi32>, vector<16xi1>) -> (vector<16xi1>, vector<16xf32>, vector<16xi32>)
      %gt3A_327 = arith.cmpf ogt, %masked_sort3A_325, %masked_sort3A_316 : vector<16xf32>
      %select_n3A_328 = arith.select %gt3A_327, %masked_sort3A_325, %masked_sort3A_316 : vector<16xi1>, vector<16xf32>
      %select_n3A_329 = arith.select %gt3A_327, %masked_sort3A_326, %masked_sort3A_317 : vector<16xi1>, vector<16xi32>
      %masked_sort3A_330 = arith.constant dense<true> : vector<16xi1>
      %masked_sort3A_331, %masked_sort3A_332, %masked_sort3A_333 = tpu.sort %select_n3A_328, %select_n3A_329 masked %masked_sort3A_330 : (vector<16xf32>, vector<16xi32>, vector<16xi1>) -> (vector<16xi1>, vector<16xf32>, vector<16xi32>)
      %get3A_334 = arith.constant 288 : index
      %get3A_335 = tpu.vector_load %arg5[%get3A_334] {strides = array<i32>} : memref<50000xf32, #tpu.memory_space<vmem>>, vector<16xf32>,
      %add3A_336 = arith.constant 288 : i32
      %add3A_337 = vector.broadcast %add3A_336 : i32 to vector<16xi32>
      %add3A_338 = arith.addi %add3A_337, %iota3A : vector<16xi32>
      %masked_sort3A_339 = arith.constant dense<true> : vector<16xi1>
      %masked_sort3A_340, %masked_sort3A_341, %masked_sort3A_342 = tpu.sort %get3A_335, %add3A_338 masked %masked_sort3A_339 {descending = true} : (vector<16xf32>, vector<16xi32>, vector<16xi1>) -> (vector<16xi1>, vector<16xf32>, vector<16xi32>)
      %gt3A_343 = arith.cmpf ogt, %masked_sort3A_341, %masked_sort3A_332 : vector<16xf32>
      %select_n3A_344 = arith.select %gt3A_343, %masked_sort3A_341, %masked_sort3A_332 : vector<16xi1>, vector<16xf32>
      %select_n3A_345 = arith.select %gt3A_343, %masked_sort3A_342, %masked_sort3A_333 : vector<16xi1>, vector<16xi32>
      %masked_sort3A_346 = arith.constant dense<true> : vector<16xi1>
      %masked_sort3A_347, %masked_sort3A_348, %masked_sort3A_349 = tpu.sort %select_n3A_344, %select_n3A_345 masked %masked_sort3A_346 : (vector<16xf32>, vector<16xi32>, vector<16xi1>) -> (vector<16xi1>, vector<16xf32>, vector<16xi32>)
      %get3A_350 = arith.constant 304 : index
      %get3A_351 = tpu.vector_load %arg5[%get3A_350] {strides = array<i32>} : memref<50000xf32, #tpu.memory_space<vmem>>, vector<16xf32>,
      %add3A_352 = arith.constant 304 : i32
      %add3A_353 = vector.broadcast %add3A_352 : i32 to vector<16xi32>
      %add3A_354 = arith.addi %add3A_353, %iota3A : vector<16xi32>
      %masked_sort3A_355 = arith.constant dense<true> : vector<16xi1>
      %masked_sort3A_356, %masked_sort3A_357, %masked_sort3A_358 = tpu.sort %get3A_351, %add3A_354 masked %masked_sort3A_355 {descending = true} : (vector<16xf32>, vector<16xi32>, vector<16xi1>) -> (vector<16xi1>, vector<16xf32>, vector<16xi32>)
      %gt3A_359 = arith.cmpf ogt, %masked_sort3A_357, %masked_sort3A_348 : vector<16xf32>
      %select_n3A_360 = arith.select %gt3A_359, %masked_sort3A_357, %masked_sort3A_348 : vector<16xi1>, vector<16xf32>
      %select_n3A_361 = arith.select %gt3A_359, %masked_sort3A_358, %masked_sort3A_349 : vector<16xi1>, vector<16xi32>
      %masked_sort3A_362 = arith.constant dense<true> : vector<16xi1>
      %masked_sort3A_363, %masked_sort3A_364, %masked_sort3A_365 = tpu.sort %select_n3A_360, %select_n3A_361 masked %masked_sort3A_362 : (vector<16xf32>, vector<16xi32>, vector<16xi1>) -> (vector<16xi1>, vector<16xf32>, vector<16xi32>)
      %get3A_366 = arith.constant 320 : index
      %get3A_367 = tpu.vector_load %arg5[%get3A_366] {strides = array<i32>} : memref<50000xf32, #tpu.memory_space<vmem>>, vector<16xf32>,
      %add3A_368 = arith.constant 320 : i32
      %add3A_369 = vector.broadcast %add3A_368 : i32 to vector<16xi32>
      %add3A_370 = arith.addi %add3A_369, %iota3A : vector<16xi32>
      %masked_sort3A_371 = arith.constant dense<true> : vector<16xi1>
      %masked_sort3A_372, %masked_sort3A_373, %masked_sort3A_374 = tpu.sort %get3A_367, %add3A_370 masked %masked_sort3A_371 {descending = true} : (vector<16xf32>, vector<16xi32>, vector<16xi1>) -> (vector<16xi1>, vector<16xf32>, vector<16xi32>)
      %gt3A_375 = arith.cmpf ogt, %masked_sort3A_373, %masked_sort3A_364 : vector<16xf32>
      %select_n3A_376 = arith.select %gt3A_375, %masked_sort3A_373, %masked_sort3A_364 : vector<16xi1>, vector<16xf32>
      %select_n3A_377 = arith.select %gt3A_375, %masked_sort3A_374, %masked_sort3A_365 : vector<16xi1>, vector<16xi32>
      %masked_sort3A_378 = arith.constant dense<true> : vector<16xi1>
      %masked_sort3A_379, %masked_sort3A_380, %masked_sort3A_381 = tpu.sort %select_n3A_376, %select_n3A_377 masked %masked_sort3A_378 : (vector<16xf32>, vector<16xi32>, vector<16xi1>) -> (vector<16xi1>, vector<16xf32>, vector<16xi32>)
      %get3A_382 = arith.constant 336 : index
      %get3A_383 = tpu.vector_load %arg5[%get3A_382] {strides = array<i32>} : memref<50000xf32, #tpu.memory_space<vmem>>, vector<16xf32>,
      %add3A_384 = arith.constant 336 : i32
      %add3A_385 = vector.broadcast %add3A_384 : i32 to vector<16xi32>
      %add3A_386 = arith.addi %add3A_385, %iota3A : vector<16xi32>
      %masked_sort3A_387 = arith.constant dense<true> : vector<16xi1>
      %masked_sort3A_388, %masked_sort3A_389, %masked_sort3A_390 = tpu.sort %get3A_383, %add3A_386 masked %masked_sort3A_387 {descending = true} : (vector<16xf32>, vector<16xi32>, vector<16xi1>) -> (vector<16xi1>, vector<16xf32>, vector<16xi32>)
      %gt3A_391 = arith.cmpf ogt, %masked_sort3A_389, %masked_sort3A_380 : vector<16xf32>
      %select_n3A_392 = arith.select %gt3A_391, %masked_sort3A_389, %masked_sort3A_380 : vector<16xi1>, vector<16xf32>
      %select_n3A_393 = arith.select %gt3A_391, %masked_sort3A_390, %masked_sort3A_381 : vector<16xi1>, vector<16xi32>
      %masked_sort3A_394 = arith.constant dense<true> : vector<16xi1>
      %masked_sort3A_395, %masked_sort3A_396, %masked_sort3A_397 = tpu.sort %select_n3A_392, %select_n3A_393 masked %masked_sort3A_394 : (vector<16xf32>, vector<16xi32>, vector<16xi1>) -> (vector<16xi1>, vector<16xf32>, vector<16xi32>)
      %get3A_398 = arith.constant 352 : index
      %get3A_399 = tpu.vector_load %arg5[%get3A_398] {strides = array<i32>} : memref<50000xf32, #tpu.memory_space<vmem>>, vector<16xf32>,
      %add3A_400 = arith.constant 352 : i32
      %add3A_401 = vector.broadcast %add3A_400 : i32 to vector<16xi32>
      %add3A_402 = arith.addi %add3A_401, %iota3A : vector<16xi32>
      %masked_sort3A_403 = arith.constant dense<true> : vector<16xi1>
      %masked_sort3A_404, %masked_sort3A_405, %masked_sort3A_406 = tpu.sort %get3A_399, %add3A_402 masked %masked_sort3A_403 {descending = true} : (vector<16xf32>, vector<16xi32>, vector<16xi1>) -> (vector<16xi1>, vector<16xf32>, vector<16xi32>)
      %gt3A_407 = arith.cmpf ogt, %masked_sort3A_405, %masked_sort3A_396 : vector<16xf32>
      %select_n3A_408 = arith.select %gt3A_407, %masked_sort3A_405, %masked_sort3A_396 : vector<16xi1>, vector<16xf32>
      %select_n3A_409 = arith.select %gt3A_407, %masked_sort3A_406, %masked_sort3A_397 : vector<16xi1>, vector<16xi32>
      %masked_sort3A_410 = arith.constant dense<true> : vector<16xi1>
      %masked_sort3A_411, %masked_sort3A_412, %masked_sort3A_413 = tpu.sort %select_n3A_408, %select_n3A_409 masked %masked_sort3A_410 : (vector<16xf32>, vector<16xi32>, vector<16xi1>) -> (vector<16xi1>, vector<16xf32>, vector<16xi32>)
      %get3A_414 = arith.constant 368 : index
      %get3A_415 = tpu.vector_load %arg5[%get3A_414] {strides = array<i32>} : memref<50000xf32, #tpu.memory_space<vmem>>, vector<16xf32>,
      %add3A_416 = arith.constant 368 : i32
      %add3A_417 = vector.broadcast %add3A_416 : i32 to vector<16xi32>
      %add3A_418 = arith.addi %add3A_417, %iota3A : vector<16xi32>
      %masked_sort3A_419 = arith.constant dense<true> : vector<16xi1>
      %masked_sort3A_420, %masked_sort3A_421, %masked_sort3A_422 = tpu.sort %get3A_415, %add3A_418 masked %masked_sort3A_419 {descending = true} : (vector<16xf32>, vector<16xi32>, vector<16xi1>) -> (vector<16xi1>, vector<16xf32>, vector<16xi32>)
      %gt3A_423 = arith.cmpf ogt, %masked_sort3A_421, %masked_sort3A_412 : vector<16xf32>
      %select_n3A_424 = arith.select %gt3A_423, %masked_sort3A_421, %masked_sort3A_412 : vector<16xi1>, vector<16xf32>
      %select_n3A_425 = arith.select %gt3A_423, %masked_sort3A_422, %masked_sort3A_413 : vector<16xi1>, vector<16xi32>
      %masked_sort3A_426 = arith.constant dense<true> : vector<16xi1>
      %masked_sort3A_427, %masked_sort3A_428, %masked_sort3A_429 = tpu.sort %select_n3A_424, %select_n3A_425 masked %masked_sort3A_426 : (vector<16xf32>, vector<16xi32>, vector<16xi1>) -> (vector<16xi1>, vector<16xf32>, vector<16xi32>)
      %get3A_430 = arith.constant 384 : index
      %get3A_431 = tpu.vector_load %arg5[%get3A_430] {strides = array<i32>} : memref<50000xf32, #tpu.memory_space<vmem>>, vector<16xf32>,
      %add3A_432 = arith.constant 384 : i32
      %add3A_433 = vector.broadcast %add3A_432 : i32 to vector<16xi32>
      %add3A_434 = arith.addi %add3A_433, %iota3A : vector<16xi32>
      %masked_sort3A_435 = arith.constant dense<true> : vector<16xi1>
      %masked_sort3A_436, %masked_sort3A_437, %masked_sort3A_438 = tpu.sort %get3A_431, %add3A_434 masked %masked_sort3A_435 {descending = true} : (vector<16xf32>, vector<16xi32>, vector<16xi1>) -> (vector<16xi1>, vector<16xf32>, vector<16xi32>)
      %gt3A_439 = arith.cmpf ogt, %masked_sort3A_437, %masked_sort3A_428 : vector<16xf32>
      %select_n3A_440 = arith.select %gt3A_439, %masked_sort3A_437, %masked_sort3A_428 : vector<16xi1>, vector<16xf32>
      %select_n3A_441 = arith.select %gt3A_439, %masked_sort3A_438, %masked_sort3A_429 : vector<16xi1>, vector<16xi32>
      %masked_sort3A_442 = arith.constant dense<true> : vector<16xi1>
      %masked_sort3A_443, %masked_sort3A_444, %masked_sort3A_445 = tpu.sort %select_n3A_440, %select_n3A_441 masked %masked_sort3A_442 : (vector<16xf32>, vector<16xi32>, vector<16xi1>) -> (vector<16xi1>, vector<16xf32>, vector<16xi32>)
      %get3A_446 = arith.constant 400 : index
      %get3A_447 = tpu.vector_load %arg5[%get3A_446] {strides = array<i32>} : memref<50000xf32, #tpu.memory_space<vmem>>, vector<16xf32>,
      %add3A_448 = arith.constant 400 : i32
      %add3A_449 = vector.broadcast %add3A_448 : i32 to vector<16xi32>
      %add3A_450 = arith.addi %add3A_449, %iota3A : vector<16xi32>
      %masked_sort3A_451 = arith.constant dense<true> : vector<16xi1>
      %masked_sort3A_452, %masked_sort3A_453, %masked_sort3A_454 = tpu.sort %get3A_447, %add3A_450 masked %masked_sort3A_451 {descending = true} : (vector<16xf32>, vector<16xi32>, vector<16xi1>) -> (vector<16xi1>, vector<16xf32>, vector<16xi32>)
      %gt3A_455 = arith.cmpf ogt, %masked_sort3A_453, %masked_sort3A_444 : vector<16xf32>
      %select_n3A_456 = arith.select %gt3A_455, %masked_sort3A_453, %masked_sort3A_444 : vector<16xi1>, vector<16xf32>
      %select_n3A_457 = arith.select %gt3A_455, %masked_sort3A_454, %masked_sort3A_445 : vector<16xi1>, vector<16xi32>
      %masked_sort3A_458 = arith.constant dense<true> : vector<16xi1>
      %masked_sort3A_459, %masked_sort3A_460, %masked_sort3A_461 = tpu.sort %select_n3A_456, %select_n3A_457 masked %masked_sort3A_458 : (vector<16xf32>, vector<16xi32>, vector<16xi1>) -> (vector<16xi1>, vector<16xf32>, vector<16xi32>)
      %get3A_462 = arith.constant 416 : index
      %get3A_463 = tpu.vector_load %arg5[%get3A_462] {strides = array<i32>} : memref<50000xf32, #tpu.memory_space<vmem>>, vector<16xf32>,
      %add3A_464 = arith.constant 416 : i32
      %add3A_465 = vector.broadcast %add3A_464 : i32 to vector<16xi32>
      %add3A_466 = arith.addi %add3A_465, %iota3A : vector<16xi32>
      %masked_sort3A_467 = arith.constant dense<true> : vector<16xi1>
      %masked_sort3A_468, %masked_sort3A_469, %masked_sort3A_470 = tpu.sort %get3A_463, %add3A_466 masked %masked_sort3A_467 {descending = true} : (vector<16xf32>, vector<16xi32>, vector<16xi1>) -> (vector<16xi1>, vector<16xf32>, vector<16xi32>)
      %gt3A_471 = arith.cmpf ogt, %masked_sort3A_469, %masked_sort3A_460 : vector<16xf32>
      %select_n3A_472 = arith.select %gt3A_471, %masked_sort3A_469, %masked_sort3A_460 : vector<16xi1>, vector<16xf32>
      %select_n3A_473 = arith.select %gt3A_471, %masked_sort3A_470, %masked_sort3A_461 : vector<16xi1>, vector<16xi32>
      %masked_sort3A_474 = arith.constant dense<true> : vector<16xi1>
      %masked_sort3A_475, %masked_sort3A_476, %masked_sort3A_477 = tpu.sort %select_n3A_472, %select_n3A_473 masked %masked_sort3A_474 : (vector<16xf32>, vector<16xi32>, vector<16xi1>) -> (vector<16xi1>, vector<16xf32>, vector<16xi32>)
      %get3A_478 = arith.constant 432 : index
      %get3A_479 = tpu.vector_load %arg5[%get3A_478] {strides = array<i32>} : memref<50000xf32, #tpu.memory_space<vmem>>, vector<16xf32>,
      %add3A_480 = arith.constant 432 : i32
      %add3A_481 = vector.broadcast %add3A_480 : i32 to vector<16xi32>
      %add3A_482 = arith.addi %add3A_481, %iota3A : vector<16xi32>
      %masked_sort3A_483 = arith.constant dense<true> : vector<16xi1>
      %masked_sort3A_484, %masked_sort3A_485, %masked_sort3A_486 = tpu.sort %get3A_479, %add3A_482 masked %masked_sort3A_483 {descending = true} : (vector<16xf32>, vector<16xi32>, vector<16xi1>) -> (vector<16xi1>, vector<16xf32>, vector<16xi32>)
      %gt3A_487 = arith.cmpf ogt, %masked_sort3A_485, %masked_sort3A_476 : vector<16xf32>
      %select_n3A_488 = arith.select %gt3A_487, %masked_sort3A_485, %masked_sort3A_476 : vector<16xi1>, vector<16xf32>
      %select_n3A_489 = arith.select %gt3A_487, %masked_sort3A_486, %masked_sort3A_477 : vector<16xi1>, vector<16xi32>
      %masked_sort3A_490 = arith.constant dense<true> : vector<16xi1>
      %masked_sort3A_491, %masked_sort3A_492, %masked_sort3A_493 = tpu.sort %select_n3A_488, %select_n3A_489 masked %masked_sort3A_490 : (vector<16xf32>, vector<16xi32>, vector<16xi1>) -> (vector<16xi1>, vector<16xf32>, vector<16xi32>)
      %get3A_494 = arith.constant 448 : index
      %get3A_495 = tpu.vector_load %arg5[%get3A_494] {strides = array<i32>} : memref<50000xf32, #tpu.memory_space<vmem>>, vector<16xf32>,
      %add3A_496 = arith.constant 448 : i32
      %add3A_497 = vector.broadcast %add3A_496 : i32 to vector<16xi32>
      %add3A_498 = arith.addi %add3A_497, %iota3A : vector<16xi32>
      %masked_sort3A_499 = arith.constant dense<true> : vector<16xi1>
      %masked_sort3A_500, %masked_sort3A_501, %masked_sort3A_502 = tpu.sort %get3A_495, %add3A_498 masked %masked_sort3A_499 {descending = true} : (vector<16xf32>, vector<16xi32>, vector<16xi1>) -> (vector<16xi1>, vector<16xf32>, vector<16xi32>)
      %gt3A_503 = arith.cmpf ogt, %masked_sort3A_501, %masked_sort3A_492 : vector<16xf32>
      %select_n3A_504 = arith.select %gt3A_503, %masked_sort3A_501, %masked_sort3A_492 : vector<16xi1>, vector<16xf32>
      %select_n3A_505 = arith.select %gt3A_503, %masked_sort3A_502, %masked_sort3A_493 : vector<16xi1>, vector<16xi32>
      %masked_sort3A_506 = arith.constant dense<true> : vector<16xi1>
      %masked_sort3A_507, %masked_sort3A_508, %masked_sort3A_509 = tpu.sort %select_n3A_504, %select_n3A_505 masked %masked_sort3A_506 : (vector<16xf32>, vector<16xi32>, vector<16xi1>) -> (vector<16xi1>, vector<16xf32>, vector<16xi32>)
      %get3A_510 = arith.constant 464 : index
      %get3A_511 = tpu.vector_load %arg5[%get3A_510] {strides = array<i32>} : memref<50000xf32, #tpu.memory_space<vmem>>, vector<16xf32>,
      %add3A_512 = arith.constant 464 : i32
      %add3A_513 = vector.broadcast %add3A_512 : i32 to vector<16xi32>
      %add3A_514 = arith.addi %add3A_513, %iota3A : vector<16xi32>
      %masked_sort3A_515 = arith.constant dense<true> : vector<16xi1>
      %masked_sort3A_516, %masked_sort3A_517, %masked_sort3A_518 = tpu.sort %get3A_511, %add3A_514 masked %masked_sort3A_515 {descending = true} : (vector<16xf32>, vector<16xi32>, vector<16xi1>) -> (vector<16xi1>, vector<16xf32>, vector<16xi32>)
      %gt3A_519 = arith.cmpf ogt, %masked_sort3A_517, %masked_sort3A_508 : vector<16xf32>
      %select_n3A_520 = arith.select %gt3A_519, %masked_sort3A_517, %masked_sort3A_508 : vector<16xi1>, vector<16xf32>
      %select_n3A_521 = arith.select %gt3A_519, %masked_sort3A_518, %masked_sort3A_509 : vector<16xi1>, vector<16xi32>
      %masked_sort3A_522 = arith.constant dense<true> : vector<16xi1>
      %masked_sort3A_523, %masked_sort3A_524, %masked_sort3A_525 = tpu.sort %select_n3A_520, %select_n3A_521 masked %masked_sort3A_522 : (vector<16xf32>, vector<16xi32>, vector<16xi1>) -> (vector<16xi1>, vector<16xf32>, vector<16xi32>)
      %get3A_526 = arith.constant 480 : index
      %get3A_527 = tpu.vector_load %arg5[%get3A_526] {strides = array<i32>} : memref<50000xf32, #tpu.memory_space<vmem>>, vector<16xf32>,
      %add3A_528 = arith.constant 480 : i32
      %add3A_529 = vector.broadcast %add3A_528 : i32 to vector<16xi32>
      %add3A_530 = arith.addi %add3A_529, %iota3A : vector<16xi32>
      %masked_sort3A_531 = arith.constant dense<true> : vector<16xi1>
      %masked_sort3A_532, %masked_sort3A_533, %masked_sort3A_534 = tpu.sort %get3A_527, %add3A_530 masked %masked_sort3A_531 {descending = true} : (vector<16xf32>, vector<16xi32>, vector<16xi1>) -> (vector<16xi1>, vector<16xf32>, vector<16xi32>)
      %gt3A_535 = arith.cmpf ogt, %masked_sort3A_533, %masked_sort3A_524 : vector<16xf32>
      %select_n3A_536 = arith.select %gt3A_535, %masked_sort3A_533, %masked_sort3A_524 : vector<16xi1>, vector<16xf32>
      %select_n3A_537 = arith.select %gt3A_535, %masked_sort3A_534, %masked_sort3A_525 : vector<16xi1>, vector<16xi32>
      %masked_sort3A_538 = arith.constant dense<true> : vector<16xi1>
      %masked_sort3A_539, %masked_sort3A_540, %masked_sort3A_541 = tpu.sort %select_n3A_536, %select_n3A_537 masked %masked_sort3A_538 : (vector<16xf32>, vector<16xi32>, vector<16xi1>) -> (vector<16xi1>, vector<16xf32>, vector<16xi32>)
      %get3A_542 = arith.constant 496 : index
      %get3A_543 = tpu.vector_load %arg5[%get3A_542] {strides = array<i32>} : memref<50000xf32, #tpu.memory_space<vmem>>, vector<16xf32>,
      %add3A_544 = arith.constant 496 : i32
      %add3A_545 = vector.broadcast %add3A_544 : i32 to vector<16xi32>
      %add3A_546 = arith.addi %add3A_545, %iota3A : vector<16xi32>
      %masked_sort3A_547 = arith.constant dense<true> : vector<16xi1>
      %masked_sort3A_548, %masked_sort3A_549, %masked_sort3A_550 = tpu.sort %get3A_543, %add3A_546 masked %masked_sort3A_547 {descending = true} : (vector<16xf32>, vector<16xi32>, vector<16xi1>) -> (vector<16xi1>, vector<16xf32>, vector<16xi32>)
      %gt3A_551 = arith.cmpf ogt, %masked_sort3A_549, %masked_sort3A_540 : vector<16xf32>
      %select_n3A_552 = arith.select %gt3A_551, %masked_sort3A_549, %masked_sort3A_540 : vector<16xi1>, vector<16xf32>
      %select_n3A_553 = arith.select %gt3A_551, %masked_sort3A_550, %masked_sort3A_541 : vector<16xi1>, vector<16xi32>
      %masked_sort3A_554 = arith.constant dense<true> : vector<16xi1>
      %masked_sort3A_555, %masked_sort3A_556, %masked_sort3A_557 = tpu.sort %select_n3A_552, %select_n3A_553 masked %masked_sort3A_554 : (vector<16xf32>, vector<16xi32>, vector<16xi1>) -> (vector<16xi1>, vector<16xf32>, vector<16xi32>)
      %get3A_558 = arith.constant 512 : index
      %get3A_559 = tpu.vector_load %arg5[%get3A_558] {strides = array<i32>} : memref<50000xf32, #tpu.memory_space<vmem>>, vector<16xf32>,
      %add3A_560 = arith.constant 512 : i32
      %add3A_561 = vector.broadcast %add3A_560 : i32 to vector<16xi32>
      %add3A_562 = arith.addi %add3A_561, %iota3A : vector<16xi32>
      %masked_sort3A_563 = arith.constant dense<true> : vector<16xi1>
      %masked_sort3A_564, %masked_sort3A_565, %masked_sort3A_566 = tpu.sort %get3A_559, %add3A_562 masked %masked_sort3A_563 {descending = true} : (vector<16xf32>, vector<16xi32>, vector<16xi1>) -> (vector<16xi1>, vector<16xf32>, vector<16xi32>)
      %gt3A_567 = arith.cmpf ogt, %masked_sort3A_565, %masked_sort3A_556 : vector<16xf32>
      %select_n3A_568 = arith.select %gt3A_567, %masked_sort3A_565, %masked_sort3A_556 : vector<16xi1>, vector<16xf32>
      %select_n3A_569 = arith.select %gt3A_567, %masked_sort3A_566, %masked_sort3A_557 : vector<16xi1>, vector<16xi32>
      %masked_sort3A_570 = arith.constant dense<true> : vector<16xi1>
      %masked_sort3A_571, %masked_sort3A_572, %masked_sort3A_573 = tpu.sort %select_n3A_568, %select_n3A_569 masked %masked_sort3A_570 : (vector<16xf32>, vector<16xi32>, vector<16xi1>) -> (vector<16xi1>, vector<16xf32>, vector<16xi32>)
      %get3A_574 = arith.constant 528 : index
      %get3A_575 = tpu.vector_load %arg5[%get3A_574] {strides = array<i32>} : memref<50000xf32, #tpu.memory_space<vmem>>, vector<16xf32>,
      %add3A_576 = arith.constant 528 : i32
      %add3A_577 = vector.broadcast %add3A_576 : i32 to vector<16xi32>
      %add3A_578 = arith.addi %add3A_577, %iota3A : vector<16xi32>
      %masked_sort3A_579 = arith.constant dense<true> : vector<16xi1>
      %masked_sort3A_580, %masked_sort3A_581, %masked_sort3A_582 = tpu.sort %get3A_575, %add3A_578 masked %masked_sort3A_579 {descending = true} : (vector<16xf32>, vector<16xi32>, vector<16xi1>) -> (vector<16xi1>, vector<16xf32>, vector<16xi32>)
      %gt3A_583 = arith.cmpf ogt, %masked_sort3A_581, %masked_sort3A_572 : vector<16xf32>
      %select_n3A_584 = arith.select %gt3A_583, %masked_sort3A_581, %masked_sort3A_572 : vector<16xi1>, vector<16xf32>
      %select_n3A_585 = arith.select %gt3A_583, %masked_sort3A_582, %masked_sort3A_573 : vector<16xi1>, vector<16xi32>
      %masked_sort3A_586 = arith.constant dense<true> : vector<16xi1>
      %masked_sort3A_587, %masked_sort3A_588, %masked_sort3A_589 = tpu.sort %select_n3A_584, %select_n3A_585 masked %masked_sort3A_586 : (vector<16xf32>, vector<16xi32>, vector<16xi1>) -> (vector<16xi1>, vector<16xf32>, vector<16xi32>)
      %get3A_590 = arith.constant 544 : index
      %get3A_591 = tpu.vector_load %arg5[%get3A_590] {strides = array<i32>} : memref<50000xf32, #tpu.memory_space<vmem>>, vector<16xf32>,
      %add3A_592 = arith.constant 544 : i32
      %add3A_593 = vector.broadcast %add3A_592 : i32 to vector<16xi32>
      %add3A_594 = arith.addi %add3A_593, %iota3A : vector<16xi32>
      %masked_sort3A_595 = arith.constant dense<true> : vector<16xi1>
      %masked_sort3A_596, %masked_sort3A_597, %masked_sort3A_598 = tpu.sort %get3A_591, %add3A_594 masked %masked_sort3A_595 {descending = true} : (vector<16xf32>, vector<16xi32>, vector<16xi1>) -> (vector<16xi1>, vector<16xf32>, vector<16xi32>)
      %gt3A_599 = arith.cmpf ogt, %masked_sort3A_597, %masked_sort3A_588 : vector<16xf32>
      %select_n3A_600 = arith.select %gt3A_599, %masked_sort3A_597, %masked_sort3A_588 : vector<16xi1>, vector<16xf32>
      %select_n3A_601 = arith.select %gt3A_599, %masked_sort3A_598, %masked_sort3A_589 : vector<16xi1>, vector<16xi32>
      %masked_sort3A_602 = arith.constant dense<true> : vector<16xi1>
      %masked_sort3A_603, %masked_sort3A_604, %masked_sort3A_605 = tpu.sort %select_n3A_600, %select_n3A_601 masked %masked_sort3A_602 : (vector<16xf32>, vector<16xi32>, vector<16xi1>) -> (vector<16xi1>, vector<16xf32>, vector<16xi32>)
      %get3A_606 = arith.constant 560 : index
      %get3A_607 = tpu.vector_load %arg5[%get3A_606] {strides = array<i32>} : memref<50000xf32, #tpu.memory_space<vmem>>, vector<16xf32>,
      %add3A_608 = arith.constant 560 : i32
      %add3A_609 = vector.broadcast %add3A_608 : i32 to vector<16xi32>
      %add3A_610 = arith.addi %add3A_609, %iota3A : vector<16xi32>
      %masked_sort3A_611 = arith.constant dense<true> : vector<16xi1>
      %masked_sort3A_612, %masked_sort3A_613, %masked_sort3A_614 = tpu.sort %get3A_607, %add3A_610 masked %masked_sort3A_611 {descending = true} : (vector<16xf32>, vector<16xi32>, vector<16xi1>) -> (vector<16xi1>, vector<16xf32>, vector<16xi32>)
      %gt3A_615 = arith.cmpf ogt, %masked_sort3A_613, %masked_sort3A_604 : vector<16xf32>
      %select_n3A_616 = arith.select %gt3A_615, %masked_sort3A_613, %masked_sort3A_604 : vector<16xi1>, vector<16xf32>
      %select_n3A_617 = arith.select %gt3A_615, %masked_sort3A_614, %masked_sort3A_605 : vector<16xi1>, vector<16xi32>
      %masked_sort3A_618 = arith.constant dense<true> : vector<16xi1>
      %masked_sort3A_619, %masked_sort3A_620, %masked_sort3A_621 = tpu.sort %select_n3A_616, %select_n3A_617 masked %masked_sort3A_618 : (vector<16xf32>, vector<16xi32>, vector<16xi1>) -> (vector<16xi1>, vector<16xf32>, vector<16xi32>)
      %get3A_622 = arith.constant 576 : index
      %get3A_623 = tpu.vector_load %arg5[%get3A_622] {strides = array<i32>} : memref<50000xf32, #tpu.memory_space<vmem>>, vector<16xf32>,
      %add3A_624 = arith.constant 576 : i32
      %add3A_625 = vector.broadcast %add3A_624 : i32 to vector<16xi32>
      %add3A_626 = arith.addi %add3A_625, %iota3A : vector<16xi32>
      %masked_sort3A_627 = arith.constant dense<true> : vector<16xi1>
      %masked_sort3A_628, %masked_sort3A_629, %masked_sort3A_630 = tpu.sort %get3A_623, %add3A_626 masked %masked_sort3A_627 {descending = true} : (vector<16xf32>, vector<16xi32>, vector<16xi1>) -> (vector<16xi1>, vector<16xf32>, vector<16xi32>)
      %gt3A_631 = arith.cmpf ogt, %masked_sort3A_629, %masked_sort3A_620 : vector<16xf32>
      %select_n3A_632 = arith.select %gt3A_631, %masked_sort3A_629, %masked_sort3A_620 : vector<16xi1>, vector<16xf32>
      %select_n3A_633 = arith.select %gt3A_631, %masked_sort3A_630, %masked_sort3A_621 : vector<16xi1>, vector<16xi32>
      %masked_sort3A_634 = arith.constant dense<true> : vector<16xi1>
      %masked_sort3A_635, %masked_sort3A_636, %masked_sort3A_637 = tpu.sort %select_n3A_632, %select_n3A_633 masked %masked_sort3A_634 : (vector<16xf32>, vector<16xi32>, vector<16xi1>) -> (vector<16xi1>, vector<16xf32>, vector<16xi32>)
      %get3A_638 = arith.constant 592 : index
      %get3A_639 = tpu.vector_load %arg5[%get3A_638] {strides = array<i32>} : memref<50000xf32, #tpu.memory_space<vmem>>, vector<16xf32>,
      %add3A_640 = arith.constant 592 : i32
      %add3A_641 = vector.broadcast %add3A_640 : i32 to vector<16xi32>
      %add3A_642 = arith.addi %add3A_641, %iota3A : vector<16xi32>
      %masked_sort3A_643 = arith.constant dense<true> : vector<16xi1>
      %masked_sort3A_644, %masked_sort3A_645, %masked_sort3A_646 = tpu.sort %get3A_639, %add3A_642 masked %masked_sort3A_643 {descending = true} : (vector<16xf32>, vector<16xi32>, vector<16xi1>) -> (vector<16xi1>, vector<16xf32>, vector<16xi32>)
      %gt3A_647 = arith.cmpf ogt, %masked_sort3A_645, %masked_sort3A_636 : vector<16xf32>
      %select_n3A_648 = arith.select %gt3A_647, %masked_sort3A_645, %masked_sort3A_636 : vector<16xi1>, vector<16xf32>
      %select_n3A_649 = arith.select %gt3A_647, %masked_sort3A_646, %masked_sort3A_637 : vector<16xi1>, vector<16xi32>
      %masked_sort3A_650 = arith.constant dense<true> : vector<16xi1>
      %masked_sort3A_651, %masked_sort3A_652, %masked_sort3A_653 = tpu.sort %select_n3A_648, %select_n3A_649 masked %masked_sort3A_650 : (vector<16xf32>, vector<16xi32>, vector<16xi1>) -> (vector<16xi1>, vector<16xf32>, vector<16xi32>)
      %get3A_654 = arith.constant 608 : index
      %get3A_655 = tpu.vector_load %arg5[%get3A_654] {strides = array<i32>} : memref<50000xf32, #tpu.memory_space<vmem>>, vector<16xf32>,
      %add3A_656 = arith.constant 608 : i32
      %add3A_657 = vector.broadcast %add3A_656 : i32 to vector<16xi32>
      %add3A_658 = arith.addi %add3A_657, %iota3A : vector<16xi32>
      %masked_sort3A_659 = arith.constant dense<true> : vector<16xi1>
      %masked_sort3A_660, %masked_sort3A_661, %masked_sort3A_662 = tpu.sort %get3A_655, %add3A_658 masked %masked_sort3A_659 {descending = true} : (vector<16xf32>, vector<16xi32>, vector<16xi1>) -> (vector<16xi1>, vector<16xf32>, vector<16xi32>)
      %gt3A_663 = arith.cmpf ogt, %masked_sort3A_661, %masked_sort3A_652 : vector<16xf32>
      %select_n3A_664 = arith.select %gt3A_663, %masked_sort3A_661, %masked_sort3A_652 : vector<16xi1>, vector<16xf32>
      %select_n3A_665 = arith.select %gt3A_663, %masked_sort3A_662, %masked_sort3A_653 : vector<16xi1>, vector<16xi32>
      %masked_sort3A_666 = arith.constant dense<true> : vector<16xi1>
      %masked_sort3A_667, %masked_sort3A_668, %masked_sort3A_669 = tpu.sort %select_n3A_664, %select_n3A_665 masked %masked_sort3A_666 : (vector<16xf32>, vector<16xi32>, vector<16xi1>) -> (vector<16xi1>, vector<16xf32>, vector<16xi32>)
      %get3A_670 = arith.constant 624 : index
      %get3A_671 = tpu.vector_load %arg5[%get3A_670] {strides = array<i32>} : memref<50000xf32, #tpu.memory_space<vmem>>, vector<16xf32>,
      %add3A_672 = arith.constant 624 : i32
      %add3A_673 = vector.broadcast %add3A_672 : i32 to vector<16xi32>
      %add3A_674 = arith.addi %add3A_673, %iota3A : vector<16xi32>
      %masked_sort3A_675 = arith.constant dense<true> : vector<16xi1>
      %masked_sort3A_676, %masked_sort3A_677, %masked_sort3A_678 = tpu.sort %get3A_671, %add3A_674 masked %masked_sort3A_675 {descending = true} : (vector<16xf32>, vector<16xi32>, vector<16xi1>) -> (vector<16xi1>, vector<16xf32>, vector<16xi32>)
      %gt3A_679 = arith.cmpf ogt, %masked_sort3A_677, %masked_sort3A_668 : vector<16xf32>
      %select_n3A_680 = arith.select %gt3A_679, %masked_sort3A_677, %masked_sort3A_668 : vector<16xi1>, vector<16xf32>
      %select_n3A_681 = arith.select %gt3A_679, %masked_sort3A_678, %masked_sort3A_669 : vector<16xi1>, vector<16xi32>
      %masked_sort3A_682 = arith.constant dense<true> : vector<16xi1>
      %masked_sort3A_683, %masked_sort3A_684, %masked_sort3A_685 = tpu.sort %select_n3A_680, %select_n3A_681 masked %masked_sort3A_682 : (vector<16xf32>, vector<16xi32>, vector<16xi1>) -> (vector<16xi1>, vector<16xf32>, vector<16xi32>)
      %get3A_686 = arith.constant 640 : index
      %get3A_687 = tpu.vector_load %arg5[%get3A_686] {strides = array<i32>} : memref<50000xf32, #tpu.memory_space<vmem>>, vector<16xf32>,
      %add3A_688 = arith.constant 640 : i32
      %add3A_689 = vector.broadcast %add3A_688 : i32 to vector<16xi32>
      %add3A_690 = arith.addi %add3A_689, %iota3A : vector<16xi32>
      %masked_sort3A_691 = arith.constant dense<true> : vector<16xi1>
      %masked_sort3A_692, %masked_sort3A_693, %masked_sort3A_694 = tpu.sort %get3A_687, %add3A_690 masked %masked_sort3A_691 {descending = true} : (vector<16xf32>, vector<16xi32>, vector<16xi1>) -> (vector<16xi1>, vector<16xf32>, vector<16xi32>)
      %gt3A_695 = arith.cmpf ogt, %masked_sort3A_693, %masked_sort3A_684 : vector<16xf32>
      %select_n3A_696 = arith.select %gt3A_695, %masked_sort3A_693, %masked_sort3A_684 : vector<16xi1>, vector<16xf32>
      %select_n3A_697 = arith.select %gt3A_695, %masked_sort3A_694, %masked_sort3A_685 : vector<16xi1>, vector<16xi32>
      %masked_sort3A_698 = arith.constant dense<true> : vector<16xi1>
      %masked_sort3A_699, %masked_sort3A_700, %masked_sort3A_701 = tpu.sort %select_n3A_696, %select_n3A_697 masked %masked_sort3A_698 : (vector<16xf32>, vector<16xi32>, vector<16xi1>) -> (vector<16xi1>, vector<16xf32>, vector<16xi32>)
      %get3A_702 = arith.constant 656 : index
      %get3A_703 = tpu.vector_load %arg5[%get3A_702] {strides = array<i32>} : memref<50000xf32, #tpu.memory_space<vmem>>, vector<16xf32>,
      %add3A_704 = arith.constant 656 : i32
      %add3A_705 = vector.broadcast %add3A_704 : i32 to vector<16xi32>
      %add3A_706 = arith.addi %add3A_705, %iota3A : vector<16xi32>
      %masked_sort3A_707 = arith.constant dense<true> : vector<16xi1>
      %masked_sort3A_708, %masked_sort3A_709, %masked_sort3A_710 = tpu.sort %get3A_703, %add3A_706 masked %masked_sort3A_707 {descending = true} : (vector<16xf32>, vector<16xi32>, vector<16xi1>) -> (vector<16xi1>, vector<16xf32>, vector<16xi32>)
      %gt3A_711 = arith.cmpf ogt, %masked_sort3A_709, %masked_sort3A_700 : vector<16xf32>
      %select_n3A_712 = arith.select %gt3A_711, %masked_sort3A_709, %masked_sort3A_700 : vector<16xi1>, vector<16xf32>
      %select_n3A_713 = arith.select %gt3A_711, %masked_sort3A_710, %masked_sort3A_701 : vector<16xi1>, vector<16xi32>
      %masked_sort3A_714 = arith.constant dense<true> : vector<16xi1>
      %masked_sort3A_715, %masked_sort3A_716, %masked_sort3A_717 = tpu.sort %select_n3A_712, %select_n3A_713 masked %masked_sort3A_714 : (vector<16xf32>, vector<16xi32>, vector<16xi1>) -> (vector<16xi1>, vector<16xf32>, vector<16xi32>)
      %get3A_718 = arith.constant 672 : index
      %get3A_719 = tpu.vector_load %arg5[%get3A_718] {strides = array<i32>} : memref<50000xf32, #tpu.memory_space<vmem>>, vector<16xf32>,
      %add3A_720 = arith.constant 672 : i32
      %add3A_721 = vector.broadcast %add3A_720 : i32 to vector<16xi32>
      %add3A_722 = arith.addi %add3A_721, %iota3A : vector<16xi32>
      %masked_sort3A_723 = arith.constant dense<true> : vector<16xi1>
      %masked_sort3A_724, %masked_sort3A_725, %masked_sort3A_726 = tpu.sort %get3A_719, %add3A_722 masked %masked_sort3A_723 {descending = true} : (vector<16xf32>, vector<16xi32>, vector<16xi1>) -> (vector<16xi1>, vector<16xf32>, vector<16xi32>)
      %gt3A_727 = arith.cmpf ogt, %masked_sort3A_725, %masked_sort3A_716 : vector<16xf32>
      %select_n3A_728 = arith.select %gt3A_727, %masked_sort3A_725, %masked_sort3A_716 : vector<16xi1>, vector<16xf32>
      %select_n3A_729 = arith.select %gt3A_727, %masked_sort3A_726, %masked_sort3A_717 : vector<16xi1>, vector<16xi32>
      %masked_sort3A_730 = arith.constant dense<true> : vector<16xi1>
      %masked_sort3A_731, %masked_sort3A_732, %masked_sort3A_733 = tpu.sort %select_n3A_728, %select_n3A_729 masked %masked_sort3A_730 : (vector<16xf32>, vector<16xi32>, vector<16xi1>) -> (vector<16xi1>, vector<16xf32>, vector<16xi32>)
      %get3A_734 = arith.constant 688 : index
      %get3A_735 = tpu.vector_load %arg5[%get3A_734] {strides = array<i32>} : memref<50000xf32, #tpu.memory_space<vmem>>, vector<16xf32>,
      %add3A_736 = arith.constant 688 : i32
      %add3A_737 = vector.broadcast %add3A_736 : i32 to vector<16xi32>
      %add3A_738 = arith.addi %add3A_737, %iota3A : vector<16xi32>
      %masked_sort3A_739 = arith.constant dense<true> : vector<16xi1>
      %masked_sort3A_740, %masked_sort3A_741, %masked_sort3A_742 = tpu.sort %get3A_735, %add3A_738 masked %masked_sort3A_739 {descending = true} : (vector<16xf32>, vector<16xi32>, vector<16xi1>) -> (vector<16xi1>, vector<16xf32>, vector<16xi32>)
      %gt3A_743 = arith.cmpf ogt, %masked_sort3A_741, %masked_sort3A_732 : vector<16xf32>
      %select_n3A_744 = arith.select %gt3A_743, %masked_sort3A_741, %masked_sort3A_732 : vector<16xi1>, vector<16xf32>
      %select_n3A_745 = arith.select %gt3A_743, %masked_sort3A_742, %masked_sort3A_733 : vector<16xi1>, vector<16xi32>
      %masked_sort3A_746 = arith.constant dense<true> : vector<16xi1>
      %masked_sort3A_747, %masked_sort3A_748, %masked_sort3A_749 = tpu.sort %select_n3A_744, %select_n3A_745 masked %masked_sort3A_746 : (vector<16xf32>, vector<16xi32>, vector<16xi1>) -> (vector<16xi1>, vector<16xf32>, vector<16xi32>)
      %get3A_750 = arith.constant 704 : index
      %get3A_751 = tpu.vector_load %arg5[%get3A_750] {strides = array<i32>} : memref<50000xf32, #tpu.memory_space<vmem>>, vector<16xf32>,
      %add3A_752 = arith.constant 704 : i32
      %add3A_753 = vector.broadcast %add3A_752 : i32 to vector<16xi32>
      %add3A_754 = arith.addi %add3A_753, %iota3A : vector<16xi32>
      %masked_sort3A_755 = arith.constant dense<true> : vector<16xi1>
      %masked_sort3A_756, %masked_sort3A_757, %masked_sort3A_758 = tpu.sort %get3A_751, %add3A_754 masked %masked_sort3A_755 {descending = true} : (vector<16xf32>, vector<16xi32>, vector<16xi1>) -> (vector<16xi1>, vector<16xf32>, vector<16xi32>)
      %gt3A_759 = arith.cmpf ogt, %masked_sort3A_757, %masked_sort3A_748 : vector<16xf32>
      %select_n3A_760 = arith.select %gt3A_759, %masked_sort3A_757, %masked_sort3A_748 : vector<16xi1>, vector<16xf32>
      %select_n3A_761 = arith.select %gt3A_759, %masked_sort3A_758, %masked_sort3A_749 : vector<16xi1>, vector<16xi32>
      %masked_sort3A_762 = arith.constant dense<true> : vector<16xi1>
      %masked_sort3A_763, %masked_sort3A_764, %masked_sort3A_765 = tpu.sort %select_n3A_760, %select_n3A_761 masked %masked_sort3A_762 : (vector<16xf32>, vector<16xi32>, vector<16xi1>) -> (vector<16xi1>, vector<16xf32>, vector<16xi32>)
      %get3A_766 = arith.constant 720 : index
      %get3A_767 = tpu.vector_load %arg5[%get3A_766] {strides = array<i32>} : memref<50000xf32, #tpu.memory_space<vmem>>, vector<16xf32>,
      %add3A_768 = arith.constant 720 : i32
      %add3A_769 = vector.broadcast %add3A_768 : i32 to vector<16xi32>
      %add3A_770 = arith.addi %add3A_769, %iota3A : vector<16xi32>
      %masked_sort3A_771 = arith.constant dense<true> : vector<16xi1>
      %masked_sort3A_772, %masked_sort3A_773, %masked_sort3A_774 = tpu.sort %get3A_767, %add3A_770 masked %masked_sort3A_771 {descending = true} : (vector<16xf32>, vector<16xi32>, vector<16xi1>) -> (vector<16xi1>, vector<16xf32>, vector<16xi32>)
      %gt3A_775 = arith.cmpf ogt, %masked_sort3A_773, %masked_sort3A_764 : vector<16xf32>
      %select_n3A_776 = arith.select %gt3A_775, %masked_sort3A_773, %masked_sort3A_764 : vector<16xi1>, vector<16xf32>
      %select_n3A_777 = arith.select %gt3A_775, %masked_sort3A_774, %masked_sort3A_765 : vector<16xi1>, vector<16xi32>
      %masked_sort3A_778 = arith.constant dense<true> : vector<16xi1>
      %masked_sort3A_779, %masked_sort3A_780, %masked_sort3A_781 = tpu.sort %select_n3A_776, %select_n3A_777 masked %masked_sort3A_778 : (vector<16xf32>, vector<16xi32>, vector<16xi1>) -> (vector<16xi1>, vector<16xf32>, vector<16xi32>)
      %get3A_782 = arith.constant 736 : index
      %get3A_783 = tpu.vector_load %arg5[%get3A_782] {strides = array<i32>} : memref<50000xf32, #tpu.memory_space<vmem>>, vector<16xf32>,
      %add3A_784 = arith.constant 736 : i32
      %add3A_785 = vector.broadcast %add3A_784 : i32 to vector<16xi32>
      %add3A_786 = arith.addi %add3A_785, %iota3A : vector<16xi32>
      %masked_sort3A_787 = arith.constant dense<true> : vector<16xi1>
      %masked_sort3A_788, %masked_sort3A_789, %masked_sort3A_790 = tpu.sort %get3A_783, %add3A_786 masked %masked_sort3A_787 {descending = true} : (vector<16xf32>, vector<16xi32>, vector<16xi1>) -> (vector<16xi1>, vector<16xf32>, vector<16xi32>)
      %gt3A_791 = arith.cmpf ogt, %masked_sort3A_789, %masked_sort3A_780 : vector<16xf32>
      %select_n3A_792 = arith.select %gt3A_791, %masked_sort3A_789, %masked_sort3A_780 : vector<16xi1>, vector<16xf32>
      %select_n3A_793 = arith.select %gt3A_791, %masked_sort3A_790, %masked_sort3A_781 : vector<16xi1>, vector<16xi32>
      %masked_sort3A_794 = arith.constant dense<true> : vector<16xi1>
      %masked_sort3A_795, %masked_sort3A_796, %masked_sort3A_797 = tpu.sort %select_n3A_792, %select_n3A_793 masked %masked_sort3A_794 : (vector<16xf32>, vector<16xi32>, vector<16xi1>) -> (vector<16xi1>, vector<16xf32>, vector<16xi32>)
      %get3A_798 = arith.constant 752 : index
      %get3A_799 = tpu.vector_load %arg5[%get3A_798] {strides = array<i32>} : memref<50000xf32, #tpu.memory_space<vmem>>, vector<16xf32>,
      %add3A_800 = arith.constant 752 : i32
      %add3A_801 = vector.broadcast %add3A_800 : i32 to vector<16xi32>
      %add3A_802 = arith.addi %add3A_801, %iota3A : vector<16xi32>
      %masked_sort3A_803 = arith.constant dense<true> : vector<16xi1>
      %masked_sort3A_804, %masked_sort3A_805, %masked_sort3A_806 = tpu.sort %get3A_799, %add3A_802 masked %masked_sort3A_803 {descending = true} : (vector<16xf32>, vector<16xi32>, vector<16xi1>) -> (vector<16xi1>, vector<16xf32>, vector<16xi32>)
      %gt3A_807 = arith.cmpf ogt, %masked_sort3A_805, %masked_sort3A_796 : vector<16xf32>
      %select_n3A_808 = arith.select %gt3A_807, %masked_sort3A_805, %masked_sort3A_796 : vector<16xi1>, vector<16xf32>
      %select_n3A_809 = arith.select %gt3A_807, %masked_sort3A_806, %masked_sort3A_797 : vector<16xi1>, vector<16xi32>
      %masked_sort3A_810 = arith.constant dense<true> : vector<16xi1>
      %masked_sort3A_811, %masked_sort3A_812, %masked_sort3A_813 = tpu.sort %select_n3A_808, %select_n3A_809 masked %masked_sort3A_810 : (vector<16xf32>, vector<16xi32>, vector<16xi1>) -> (vector<16xi1>, vector<16xf32>, vector<16xi32>)
      %get3A_814 = arith.constant 768 : index
      %get3A_815 = tpu.vector_load %arg5[%get3A_814] {strides = array<i32>} : memref<50000xf32, #tpu.memory_space<vmem>>, vector<16xf32>,
      %add3A_816 = arith.constant 768 : i32
      %add3A_817 = vector.broadcast %add3A_816 : i32 to vector<16xi32>
      %add3A_818 = arith.addi %add3A_817, %iota3A : vector<16xi32>
      %masked_sort3A_819 = arith.constant dense<true> : vector<16xi1>
      %masked_sort3A_820, %masked_sort3A_821, %masked_sort3A_822 = tpu.sort %get3A_815, %add3A_818 masked %masked_sort3A_819 {descending = true} : (vector<16xf32>, vector<16xi32>, vector<16xi1>) -> (vector<16xi1>, vector<16xf32>, vector<16xi32>)
      %gt3A_823 = arith.cmpf ogt, %masked_sort3A_821, %masked_sort3A_812 : vector<16xf32>
      %select_n3A_824 = arith.select %gt3A_823, %masked_sort3A_821, %masked_sort3A_812 : vector<16xi1>, vector<16xf32>
      %select_n3A_825 = arith.select %gt3A_823, %masked_sort3A_822, %masked_sort3A_813 : vector<16xi1>, vector<16xi32>
      %masked_sort3A_826 = arith.constant dense<true> : vector<16xi1>
      %masked_sort3A_827, %masked_sort3A_828, %masked_sort3A_829 = tpu.sort %select_n3A_824, %select_n3A_825 masked %masked_sort3A_826 : (vector<16xf32>, vector<16xi32>, vector<16xi1>) -> (vector<16xi1>, vector<16xf32>, vector<16xi32>)
      %get3A_830 = arith.constant 784 : index
      %get3A_831 = tpu.vector_load %arg5[%get3A_830] {strides = array<i32>} : memref<50000xf32, #tpu.memory_space<vmem>>, vector<16xf32>,
      %add3A_832 = arith.constant 784 : i32
      %add3A_833 = vector.broadcast %add3A_832 : i32 to vector<16xi32>
      %add3A_834 = arith.addi %add3A_833, %iota3A : vector<16xi32>
      %masked_sort3A_835 = arith.constant dense<true> : vector<16xi1>
      %masked_sort3A_836, %masked_sort3A_837, %masked_sort3A_838 = tpu.sort %get3A_831, %add3A_834 masked %masked_sort3A_835 {descending = true} : (vector<16xf32>, vector<16xi32>, vector<16xi1>) -> (vector<16xi1>, vector<16xf32>, vector<16xi32>)
      %gt3A_839 = arith.cmpf ogt, %masked_sort3A_837, %masked_sort3A_828 : vector<16xf32>
      %select_n3A_840 = arith.select %gt3A_839, %masked_sort3A_837, %masked_sort3A_828 : vector<16xi1>, vector<16xf32>
      %select_n3A_841 = arith.select %gt3A_839, %masked_sort3A_838, %masked_sort3A_829 : vector<16xi1>, vector<16xi32>
      %masked_sort3A_842 = arith.constant dense<true> : vector<16xi1>
      %masked_sort3A_843, %masked_sort3A_844, %masked_sort3A_845 = tpu.sort %select_n3A_840, %select_n3A_841 masked %masked_sort3A_842 : (vector<16xf32>, vector<16xi32>, vector<16xi1>) -> (vector<16xi1>, vector<16xf32>, vector<16xi32>)
      %slice3A = vector.extract_strided_slice %masked_sort3A_844 {offsets = [0], sizes = [1], strides = [1]} : vector<16xf32> to vector<1xf32>
      %squeeze3A = vector.extract %slice3A[0] : f32 from vector<1xf32>
      %scan3A_846 = arith.constant 2 : i32
      %scan3A_847 = arith.constant 123 : i32
      %scan3A_848 = arith.addi %scan3A_846, %scan3A_847 : i32
      %scan3A_849 = arith.constant 1 : i32
      %scan3A_850:4 = scf.for %scan3A_916 = %scan3A_846 to %scan3A_848 step %scan3A_849 iter_args(%scan3A_917 = %masked_sort3A_844, %scan3A_918 = %masked_sort3A_845, %scan3A_919 = %squeeze3A, %scan3A_920 = %broadcast_in_dim3A_31) -> (vector<16xf32>, vector<16xi32>, f32, vector<16xi32>)  : i32 {
        %mul3A_921 = arith.constant 400 : i32
        %mul3A_922 = arith.muli %scan3A_916, %mul3A_921 : i32
        %add3A_923 = arith.constant 0 : i32
        %add3A_924 = arith.addi %mul3A_922, %add3A_923 : i32
        %get3A_925 = arith.index_cast %add3A_924 : i32 to index
        %get3A_926 = tpu.vector_load %arg5[%get3A_925] {strides = array<i32>} : memref<50000xf32, #tpu.memory_space<vmem>>, vector<16xf32>,
        %add3A_927 = arith.constant 16 : i32
        %add3A_928 = arith.addi %mul3A_922, %add3A_927 : i32
        %get3A_929 = arith.index_cast %add3A_928 : i32 to index
        %get3A_930 = tpu.vector_load %arg5[%get3A_929] {strides = array<i32>} : memref<50000xf32, #tpu.memory_space<vmem>>, vector<16xf32>,
        %add3A_931 = arith.constant 32 : i32
        %add3A_932 = arith.addi %mul3A_922, %add3A_931 : i32
        %get3A_933 = arith.index_cast %add3A_932 : i32 to index
        %get3A_934 = tpu.vector_load %arg5[%get3A_933] {strides = array<i32>} : memref<50000xf32, #tpu.memory_space<vmem>>, vector<16xf32>,
        %add3A_935 = arith.constant 48 : i32
        %add3A_936 = arith.addi %mul3A_922, %add3A_935 : i32
        %get3A_937 = arith.index_cast %add3A_936 : i32 to index
        %get3A_938 = tpu.vector_load %arg5[%get3A_937] {strides = array<i32>} : memref<50000xf32, #tpu.memory_space<vmem>>, vector<16xf32>,
        %add3A_939 = arith.constant 64 : i32
        %add3A_940 = arith.addi %mul3A_922, %add3A_939 : i32
        %get3A_941 = arith.index_cast %add3A_940 : i32 to index
        %get3A_942 = tpu.vector_load %arg5[%get3A_941] {strides = array<i32>} : memref<50000xf32, #tpu.memory_space<vmem>>, vector<16xf32>,
        %add3A_943 = arith.constant 80 : i32
        %add3A_944 = arith.addi %mul3A_922, %add3A_943 : i32
        %get3A_945 = arith.index_cast %add3A_944 : i32 to index
        %get3A_946 = tpu.vector_load %arg5[%get3A_945] {strides = array<i32>} : memref<50000xf32, #tpu.memory_space<vmem>>, vector<16xf32>,
        %add3A_947 = arith.constant 96 : i32
        %add3A_948 = arith.addi %mul3A_922, %add3A_947 : i32
        %get3A_949 = arith.index_cast %add3A_948 : i32 to index
        %get3A_950 = tpu.vector_load %arg5[%get3A_949] {strides = array<i32>} : memref<50000xf32, #tpu.memory_space<vmem>>, vector<16xf32>,
        %add3A_951 = arith.constant 112 : i32
        %add3A_952 = arith.addi %mul3A_922, %add3A_951 : i32
        %get3A_953 = arith.index_cast %add3A_952 : i32 to index
        %get3A_954 = tpu.vector_load %arg5[%get3A_953] {strides = array<i32>} : memref<50000xf32, #tpu.memory_space<vmem>>, vector<16xf32>,
        %add3A_955 = arith.constant 128 : i32
        %add3A_956 = arith.addi %mul3A_922, %add3A_955 : i32
        %get3A_957 = arith.index_cast %add3A_956 : i32 to index
        %get3A_958 = tpu.vector_load %arg5[%get3A_957] {strides = array<i32>} : memref<50000xf32, #tpu.memory_space<vmem>>, vector<16xf32>,
        %add3A_959 = arith.constant 144 : i32
        %add3A_960 = arith.addi %mul3A_922, %add3A_959 : i32
        %get3A_961 = arith.index_cast %add3A_960 : i32 to index
        %get3A_962 = tpu.vector_load %arg5[%get3A_961] {strides = array<i32>} : memref<50000xf32, #tpu.memory_space<vmem>>, vector<16xf32>,
        %add3A_963 = arith.constant 160 : i32
        %add3A_964 = arith.addi %mul3A_922, %add3A_963 : i32
        %get3A_965 = arith.index_cast %add3A_964 : i32 to index
        %get3A_966 = tpu.vector_load %arg5[%get3A_965] {strides = array<i32>} : memref<50000xf32, #tpu.memory_space<vmem>>, vector<16xf32>,
        %add3A_967 = arith.constant 176 : i32
        %add3A_968 = arith.addi %mul3A_922, %add3A_967 : i32
        %get3A_969 = arith.index_cast %add3A_968 : i32 to index
        %get3A_970 = tpu.vector_load %arg5[%get3A_969] {strides = array<i32>} : memref<50000xf32, #tpu.memory_space<vmem>>, vector<16xf32>,
        %add3A_971 = arith.constant 192 : i32
        %add3A_972 = arith.addi %mul3A_922, %add3A_971 : i32
        %get3A_973 = arith.index_cast %add3A_972 : i32 to index
        %get3A_974 = tpu.vector_load %arg5[%get3A_973] {strides = array<i32>} : memref<50000xf32, #tpu.memory_space<vmem>>, vector<16xf32>,
        %add3A_975 = arith.constant 208 : i32
        %add3A_976 = arith.addi %mul3A_922, %add3A_975 : i32
        %get3A_977 = arith.index_cast %add3A_976 : i32 to index
        %get3A_978 = tpu.vector_load %arg5[%get3A_977] {strides = array<i32>} : memref<50000xf32, #tpu.memory_space<vmem>>, vector<16xf32>,
        %add3A_979 = arith.constant 224 : i32
        %add3A_980 = arith.addi %mul3A_922, %add3A_979 : i32
        %get3A_981 = arith.index_cast %add3A_980 : i32 to index
        %get3A_982 = tpu.vector_load %arg5[%get3A_981] {strides = array<i32>} : memref<50000xf32, #tpu.memory_space<vmem>>, vector<16xf32>,
        %add3A_983 = arith.constant 240 : i32
        %add3A_984 = arith.addi %mul3A_922, %add3A_983 : i32
        %get3A_985 = arith.index_cast %add3A_984 : i32 to index
        %get3A_986 = tpu.vector_load %arg5[%get3A_985] {strides = array<i32>} : memref<50000xf32, #tpu.memory_space<vmem>>, vector<16xf32>,
        %add3A_987 = arith.constant 256 : i32
        %add3A_988 = arith.addi %mul3A_922, %add3A_987 : i32
        %get3A_989 = arith.index_cast %add3A_988 : i32 to index
        %get3A_990 = tpu.vector_load %arg5[%get3A_989] {strides = array<i32>} : memref<50000xf32, #tpu.memory_space<vmem>>, vector<16xf32>,
        %add3A_991 = arith.constant 272 : i32
        %add3A_992 = arith.addi %mul3A_922, %add3A_991 : i32
        %get3A_993 = arith.index_cast %add3A_992 : i32 to index
        %get3A_994 = tpu.vector_load %arg5[%get3A_993] {strides = array<i32>} : memref<50000xf32, #tpu.memory_space<vmem>>, vector<16xf32>,
        %add3A_995 = arith.constant 288 : i32
        %add3A_996 = arith.addi %mul3A_922, %add3A_995 : i32
        %get3A_997 = arith.index_cast %add3A_996 : i32 to index
        %get3A_998 = tpu.vector_load %arg5[%get3A_997] {strides = array<i32>} : memref<50000xf32, #tpu.memory_space<vmem>>, vector<16xf32>,
        %add3A_999 = arith.constant 304 : i32
        %add3A_1000 = arith.addi %mul3A_922, %add3A_999 : i32
        %get3A_1001 = arith.index_cast %add3A_1000 : i32 to index
        %get3A_1002 = tpu.vector_load %arg5[%get3A_1001] {strides = array<i32>} : memref<50000xf32, #tpu.memory_space<vmem>>, vector<16xf32>,
        %add3A_1003 = arith.constant 320 : i32
        %add3A_1004 = arith.addi %mul3A_922, %add3A_1003 : i32
        %get3A_1005 = arith.index_cast %add3A_1004 : i32 to index
        %get3A_1006 = tpu.vector_load %arg5[%get3A_1005] {strides = array<i32>} : memref<50000xf32, #tpu.memory_space<vmem>>, vector<16xf32>,
        %add3A_1007 = arith.constant 336 : i32
        %add3A_1008 = arith.addi %mul3A_922, %add3A_1007 : i32
        %get3A_1009 = arith.index_cast %add3A_1008 : i32 to index
        %get3A_1010 = tpu.vector_load %arg5[%get3A_1009] {strides = array<i32>} : memref<50000xf32, #tpu.memory_space<vmem>>, vector<16xf32>,
        %add3A_1011 = arith.constant 352 : i32
        %add3A_1012 = arith.addi %mul3A_922, %add3A_1011 : i32
        %get3A_1013 = arith.index_cast %add3A_1012 : i32 to index
        %get3A_1014 = tpu.vector_load %arg5[%get3A_1013] {strides = array<i32>} : memref<50000xf32, #tpu.memory_space<vmem>>, vector<16xf32>,
        %add3A_1015 = arith.constant 368 : i32
        %add3A_1016 = arith.addi %mul3A_922, %add3A_1015 : i32
        %get3A_1017 = arith.index_cast %add3A_1016 : i32 to index
        %get3A_1018 = tpu.vector_load %arg5[%get3A_1017] {strides = array<i32>} : memref<50000xf32, #tpu.memory_space<vmem>>, vector<16xf32>,
        %add3A_1019 = arith.constant 384 : i32
        %add3A_1020 = arith.addi %mul3A_922, %add3A_1019 : i32
        %get3A_1021 = arith.index_cast %add3A_1020 : i32 to index
        %get3A_1022 = tpu.vector_load %arg5[%get3A_1021] {strides = array<i32>} : memref<50000xf32, #tpu.memory_space<vmem>>, vector<16xf32>,
        %max3A = arith.maximumf %get3A_926, %get3A_930 : vector<16xf32>
        %max3A_1023 = arith.maximumf %get3A_934, %get3A_938 : vector<16xf32>
        %max3A_1024 = arith.maximumf %get3A_942, %get3A_946 : vector<16xf32>
        %max3A_1025 = arith.maximumf %get3A_950, %get3A_954 : vector<16xf32>
        %max3A_1026 = arith.maximumf %get3A_958, %get3A_962 : vector<16xf32>
        %max3A_1027 = arith.maximumf %get3A_966, %get3A_970 : vector<16xf32>
        %max3A_1028 = arith.maximumf %get3A_974, %get3A_978 : vector<16xf32>
        %max3A_1029 = arith.maximumf %get3A_982, %get3A_986 : vector<16xf32>
        %max3A_1030 = arith.maximumf %get3A_990, %get3A_994 : vector<16xf32>
        %max3A_1031 = arith.maximumf %get3A_998, %get3A_1002 : vector<16xf32>
        %max3A_1032 = arith.maximumf %get3A_1006, %get3A_1010 : vector<16xf32>
        %max3A_1033 = arith.maximumf %get3A_1014, %get3A_1018 : vector<16xf32>
        %max3A_1034 = arith.maximumf %max3A, %max3A_1023 : vector<16xf32>
        %max3A_1035 = arith.maximumf %max3A_1024, %max3A_1025 : vector<16xf32>
        %max3A_1036 = arith.maximumf %max3A_1026, %max3A_1027 : vector<16xf32>
        %max3A_1037 = arith.maximumf %max3A_1028, %max3A_1029 : vector<16xf32>
        %max3A_1038 = arith.maximumf %max3A_1030, %max3A_1031 : vector<16xf32>
        %max3A_1039 = arith.maximumf %max3A_1032, %max3A_1033 : vector<16xf32>
        %max3A_1040 = arith.maximumf %max3A_1034, %max3A_1035 : vector<16xf32>
        %max3A_1041 = arith.maximumf %max3A_1036, %max3A_1037 : vector<16xf32>
        %max3A_1042 = arith.maximumf %max3A_1038, %max3A_1039 : vector<16xf32>
        %max3A_1043 = arith.maximumf %max3A_1040, %max3A_1041 : vector<16xf32>
        %max3A_1044 = arith.maximumf %max3A_1042, %get3A_1022 : vector<16xf32>
        %max3A_1045 = arith.maximumf %max3A_1043, %max3A_1044 : vector<16xf32>
        %gt3A_1046 = vector.broadcast %scan3A_919 : f32 to vector<16xf32>
        %gt3A_1047 = arith.cmpf ogt, %max3A_1045, %gt3A_1046 : vector<16xf32>
        %all_reduce_population_count3A = tpu.all_reduce %gt3A_1047 {dim = 0 : i64, kind = #tpu.reduction_kind<sum>} : vector<16xi1> -> vector<16xi32>
        %slice3A_1048 = vector.extract_strided_slice %all_reduce_population_count3A {offsets = [0], sizes = [1], strides = [1]} : vector<16xi32> to vector<1xi32>
        %squeeze3A_1049 = vector.extract %slice3A_1048[0] : i32 from vector<1xi32>
        %gt3A_1050 = arith.constant 0 : i32
        %gt3A_1051 = arith.cmpi sgt, %squeeze3A_1049, %gt3A_1050 : i32
        %jit3A = arith.constant 5 : i32
        %jit3A_1052 = arith.constant 0 : i32
        %select_n3A_1053 = arith.select %gt3A_1051, %jit3A, %jit3A_1052 : i32
        %while3A_1054 = arith.constant 0 : i32
        %while3A_1055 = arith.subi %select_n3A_1053, %while3A_1054 : i32
        %while3A_1056 = arith.addi %while3A_1054, %while3A_1055 : i32
        %while3A_1057 = arith.constant 1 : i32
        %while3A_1058 = arith.divsi %while3A_1055, %while3A_1057 : i32
        %while3A_1059 = arith.muli %while3A_1058, %while3A_1057 : i32
        %while3A_1060 = arith.addi %while3A_1054, %while3A_1059 : i32
        %while3A_1061 = arith.constant 1 : i32
        %while3A_1062 = scf.for %while3A_1092 = %while3A_1054 to %while3A_1060 step %while3A_1061 iter_args(%while3A_1093 = %scan3A_920) -> (vector<16xi32>)  : i32 {
          %mul3A_1094 = arith.constant 5 : i32
          %mul3A_1095 = arith.muli %while3A_1092, %mul3A_1094 : i32
          %add3A_1096 = arith.constant 0 : i32
          %add3A_1097 = arith.addi %mul3A_1095, %add3A_1096 : i32
          %mul3A_1098 = arith.constant 16 : i32
          %mul3A_1099 = arith.muli %add3A_1097, %mul3A_1098 : i32
          %add3A_1100 = arith.addi %mul3A_922, %mul3A_1099 : i32
          %get3A_1101 = arith.index_cast %add3A_1100 : i32 to index
          %get3A_1102 = tpu.vector_load %arg5[%get3A_1101] {strides = array<i32>} : memref<50000xf32, #tpu.memory_space<vmem>>, vector<16xf32>,
          %gt3A_1103 = vector.broadcast %scan3A_919 : f32 to vector<16xf32>
          %gt3A_1104 = arith.cmpf ogt, %get3A_1102, %gt3A_1103 : vector<16xf32>
          %mul3A_1105 = arith.constant 16 : i32
          %mul3A_1106 = vector.broadcast %mul3A_1105 : i32 to vector<16xi32>
          %mul3A_1107 = arith.muli %while3A_1093, %mul3A_1106 : vector<16xi32>
          %add3A_1108 = arith.addi %mul3A_1107, %iota3A : vector<16xi32>
          %add3A_1109 = arith.constant 0 : i32
          %add3A_1110 = arith.addi %add3A_1109, %add3A_1100 : i32
          %add3A_1111 = vector.broadcast %add3A_1110 : i32 to vector<16xi32>
          %add3A_1112 = arith.addi %add3A_1111, %iota3A : vector<16xi32>
          tpu.vector_store_idx %arg7[%add3A_1108], %get3A_1102 masked %gt3A_1104 : memref<1024xf32, #tpu.memory_space<vmem>>[vector<16xi32>], vector<16xf32>, vector<16xi1>
          tpu.vector_store_idx %arg8[%add3A_1108], %add3A_1112 masked %gt3A_1104 : memref<1024xi32, #tpu.memory_space<vmem>>[vector<16xi32>], vector<16xi32>, vector<16xi1>
          %jit3A_1113 = arith.constant 1 : i32
          %jit3A_1114 = arith.constant 0 : i32
          %broadcast_in_dim3A_1115 = vector.broadcast %jit3A_1113 : i32 to vector<16xi32>
          %broadcast_in_dim3A_1116 = vector.broadcast %jit3A_1114 : i32 to vector<16xi32>
          %select_n3A_1117 = arith.select %gt3A_1104, %broadcast_in_dim3A_1115, %broadcast_in_dim3A_1116 : vector<16xi1>, vector<16xi32>
          %add3A_1118 = arith.addi %while3A_1093, %select_n3A_1117 : vector<16xi32>
          %mul3A_1119 = arith.constant 5 : i32
          %mul3A_1120 = arith.muli %while3A_1092, %mul3A_1119 : i32
          %add3A_1121 = arith.constant 1 : i32
          %add3A_1122 = arith.addi %mul3A_1120, %add3A_1121 : i32
          %mul3A_1123 = arith.constant 16 : i32
          %mul3A_1124 = arith.muli %add3A_1122, %mul3A_1123 : i32
          %add3A_1125 = arith.addi %mul3A_922, %mul3A_1124 : i32
          %get3A_1126 = arith.index_cast %add3A_1125 : i32 to index
          %get3A_1127 = tpu.vector_load %arg5[%get3A_1126] {strides = array<i32>} : memref<50000xf32, #tpu.memory_space<vmem>>, vector<16xf32>,
          %gt3A_1128 = vector.broadcast %scan3A_919 : f32 to vector<16xf32>
          %gt3A_1129 = arith.cmpf ogt, %get3A_1127, %gt3A_1128 : vector<16xf32>
          %mul3A_1130 = arith.constant 16 : i32
          %mul3A_1131 = vector.broadcast %mul3A_1130 : i32 to vector<16xi32>
          %mul3A_1132 = arith.muli %add3A_1118, %mul3A_1131 : vector<16xi32>
          %add3A_1133 = arith.addi %mul3A_1132, %iota3A : vector<16xi32>
          %add3A_1134 = arith.constant 0 : i32
          %add3A_1135 = arith.addi %add3A_1134, %add3A_1125 : i32
          %add3A_1136 = vector.broadcast %add3A_1135 : i32 to vector<16xi32>
          %add3A_1137 = arith.addi %add3A_1136, %iota3A : vector<16xi32>
          tpu.vector_store_idx %arg7[%add3A_1133], %get3A_1127 masked %gt3A_1129 : memref<1024xf32, #tpu.memory_space<vmem>>[vector<16xi32>], vector<16xf32>, vector<16xi1>
          tpu.vector_store_idx %arg8[%add3A_1133], %add3A_1137 masked %gt3A_1129 : memref<1024xi32, #tpu.memory_space<vmem>>[vector<16xi32>], vector<16xi32>, vector<16xi1>
          %jit3A_1138 = arith.constant 1 : i32
          %jit3A_1139 = arith.constant 0 : i32
          %broadcast_in_dim3A_1140 = vector.broadcast %jit3A_1138 : i32 to vector<16xi32>
          %broadcast_in_dim3A_1141 = vector.broadcast %jit3A_1139 : i32 to vector<16xi32>
          %select_n3A_1142 = arith.select %gt3A_1129, %broadcast_in_dim3A_1140, %broadcast_in_dim3A_1141 : vector<16xi1>, vector<16xi32>
          %add3A_1143 = arith.addi %add3A_1118, %select_n3A_1142 : vector<16xi32>
          %mul3A_1144 = arith.constant 5 : i32
          %mul3A_1145 = arith.muli %while3A_1092, %mul3A_1144 : i32
          %add3A_1146 = arith.constant 2 : i32
          %add3A_1147 = arith.addi %mul3A_1145, %add3A_1146 : i32
          %mul3A_1148 = arith.constant 16 : i32
          %mul3A_1149 = arith.muli %add3A_1147, %mul3A_1148 : i32
          %add3A_1150 = arith.addi %mul3A_922, %mul3A_1149 : i32
          %get3A_1151 = arith.index_cast %add3A_1150 : i32 to index
          %get3A_1152 = tpu.vector_load %arg5[%get3A_1151] {strides = array<i32>} : memref<50000xf32, #tpu.memory_space<vmem>>, vector<16xf32>,
          %gt3A_1153 = vector.broadcast %scan3A_919 : f32 to vector<16xf32>
          %gt3A_1154 = arith.cmpf ogt, %get3A_1152, %gt3A_1153 : vector<16xf32>
          %mul3A_1155 = arith.constant 16 : i32
          %mul3A_1156 = vector.broadcast %mul3A_1155 : i32 to vector<16xi32>
          %mul3A_1157 = arith.muli %add3A_1143, %mul3A_1156 : vector<16xi32>
          %add3A_1158 = arith.addi %mul3A_1157, %iota3A : vector<16xi32>
          %add3A_1159 = arith.constant 0 : i32
          %add3A_1160 = arith.addi %add3A_1159, %add3A_1150 : i32
          %add3A_1161 = vector.broadcast %add3A_1160 : i32 to vector<16xi32>
          %add3A_1162 = arith.addi %add3A_1161, %iota3A : vector<16xi32>
          tpu.vector_store_idx %arg7[%add3A_1158], %get3A_1152 masked %gt3A_1154 : memref<1024xf32, #tpu.memory_space<vmem>>[vector<16xi32>], vector<16xf32>, vector<16xi1>
          tpu.vector_store_idx %arg8[%add3A_1158], %add3A_1162 masked %gt3A_1154 : memref<1024xi32, #tpu.memory_space<vmem>>[vector<16xi32>], vector<16xi32>, vector<16xi1>
          %jit3A_1163 = arith.constant 1 : i32
          %jit3A_1164 = arith.constant 0 : i32
          %broadcast_in_dim3A_1165 = vector.broadcast %jit3A_1163 : i32 to vector<16xi32>
          %broadcast_in_dim3A_1166 = vector.broadcast %jit3A_1164 : i32 to vector<16xi32>
          %select_n3A_1167 = arith.select %gt3A_1154, %broadcast_in_dim3A_1165, %broadcast_in_dim3A_1166 : vector<16xi1>, vector<16xi32>
          %add3A_1168 = arith.addi %add3A_1143, %select_n3A_1167 : vector<16xi32>
          %mul3A_1169 = arith.constant 5 : i32
          %mul3A_1170 = arith.muli %while3A_1092, %mul3A_1169 : i32
          %add3A_1171 = arith.constant 3 : i32
          %add3A_1172 = arith.addi %mul3A_1170, %add3A_1171 : i32
          %mul3A_1173 = arith.constant 16 : i32
          %mul3A_1174 = arith.muli %add3A_1172, %mul3A_1173 : i32
          %add3A_1175 = arith.addi %mul3A_922, %mul3A_1174 : i32
          %get3A_1176 = arith.index_cast %add3A_1175 : i32 to index
          %get3A_1177 = tpu.vector_load %arg5[%get3A_1176] {strides = array<i32>} : memref<50000xf32, #tpu.memory_space<vmem>>, vector<16xf32>,
          %gt3A_1178 = vector.broadcast %scan3A_919 : f32 to vector<16xf32>
          %gt3A_1179 = arith.cmpf ogt, %get3A_1177, %gt3A_1178 : vector<16xf32>
          %mul3A_1180 = arith.constant 16 : i32
          %mul3A_1181 = vector.broadcast %mul3A_1180 : i32 to vector<16xi32>
          %mul3A_1182 = arith.muli %add3A_1168, %mul3A_1181 : vector<16xi32>
          %add3A_1183 = arith.addi %mul3A_1182, %iota3A : vector<16xi32>
          %add3A_1184 = arith.constant 0 : i32
          %add3A_1185 = arith.addi %add3A_1184, %add3A_1175 : i32
          %add3A_1186 = vector.broadcast %add3A_1185 : i32 to vector<16xi32>
          %add3A_1187 = arith.addi %add3A_1186, %iota3A : vector<16xi32>
          tpu.vector_store_idx %arg7[%add3A_1183], %get3A_1177 masked %gt3A_1179 : memref<1024xf32, #tpu.memory_space<vmem>>[vector<16xi32>], vector<16xf32>, vector<16xi1>
          tpu.vector_store_idx %arg8[%add3A_1183], %add3A_1187 masked %gt3A_1179 : memref<1024xi32, #tpu.memory_space<vmem>>[vector<16xi32>], vector<16xi32>, vector<16xi1>
          %jit3A_1188 = arith.constant 1 : i32
          %jit3A_1189 = arith.constant 0 : i32
          %broadcast_in_dim3A_1190 = vector.broadcast %jit3A_1188 : i32 to vector<16xi32>
          %broadcast_in_dim3A_1191 = vector.broadcast %jit3A_1189 : i32 to vector<16xi32>
          %select_n3A_1192 = arith.select %gt3A_1179, %broadcast_in_dim3A_1190, %broadcast_in_dim3A_1191 : vector<16xi1>, vector<16xi32>
          %add3A_1193 = arith.addi %add3A_1168, %select_n3A_1192 : vector<16xi32>
          %mul3A_1194 = arith.constant 5 : i32
          %mul3A_1195 = arith.muli %while3A_1092, %mul3A_1194 : i32
          %add3A_1196 = arith.constant 4 : i32
          %add3A_1197 = arith.addi %mul3A_1195, %add3A_1196 : i32
          %mul3A_1198 = arith.constant 16 : i32
          %mul3A_1199 = arith.muli %add3A_1197, %mul3A_1198 : i32
          %add3A_1200 = arith.addi %mul3A_922, %mul3A_1199 : i32
          %get3A_1201 = arith.index_cast %add3A_1200 : i32 to index
          %get3A_1202 = tpu.vector_load %arg5[%get3A_1201] {strides = array<i32>} : memref<50000xf32, #tpu.memory_space<vmem>>, vector<16xf32>,
          %gt3A_1203 = vector.broadcast %scan3A_919 : f32 to vector<16xf32>
          %gt3A_1204 = arith.cmpf ogt, %get3A_1202, %gt3A_1203 : vector<16xf32>
          %mul3A_1205 = arith.constant 16 : i32
          %mul3A_1206 = vector.broadcast %mul3A_1205 : i32 to vector<16xi32>
          %mul3A_1207 = arith.muli %add3A_1193, %mul3A_1206 : vector<16xi32>
          %add3A_1208 = arith.addi %mul3A_1207, %iota3A : vector<16xi32>
          %add3A_1209 = arith.constant 0 : i32
          %add3A_1210 = arith.addi %add3A_1209, %add3A_1200 : i32
          %add3A_1211 = vector.broadcast %add3A_1210 : i32 to vector<16xi32>
          %add3A_1212 = arith.addi %add3A_1211, %iota3A : vector<16xi32>
          tpu.vector_store_idx %arg7[%add3A_1208], %get3A_1202 masked %gt3A_1204 : memref<1024xf32, #tpu.memory_space<vmem>>[vector<16xi32>], vector<16xf32>, vector<16xi1>
          tpu.vector_store_idx %arg8[%add3A_1208], %add3A_1212 masked %gt3A_1204 : memref<1024xi32, #tpu.memory_space<vmem>>[vector<16xi32>], vector<16xi32>, vector<16xi1>
          %jit3A_1213 = arith.constant 1 : i32
          %jit3A_1214 = arith.constant 0 : i32
          %broadcast_in_dim3A_1215 = vector.broadcast %jit3A_1213 : i32 to vector<16xi32>
          %broadcast_in_dim3A_1216 = vector.broadcast %jit3A_1214 : i32 to vector<16xi32>
          %select_n3A_1217 = arith.select %gt3A_1204, %broadcast_in_dim3A_1215, %broadcast_in_dim3A_1216 : vector<16xi1>, vector<16xi32>
          %add3A_1218 = arith.addi %add3A_1193, %select_n3A_1217 : vector<16xi32>
          scf.yield %add3A_1218 : vector<16xi32>
        }
        %while3A_1063 = arith.constant 1 : i32
        %while3A_1064 = scf.for %while3A_1092 = %while3A_1060 to %while3A_1056 step %while3A_1063 iter_args(%while3A_1093 = %while3A_1062) -> (vector<16xi32>)  : i32 {
          %mul3A_1094 = arith.constant 5 : i32
          %mul3A_1095 = arith.muli %while3A_1092, %mul3A_1094 : i32
          %add3A_1096 = arith.constant 0 : i32
          %add3A_1097 = arith.addi %mul3A_1095, %add3A_1096 : i32
          %mul3A_1098 = arith.constant 16 : i32
          %mul3A_1099 = arith.muli %add3A_1097, %mul3A_1098 : i32
          %add3A_1100 = arith.addi %mul3A_922, %mul3A_1099 : i32
          %get3A_1101 = arith.index_cast %add3A_1100 : i32 to index
          %get3A_1102 = tpu.vector_load %arg5[%get3A_1101] {strides = array<i32>} : memref<50000xf32, #tpu.memory_space<vmem>>, vector<16xf32>,
          %gt3A_1103 = vector.broadcast %scan3A_919 : f32 to vector<16xf32>
          %gt3A_1104 = arith.cmpf ogt, %get3A_1102, %gt3A_1103 : vector<16xf32>
          %mul3A_1105 = arith.constant 16 : i32
          %mul3A_1106 = vector.broadcast %mul3A_1105 : i32 to vector<16xi32>
          %mul3A_1107 = arith.muli %while3A_1093, %mul3A_1106 : vector<16xi32>
          %add3A_1108 = arith.addi %mul3A_1107, %iota3A : vector<16xi32>
          %add3A_1109 = arith.constant 0 : i32
          %add3A_1110 = arith.addi %add3A_1109, %add3A_1100 : i32
          %add3A_1111 = vector.broadcast %add3A_1110 : i32 to vector<16xi32>
          %add3A_1112 = arith.addi %add3A_1111, %iota3A : vector<16xi32>
          tpu.vector_store_idx %arg7[%add3A_1108], %get3A_1102 masked %gt3A_1104 : memref<1024xf32, #tpu.memory_space<vmem>>[vector<16xi32>], vector<16xf32>, vector<16xi1>
          tpu.vector_store_idx %arg8[%add3A_1108], %add3A_1112 masked %gt3A_1104 : memref<1024xi32, #tpu.memory_space<vmem>>[vector<16xi32>], vector<16xi32>, vector<16xi1>
          %jit3A_1113 = arith.constant 1 : i32
          %jit3A_1114 = arith.constant 0 : i32
          %broadcast_in_dim3A_1115 = vector.broadcast %jit3A_1113 : i32 to vector<16xi32>
          %broadcast_in_dim3A_1116 = vector.broadcast %jit3A_1114 : i32 to vector<16xi32>
          %select_n3A_1117 = arith.select %gt3A_1104, %broadcast_in_dim3A_1115, %broadcast_in_dim3A_1116 : vector<16xi1>, vector<16xi32>
          %add3A_1118 = arith.addi %while3A_1093, %select_n3A_1117 : vector<16xi32>
          %mul3A_1119 = arith.constant 5 : i32
          %mul3A_1120 = arith.muli %while3A_1092, %mul3A_1119 : i32
          %add3A_1121 = arith.constant 1 : i32
          %add3A_1122 = arith.addi %mul3A_1120, %add3A_1121 : i32
          %mul3A_1123 = arith.constant 16 : i32
          %mul3A_1124 = arith.muli %add3A_1122, %mul3A_1123 : i32
          %add3A_1125 = arith.addi %mul3A_922, %mul3A_1124 : i32
          %get3A_1126 = arith.index_cast %add3A_1125 : i32 to index
          %get3A_1127 = tpu.vector_load %arg5[%get3A_1126] {strides = array<i32>} : memref<50000xf32, #tpu.memory_space<vmem>>, vector<16xf32>,
          %gt3A_1128 = vector.broadcast %scan3A_919 : f32 to vector<16xf32>
          %gt3A_1129 = arith.cmpf ogt, %get3A_1127, %gt3A_1128 : vector<16xf32>
          %mul3A_1130 = arith.constant 16 : i32
          %mul3A_1131 = vector.broadcast %mul3A_1130 : i32 to vector<16xi32>
          %mul3A_1132 = arith.muli %add3A_1118, %mul3A_1131 : vector<16xi32>
          %add3A_1133 = arith.addi %mul3A_1132, %iota3A : vector<16xi32>
          %add3A_1134 = arith.constant 0 : i32
          %add3A_1135 = arith.addi %add3A_1134, %add3A_1125 : i32
          %add3A_1136 = vector.broadcast %add3A_1135 : i32 to vector<16xi32>
          %add3A_1137 = arith.addi %add3A_1136, %iota3A : vector<16xi32>
          tpu.vector_store_idx %arg7[%add3A_1133], %get3A_1127 masked %gt3A_1129 : memref<1024xf32, #tpu.memory_space<vmem>>[vector<16xi32>], vector<16xf32>, vector<16xi1>
          tpu.vector_store_idx %arg8[%add3A_1133], %add3A_1137 masked %gt3A_1129 : memref<1024xi32, #tpu.memory_space<vmem>>[vector<16xi32>], vector<16xi32>, vector<16xi1>
          %jit3A_1138 = arith.constant 1 : i32
          %jit3A_1139 = arith.constant 0 : i32
          %broadcast_in_dim3A_1140 = vector.broadcast %jit3A_1138 : i32 to vector<16xi32>
          %broadcast_in_dim3A_1141 = vector.broadcast %jit3A_1139 : i32 to vector<16xi32>
          %select_n3A_1142 = arith.select %gt3A_1129, %broadcast_in_dim3A_1140, %broadcast_in_dim3A_1141 : vector<16xi1>, vector<16xi32>
          %add3A_1143 = arith.addi %add3A_1118, %select_n3A_1142 : vector<16xi32>
          %mul3A_1144 = arith.constant 5 : i32
          %mul3A_1145 = arith.muli %while3A_1092, %mul3A_1144 : i32
          %add3A_1146 = arith.constant 2 : i32
          %add3A_1147 = arith.addi %mul3A_1145, %add3A_1146 : i32
          %mul3A_1148 = arith.constant 16 : i32
          %mul3A_1149 = arith.muli %add3A_1147, %mul3A_1148 : i32
          %add3A_1150 = arith.addi %mul3A_922, %mul3A_1149 : i32
          %get3A_1151 = arith.index_cast %add3A_1150 : i32 to index
          %get3A_1152 = tpu.vector_load %arg5[%get3A_1151] {strides = array<i32>} : memref<50000xf32, #tpu.memory_space<vmem>>, vector<16xf32>,
          %gt3A_1153 = vector.broadcast %scan3A_919 : f32 to vector<16xf32>
          %gt3A_1154 = arith.cmpf ogt, %get3A_1152, %gt3A_1153 : vector<16xf32>
          %mul3A_1155 = arith.constant 16 : i32
          %mul3A_1156 = vector.broadcast %mul3A_1155 : i32 to vector<16xi32>
          %mul3A_1157 = arith.muli %add3A_1143, %mul3A_1156 : vector<16xi32>
          %add3A_1158 = arith.addi %mul3A_1157, %iota3A : vector<16xi32>
          %add3A_1159 = arith.constant 0 : i32
          %add3A_1160 = arith.addi %add3A_1159, %add3A_1150 : i32
          %add3A_1161 = vector.broadcast %add3A_1160 : i32 to vector<16xi32>
          %add3A_1162 = arith.addi %add3A_1161, %iota3A : vector<16xi32>
          tpu.vector_store_idx %arg7[%add3A_1158], %get3A_1152 masked %gt3A_1154 : memref<1024xf32, #tpu.memory_space<vmem>>[vector<16xi32>], vector<16xf32>, vector<16xi1>
          tpu.vector_store_idx %arg8[%add3A_1158], %add3A_1162 masked %gt3A_1154 : memref<1024xi32, #tpu.memory_space<vmem>>[vector<16xi32>], vector<16xi32>, vector<16xi1>
          %jit3A_1163 = arith.constant 1 : i32
          %jit3A_1164 = arith.constant 0 : i32
          %broadcast_in_dim3A_1165 = vector.broadcast %jit3A_1163 : i32 to vector<16xi32>
          %broadcast_in_dim3A_1166 = vector.broadcast %jit3A_1164 : i32 to vector<16xi32>
          %select_n3A_1167 = arith.select %gt3A_1154, %broadcast_in_dim3A_1165, %broadcast_in_dim3A_1166 : vector<16xi1>, vector<16xi32>
          %add3A_1168 = arith.addi %add3A_1143, %select_n3A_1167 : vector<16xi32>
          %mul3A_1169 = arith.constant 5 : i32
          %mul3A_1170 = arith.muli %while3A_1092, %mul3A_1169 : i32
          %add3A_1171 = arith.constant 3 : i32
          %add3A_1172 = arith.addi %mul3A_1170, %add3A_1171 : i32
          %mul3A_1173 = arith.constant 16 : i32
          %mul3A_1174 = arith.muli %add3A_1172, %mul3A_1173 : i32
          %add3A_1175 = arith.addi %mul3A_922, %mul3A_1174 : i32
          %get3A_1176 = arith.index_cast %add3A_1175 : i32 to index
          %get3A_1177 = tpu.vector_load %arg5[%get3A_1176] {strides = array<i32>} : memref<50000xf32, #tpu.memory_space<vmem>>, vector<16xf32>,
          %gt3A_1178 = vector.broadcast %scan3A_919 : f32 to vector<16xf32>
          %gt3A_1179 = arith.cmpf ogt, %get3A_1177, %gt3A_1178 : vector<16xf32>
          %mul3A_1180 = arith.constant 16 : i32
          %mul3A_1181 = vector.broadcast %mul3A_1180 : i32 to vector<16xi32>
          %mul3A_1182 = arith.muli %add3A_1168, %mul3A_1181 : vector<16xi32>
          %add3A_1183 = arith.addi %mul3A_1182, %iota3A : vector<16xi32>
          %add3A_1184 = arith.constant 0 : i32
          %add3A_1185 = arith.addi %add3A_1184, %add3A_1175 : i32
          %add3A_1186 = vector.broadcast %add3A_1185 : i32 to vector<16xi32>
          %add3A_1187 = arith.addi %add3A_1186, %iota3A : vector<16xi32>
          tpu.vector_store_idx %arg7[%add3A_1183], %get3A_1177 masked %gt3A_1179 : memref<1024xf32, #tpu.memory_space<vmem>>[vector<16xi32>], vector<16xf32>, vector<16xi1>
          tpu.vector_store_idx %arg8[%add3A_1183], %add3A_1187 masked %gt3A_1179 : memref<1024xi32, #tpu.memory_space<vmem>>[vector<16xi32>], vector<16xi32>, vector<16xi1>
          %jit3A_1188 = arith.constant 1 : i32
          %jit3A_1189 = arith.constant 0 : i32
          %broadcast_in_dim3A_1190 = vector.broadcast %jit3A_1188 : i32 to vector<16xi32>
          %broadcast_in_dim3A_1191 = vector.broadcast %jit3A_1189 : i32 to vector<16xi32>
          %select_n3A_1192 = arith.select %gt3A_1179, %broadcast_in_dim3A_1190, %broadcast_in_dim3A_1191 : vector<16xi1>, vector<16xi32>
          %add3A_1193 = arith.addi %add3A_1168, %select_n3A_1192 : vector<16xi32>
          %mul3A_1194 = arith.constant 5 : i32
          %mul3A_1195 = arith.muli %while3A_1092, %mul3A_1194 : i32
          %add3A_1196 = arith.constant 4 : i32
          %add3A_1197 = arith.addi %mul3A_1195, %add3A_1196 : i32
          %mul3A_1198 = arith.constant 16 : i32
          %mul3A_1199 = arith.muli %add3A_1197, %mul3A_1198 : i32
          %add3A_1200 = arith.addi %mul3A_922, %mul3A_1199 : i32
          %get3A_1201 = arith.index_cast %add3A_1200 : i32 to index
          %get3A_1202 = tpu.vector_load %arg5[%get3A_1201] {strides = array<i32>} : memref<50000xf32, #tpu.memory_space<vmem>>, vector<16xf32>,
          %gt3A_1203 = vector.broadcast %scan3A_919 : f32 to vector<16xf32>
          %gt3A_1204 = arith.cmpf ogt, %get3A_1202, %gt3A_1203 : vector<16xf32>
          %mul3A_1205 = arith.constant 16 : i32
          %mul3A_1206 = vector.broadcast %mul3A_1205 : i32 to vector<16xi32>
          %mul3A_1207 = arith.muli %add3A_1193, %mul3A_1206 : vector<16xi32>
          %add3A_1208 = arith.addi %mul3A_1207, %iota3A : vector<16xi32>
          %add3A_1209 = arith.constant 0 : i32
          %add3A_1210 = arith.addi %add3A_1209, %add3A_1200 : i32
          %add3A_1211 = vector.broadcast %add3A_1210 : i32 to vector<16xi32>
          %add3A_1212 = arith.addi %add3A_1211, %iota3A : vector<16xi32>
          tpu.vector_store_idx %arg7[%add3A_1208], %get3A_1202 masked %gt3A_1204 : memref<1024xf32, #tpu.memory_space<vmem>>[vector<16xi32>], vector<16xf32>, vector<16xi1>
          tpu.vector_store_idx %arg8[%add3A_1208], %add3A_1212 masked %gt3A_1204 : memref<1024xi32, #tpu.memory_space<vmem>>[vector<16xi32>], vector<16xi32>, vector<16xi1>
          %jit3A_1213 = arith.constant 1 : i32
          %jit3A_1214 = arith.constant 0 : i32
          %broadcast_in_dim3A_1215 = vector.broadcast %jit3A_1213 : i32 to vector<16xi32>
          %broadcast_in_dim3A_1216 = vector.broadcast %jit3A_1214 : i32 to vector<16xi32>
          %select_n3A_1217 = arith.select %gt3A_1204, %broadcast_in_dim3A_1215, %broadcast_in_dim3A_1216 : vector<16xi1>, vector<16xi32>
          %add3A_1218 = arith.addi %add3A_1193, %select_n3A_1217 : vector<16xi32>
          scf.yield %add3A_1218 : vector<16xi32>
        }
        %gt3A_1065 = arith.constant 38 : i32
        %gt3A_1066 = vector.broadcast %gt3A_1065 : i32 to vector<16xi32>
        %gt3A_1067 = arith.cmpi sgt, %while3A_1064, %gt3A_1066 : vector<16xi32>
        %all_reduce_population_count3A_1068 = tpu.all_reduce %gt3A_1067 {dim = 0 : i64, kind = #tpu.reduction_kind<sum>} : vector<16xi1> -> vector<16xi32>
        %slice3A_1069 = vector.extract_strided_slice %all_reduce_population_count3A_1068 {offsets = [0], sizes = [1], strides = [1]} : vector<16xi32> to vector<1xi32>
        %squeeze3A_1070 = vector.extract %slice3A_1069[0] : i32 from vector<1xi32>
        %gt3A_1071 = arith.constant 0 : i32
        %gt3A_1072 = arith.cmpi sgt, %squeeze3A_1070, %gt3A_1071 : i32
        %jit3A_1073 = arith.constant 64 : i32
        %jit3A_1074 = arith.constant 0 : i32
        %select_n3A_1075 = arith.select %gt3A_1072, %jit3A_1073, %jit3A_1074 : i32
        %while3A_1076 = arith.constant 0 : i32
        %while3A_1077 = arith.subi %select_n3A_1075, %while3A_1076 : i32
        %while3A_1078 = arith.addi %while3A_1076, %while3A_1077 : i32
        %while3A_1079 = arith.constant 1 : i32
        %while3A_1080 = arith.divsi %while3A_1077, %while3A_1079 : i32
        %while3A_1081 = arith.muli %while3A_1080, %while3A_1079 : i32
        %while3A_1082 = arith.addi %while3A_1076, %while3A_1081 : i32
        %while3A_1083 = arith.constant 1 : i32
        %while3A_1084:3 = scf.for %while3A_1092 = %while3A_1076 to %while3A_1082 step %while3A_1083 iter_args(%while3A_1093 = %scan3A_917, %while3A_1094 = %scan3A_918, %while3A_1095 = %scan3A_919) -> (vector<16xf32>, vector<16xi32>, f32)  : i32 {
          %mul3A_1096 = arith.constant 16 : i32
          %mul3A_1097 = arith.muli %while3A_1092, %mul3A_1096 : i32
          %get3A_1098 = arith.index_cast %mul3A_1097 : i32 to index
          %get3A_1099 = tpu.vector_load %arg7[%get3A_1098] {strides = array<i32>} : memref<1024xf32, #tpu.memory_space<vmem>>, vector<16xf32>,
          %mul3A_1100 = arith.constant 16 : i32
          %mul3A_1101 = arith.muli %while3A_1092, %mul3A_1100 : i32
          %get3A_1102 = arith.index_cast %mul3A_1101 : i32 to index
          %get3A_1103 = tpu.vector_load %arg8[%get3A_1102] {strides = array<i32>} : memref<1024xi32, #tpu.memory_space<vmem>>, vector<16xi32>,
          %lt3A = vector.broadcast %while3A_1092 : i32 to vector<16xi32>
          %lt3A_1104 = arith.cmpi slt, %lt3A, %while3A_1064 : vector<16xi32>
          %jit3A_1105 = arith.constant 0.000000e+00 : f32
          %broadcast_in_dim3A_1106 = vector.broadcast %jit3A_1105 : f32 to vector<16xf32>
          %select_n3A_1107 = arith.select %lt3A_1104, %get3A_1099, %broadcast_in_dim3A_1106 : vector<16xi1>, vector<16xf32>
          %jit3A_1108 = arith.constant 0 : i32
          %broadcast_in_dim3A_1109 = vector.broadcast %jit3A_1108 : i32 to vector<16xi32>
          %select_n3A_1110 = arith.select %lt3A_1104, %get3A_1103, %broadcast_in_dim3A_1109 : vector<16xi1>, vector<16xi32>
          %masked_sort3A_1111 = arith.constant dense<true> : vector<16xi1>
          %masked_sort3A_1112, %masked_sort3A_1113, %masked_sort3A_1114 = tpu.sort %select_n3A_1107, %select_n3A_1110 masked %masked_sort3A_1111 {descending = true} : (vector<16xf32>, vector<16xi32>, vector<16xi1>) -> (vector<16xi1>, vector<16xf32>, vector<16xi32>)
          %gt3A_1115 = arith.cmpf ogt, %masked_sort3A_1113, %while3A_1093 : vector<16xf32>
          %select_n3A_1116 = arith.select %gt3A_1115, %masked_sort3A_1113, %while3A_1093 : vector<16xi1>, vector<16xf32>
          %select_n3A_1117 = arith.select %gt3A_1115, %masked_sort3A_1114, %while3A_1094 : vector<16xi1>, vector<16xi32>
          %masked_sort3A_1118 = arith.constant dense<true> : vector<16xi1>
          %masked_sort3A_1119, %masked_sort3A_1120, %masked_sort3A_1121 = tpu.sort %select_n3A_1116, %select_n3A_1117 masked %masked_sort3A_1118 : (vector<16xf32>, vector<16xi32>, vector<16xi1>) -> (vector<16xi1>, vector<16xf32>, vector<16xi32>)
          %slice3A_1122 = vector.extract_strided_slice %masked_sort3A_1120 {offsets = [0], sizes = [1], strides = [1]} : vector<16xf32> to vector<1xf32>
          %squeeze3A_1123 = vector.extract %slice3A_1122[0] : f32 from vector<1xf32>
          %max3A_1124 = arith.maximumf %while3A_1095, %squeeze3A_1123 : f32
          scf.yield %masked_sort3A_1120, %masked_sort3A_1121, %max3A_1124 : vector<16xf32>, vector<16xi32>, f32
        }
        %while3A_1085 = arith.constant 1 : i32
        %while3A_1086:3 = scf.for %while3A_1092 = %while3A_1082 to %while3A_1078 step %while3A_1085 iter_args(%while3A_1093 = %while3A_1084#0, %while3A_1094 = %while3A_1084#1, %while3A_1095 = %while3A_1084#2) -> (vector<16xf32>, vector<16xi32>, f32)  : i32 {
          %mul3A_1096 = arith.constant 16 : i32
          %mul3A_1097 = arith.muli %while3A_1092, %mul3A_1096 : i32
          %get3A_1098 = arith.index_cast %mul3A_1097 : i32 to index
          %get3A_1099 = tpu.vector_load %arg7[%get3A_1098] {strides = array<i32>} : memref<1024xf32, #tpu.memory_space<vmem>>, vector<16xf32>,
          %mul3A_1100 = arith.constant 16 : i32
          %mul3A_1101 = arith.muli %while3A_1092, %mul3A_1100 : i32
          %get3A_1102 = arith.index_cast %mul3A_1101 : i32 to index
          %get3A_1103 = tpu.vector_load %arg8[%get3A_1102] {strides = array<i32>} : memref<1024xi32, #tpu.memory_space<vmem>>, vector<16xi32>,
          %lt3A = vector.broadcast %while3A_1092 : i32 to vector<16xi32>
          %lt3A_1104 = arith.cmpi slt, %lt3A, %while3A_1064 : vector<16xi32>
          %jit3A_1105 = arith.constant 0.000000e+00 : f32
          %broadcast_in_dim3A_1106 = vector.broadcast %jit3A_1105 : f32 to vector<16xf32>
          %select_n3A_1107 = arith.select %lt3A_1104, %get3A_1099, %broadcast_in_dim3A_1106 : vector<16xi1>, vector<16xf32>
          %jit3A_1108 = arith.constant 0 : i32
          %broadcast_in_dim3A_1109 = vector.broadcast %jit3A_1108 : i32 to vector<16xi32>
          %select_n3A_1110 = arith.select %lt3A_1104, %get3A_1103, %broadcast_in_dim3A_1109 : vector<16xi1>, vector<16xi32>
          %masked_sort3A_1111 = arith.constant dense<true> : vector<16xi1>
          %masked_sort3A_1112, %masked_sort3A_1113, %masked_sort3A_1114 = tpu.sort %select_n3A_1107, %select_n3A_1110 masked %masked_sort3A_1111 {descending = true} : (vector<16xf32>, vector<16xi32>, vector<16xi1>) -> (vector<16xi1>, vector<16xf32>, vector<16xi32>)
          %gt3A_1115 = arith.cmpf ogt, %masked_sort3A_1113, %while3A_1093 : vector<16xf32>
          %select_n3A_1116 = arith.select %gt3A_1115, %masked_sort3A_1113, %while3A_1093 : vector<16xi1>, vector<16xf32>
          %select_n3A_1117 = arith.select %gt3A_1115, %masked_sort3A_1114, %while3A_1094 : vector<16xi1>, vector<16xi32>
          %masked_sort3A_1118 = arith.constant dense<true> : vector<16xi1>
          %masked_sort3A_1119, %masked_sort3A_1120, %masked_sort3A_1121 = tpu.sort %select_n3A_1116, %select_n3A_1117 masked %masked_sort3A_1118 : (vector<16xf32>, vector<16xi32>, vector<16xi1>) -> (vector<16xi1>, vector<16xf32>, vector<16xi32>)
          %slice3A_1122 = vector.extract_strided_slice %masked_sort3A_1120 {offsets = [0], sizes = [1], strides = [1]} : vector<16xf32> to vector<1xf32>
          %squeeze3A_1123 = vector.extract %slice3A_1122[0] : f32 from vector<1xf32>
          %max3A_1124 = arith.maximumf %while3A_1095, %squeeze3A_1123 : f32
          scf.yield %masked_sort3A_1120, %masked_sort3A_1121, %max3A_1124 : vector<16xf32>, vector<16xi32>, f32
        }
        %gt3A_1087 = arith.constant 0 : i32
        %gt3A_1088 = arith.cmpi sgt, %select_n3A_1075, %gt3A_1087 : i32
        %broadcast_in_dim3A_1089 = arith.constant 0 : i32
        %broadcast_in_dim3A_1090 = vector.broadcast %broadcast_in_dim3A_1089 : i32 to vector<16xi32>
        %select_n3A_1091 = arith.select %gt3A_1088, %broadcast_in_dim3A_1090, %while3A_1064 : vector<16xi32>
        scf.yield %while3A_1086#0, %while3A_1086#1, %while3A_1086#2, %select_n3A_1091 : vector<16xf32>, vector<16xi32>, f32, vector<16xi32>
      }
      %scan3A_851 = arith.constant 123 : i32
      %mul3A_852 = arith.constant 8 : i32
      %mul3A_853 = arith.muli %add3A, %mul3A_852 : i32
      %add3A_854 = arith.addi %mul3A_853, %scan3A_25 : i32
      %dma_wait3A_855 = arith.constant 50000 : i32
      %dma_wait3A_856 = tpu.memref_slice %arg2[%add3A_854, %dma_wait3A_855] : memref<256x100000xf32, #tpu.memory_space<hbm>> -> memref<1x50000xf32, #tpu.memory_space<hbm>>
      %dma_wait3A_857 = tpu.memref_squeeze %dma_wait3A_856 : memref<1x50000xf32, #tpu.memory_space<hbm>> -> memref<50000xf32, #tpu.memory_space<hbm>>
      %dma_wait3A_858 = arith.constant 50000 : i32
      %dma_wait3A_859 = tpu.memref_slice %arg2[%add3A_854, %dma_wait3A_858] : memref<256x100000xf32, #tpu.memory_space<hbm>> -> memref<1x50000xf32, #tpu.memory_space<hbm>>
      %dma_wait3A_860 = tpu.memref_squeeze %dma_wait3A_859 : memref<1x50000xf32, #tpu.memory_space<hbm>> -> memref<50000xf32, #tpu.memory_space<hbm>>
      tpu.wait_dma2 semaphore(%arg12 : memref<!tpu.dma_semaphore, #tpu.memory_space<semaphore_mem>>) src(%dma_wait3A_860 : memref<50000xf32, #tpu.memory_space<hbm>>) dst(%arg6 : memref<50000xf32, #tpu.memory_space<vmem>>)
      %add3A_861 = arith.constant 1 : i32
      %add3A_862 = arith.addi %scan3A_25, %add3A_861 : i32
      %min3A = arith.constant 7 : i32
      %min3A_863 = arith.minsi %add3A_862, %min3A : i32
      %mul3A_864 = arith.constant 8 : i32
      %mul3A_865 = arith.muli %add3A, %mul3A_864 : i32
      %add3A_866 = arith.addi %mul3A_865, %min3A_863 : i32
      %dma_start3A_867 = arith.constant 0 : i32
      %dma_start3A_868 = tpu.memref_slice %arg2[%add3A_866, %dma_start3A_867] : memref<256x100000xf32, #tpu.memory_space<hbm>> -> memref<1x50000xf32, #tpu.memory_space<hbm>>
      %dma_start3A_869 = tpu.memref_squeeze %dma_start3A_868 : memref<1x50000xf32, #tpu.memory_space<hbm>> -> memref<50000xf32, #tpu.memory_space<hbm>>
      %dma_start3A_870 = arith.constant 0 : i32
      %dma_start3A_871 = tpu.memref_slice %arg2[%add3A_866, %dma_start3A_870] : memref<256x100000xf32, #tpu.memory_space<hbm>> -> memref<1x50000xf32, #tpu.memory_space<hbm>>
      %dma_start3A_872 = tpu.memref_squeeze %dma_start3A_871 : memref<1x50000xf32, #tpu.memory_space<hbm>> -> memref<50000xf32, #tpu.memory_space<hbm>>
      tpu.enqueue_dma source(%dma_start3A_872 : memref<50000xf32, #tpu.memory_space<hbm>>) target(%arg5 : memref<50000xf32, #tpu.memory_space<vmem>>) target_semaphore(%arg11 : memref<!tpu.dma_semaphore, #tpu.memory_space<semaphore_mem>>)
      %scan3A_873 = arith.constant 0 : i32
      %scan3A_874 = arith.constant 125 : i32
      %scan3A_875 = arith.addi %scan3A_873, %scan3A_874 : i32
      %scan3A_876 = arith.constant 1 : i32
      %scan3A_877:4 = scf.for %scan3A_916 = %scan3A_873 to %scan3A_875 step %scan3A_876 iter_args(%scan3A_917 = %scan3A_850#0, %scan3A_918 = %scan3A_850#1, %scan3A_919 = %scan3A_850#2, %scan3A_920 = %scan3A_850#3) -> (vector<16xf32>, vector<16xi32>, f32, vector<16xi32>)  : i32 {
        %mul3A_921 = arith.constant 400 : i32
        %mul3A_922 = arith.muli %scan3A_916, %mul3A_921 : i32
        %add3A_923 = arith.constant 0 : i32
        %add3A_924 = arith.addi %mul3A_922, %add3A_923 : i32
        %get3A_925 = arith.index_cast %add3A_924 : i32 to index
        %get3A_926 = tpu.vector_load %arg6[%get3A_925] {strides = array<i32>} : memref<50000xf32, #tpu.memory_space<vmem>>, vector<16xf32>,
        %add3A_927 = arith.constant 16 : i32
        %add3A_928 = arith.addi %mul3A_922, %add3A_927 : i32
        %get3A_929 = arith.index_cast %add3A_928 : i32 to index
        %get3A_930 = tpu.vector_load %arg6[%get3A_929] {strides = array<i32>} : memref<50000xf32, #tpu.memory_space<vmem>>, vector<16xf32>,
        %add3A_931 = arith.constant 32 : i32
        %add3A_932 = arith.addi %mul3A_922, %add3A_931 : i32
        %get3A_933 = arith.index_cast %add3A_932 : i32 to index
        %get3A_934 = tpu.vector_load %arg6[%get3A_933] {strides = array<i32>} : memref<50000xf32, #tpu.memory_space<vmem>>, vector<16xf32>,
        %add3A_935 = arith.constant 48 : i32
        %add3A_936 = arith.addi %mul3A_922, %add3A_935 : i32
        %get3A_937 = arith.index_cast %add3A_936 : i32 to index
        %get3A_938 = tpu.vector_load %arg6[%get3A_937] {strides = array<i32>} : memref<50000xf32, #tpu.memory_space<vmem>>, vector<16xf32>,
        %add3A_939 = arith.constant 64 : i32
        %add3A_940 = arith.addi %mul3A_922, %add3A_939 : i32
        %get3A_941 = arith.index_cast %add3A_940 : i32 to index
        %get3A_942 = tpu.vector_load %arg6[%get3A_941] {strides = array<i32>} : memref<50000xf32, #tpu.memory_space<vmem>>, vector<16xf32>,
        %add3A_943 = arith.constant 80 : i32
        %add3A_944 = arith.addi %mul3A_922, %add3A_943 : i32
        %get3A_945 = arith.index_cast %add3A_944 : i32 to index
        %get3A_946 = tpu.vector_load %arg6[%get3A_945] {strides = array<i32>} : memref<50000xf32, #tpu.memory_space<vmem>>, vector<16xf32>,
        %add3A_947 = arith.constant 96 : i32
        %add3A_948 = arith.addi %mul3A_922, %add3A_947 : i32
        %get3A_949 = arith.index_cast %add3A_948 : i32 to index
        %get3A_950 = tpu.vector_load %arg6[%get3A_949] {strides = array<i32>} : memref<50000xf32, #tpu.memory_space<vmem>>, vector<16xf32>,
        %add3A_951 = arith.constant 112 : i32
        %add3A_952 = arith.addi %mul3A_922, %add3A_951 : i32
        %get3A_953 = arith.index_cast %add3A_952 : i32 to index
        %get3A_954 = tpu.vector_load %arg6[%get3A_953] {strides = array<i32>} : memref<50000xf32, #tpu.memory_space<vmem>>, vector<16xf32>,
        %add3A_955 = arith.constant 128 : i32
        %add3A_956 = arith.addi %mul3A_922, %add3A_955 : i32
        %get3A_957 = arith.index_cast %add3A_956 : i32 to index
        %get3A_958 = tpu.vector_load %arg6[%get3A_957] {strides = array<i32>} : memref<50000xf32, #tpu.memory_space<vmem>>, vector<16xf32>,
        %add3A_959 = arith.constant 144 : i32
        %add3A_960 = arith.addi %mul3A_922, %add3A_959 : i32
        %get3A_961 = arith.index_cast %add3A_960 : i32 to index
        %get3A_962 = tpu.vector_load %arg6[%get3A_961] {strides = array<i32>} : memref<50000xf32, #tpu.memory_space<vmem>>, vector<16xf32>,
        %add3A_963 = arith.constant 160 : i32
        %add3A_964 = arith.addi %mul3A_922, %add3A_963 : i32
        %get3A_965 = arith.index_cast %add3A_964 : i32 to index
        %get3A_966 = tpu.vector_load %arg6[%get3A_965] {strides = array<i32>} : memref<50000xf32, #tpu.memory_space<vmem>>, vector<16xf32>,
        %add3A_967 = arith.constant 176 : i32
        %add3A_968 = arith.addi %mul3A_922, %add3A_967 : i32
        %get3A_969 = arith.index_cast %add3A_968 : i32 to index
        %get3A_970 = tpu.vector_load %arg6[%get3A_969] {strides = array<i32>} : memref<50000xf32, #tpu.memory_space<vmem>>, vector<16xf32>,
        %add3A_971 = arith.constant 192 : i32
        %add3A_972 = arith.addi %mul3A_922, %add3A_971 : i32
        %get3A_973 = arith.index_cast %add3A_972 : i32 to index
        %get3A_974 = tpu.vector_load %arg6[%get3A_973] {strides = array<i32>} : memref<50000xf32, #tpu.memory_space<vmem>>, vector<16xf32>,
        %add3A_975 = arith.constant 208 : i32
        %add3A_976 = arith.addi %mul3A_922, %add3A_975 : i32
        %get3A_977 = arith.index_cast %add3A_976 : i32 to index
        %get3A_978 = tpu.vector_load %arg6[%get3A_977] {strides = array<i32>} : memref<50000xf32, #tpu.memory_space<vmem>>, vector<16xf32>,
        %add3A_979 = arith.constant 224 : i32
        %add3A_980 = arith.addi %mul3A_922, %add3A_979 : i32
        %get3A_981 = arith.index_cast %add3A_980 : i32 to index
        %get3A_982 = tpu.vector_load %arg6[%get3A_981] {strides = array<i32>} : memref<50000xf32, #tpu.memory_space<vmem>>, vector<16xf32>,
        %add3A_983 = arith.constant 240 : i32
        %add3A_984 = arith.addi %mul3A_922, %add3A_983 : i32
        %get3A_985 = arith.index_cast %add3A_984 : i32 to index
        %get3A_986 = tpu.vector_load %arg6[%get3A_985] {strides = array<i32>} : memref<50000xf32, #tpu.memory_space<vmem>>, vector<16xf32>,
        %add3A_987 = arith.constant 256 : i32
        %add3A_988 = arith.addi %mul3A_922, %add3A_987 : i32
        %get3A_989 = arith.index_cast %add3A_988 : i32 to index
        %get3A_990 = tpu.vector_load %arg6[%get3A_989] {strides = array<i32>} : memref<50000xf32, #tpu.memory_space<vmem>>, vector<16xf32>,
        %add3A_991 = arith.constant 272 : i32
        %add3A_992 = arith.addi %mul3A_922, %add3A_991 : i32
        %get3A_993 = arith.index_cast %add3A_992 : i32 to index
        %get3A_994 = tpu.vector_load %arg6[%get3A_993] {strides = array<i32>} : memref<50000xf32, #tpu.memory_space<vmem>>, vector<16xf32>,
        %add3A_995 = arith.constant 288 : i32
        %add3A_996 = arith.addi %mul3A_922, %add3A_995 : i32
        %get3A_997 = arith.index_cast %add3A_996 : i32 to index
        %get3A_998 = tpu.vector_load %arg6[%get3A_997] {strides = array<i32>} : memref<50000xf32, #tpu.memory_space<vmem>>, vector<16xf32>,
        %add3A_999 = arith.constant 304 : i32
        %add3A_1000 = arith.addi %mul3A_922, %add3A_999 : i32
        %get3A_1001 = arith.index_cast %add3A_1000 : i32 to index
        %get3A_1002 = tpu.vector_load %arg6[%get3A_1001] {strides = array<i32>} : memref<50000xf32, #tpu.memory_space<vmem>>, vector<16xf32>,
        %add3A_1003 = arith.constant 320 : i32
        %add3A_1004 = arith.addi %mul3A_922, %add3A_1003 : i32
        %get3A_1005 = arith.index_cast %add3A_1004 : i32 to index
        %get3A_1006 = tpu.vector_load %arg6[%get3A_1005] {strides = array<i32>} : memref<50000xf32, #tpu.memory_space<vmem>>, vector<16xf32>,
        %add3A_1007 = arith.constant 336 : i32
        %add3A_1008 = arith.addi %mul3A_922, %add3A_1007 : i32
        %get3A_1009 = arith.index_cast %add3A_1008 : i32 to index
        %get3A_1010 = tpu.vector_load %arg6[%get3A_1009] {strides = array<i32>} : memref<50000xf32, #tpu.memory_space<vmem>>, vector<16xf32>,
        %add3A_1011 = arith.constant 352 : i32
        %add3A_1012 = arith.addi %mul3A_922, %add3A_1011 : i32
        %get3A_1013 = arith.index_cast %add3A_1012 : i32 to index
        %get3A_1014 = tpu.vector_load %arg6[%get3A_1013] {strides = array<i32>} : memref<50000xf32, #tpu.memory_space<vmem>>, vector<16xf32>,
        %add3A_1015 = arith.constant 368 : i32
        %add3A_1016 = arith.addi %mul3A_922, %add3A_1015 : i32
        %get3A_1017 = arith.index_cast %add3A_1016 : i32 to index
        %get3A_1018 = tpu.vector_load %arg6[%get3A_1017] {strides = array<i32>} : memref<50000xf32, #tpu.memory_space<vmem>>, vector<16xf32>,
        %add3A_1019 = arith.constant 384 : i32
        %add3A_1020 = arith.addi %mul3A_922, %add3A_1019 : i32
        %get3A_1021 = arith.index_cast %add3A_1020 : i32 to index
        %get3A_1022 = tpu.vector_load %arg6[%get3A_1021] {strides = array<i32>} : memref<50000xf32, #tpu.memory_space<vmem>>, vector<16xf32>,
        %max3A = arith.maximumf %get3A_926, %get3A_930 : vector<16xf32>
        %max3A_1023 = arith.maximumf %get3A_934, %get3A_938 : vector<16xf32>
        %max3A_1024 = arith.maximumf %get3A_942, %get3A_946 : vector<16xf32>
        %max3A_1025 = arith.maximumf %get3A_950, %get3A_954 : vector<16xf32>
        %max3A_1026 = arith.maximumf %get3A_958, %get3A_962 : vector<16xf32>
        %max3A_1027 = arith.maximumf %get3A_966, %get3A_970 : vector<16xf32>
        %max3A_1028 = arith.maximumf %get3A_974, %get3A_978 : vector<16xf32>
        %max3A_1029 = arith.maximumf %get3A_982, %get3A_986 : vector<16xf32>
        %max3A_1030 = arith.maximumf %get3A_990, %get3A_994 : vector<16xf32>
        %max3A_1031 = arith.maximumf %get3A_998, %get3A_1002 : vector<16xf32>
        %max3A_1032 = arith.maximumf %get3A_1006, %get3A_1010 : vector<16xf32>
        %max3A_1033 = arith.maximumf %get3A_1014, %get3A_1018 : vector<16xf32>
        %max3A_1034 = arith.maximumf %max3A, %max3A_1023 : vector<16xf32>
        %max3A_1035 = arith.maximumf %max3A_1024, %max3A_1025 : vector<16xf32>
        %max3A_1036 = arith.maximumf %max3A_1026, %max3A_1027 : vector<16xf32>
        %max3A_1037 = arith.maximumf %max3A_1028, %max3A_1029 : vector<16xf32>
        %max3A_1038 = arith.maximumf %max3A_1030, %max3A_1031 : vector<16xf32>
        %max3A_1039 = arith.maximumf %max3A_1032, %max3A_1033 : vector<16xf32>
        %max3A_1040 = arith.maximumf %max3A_1034, %max3A_1035 : vector<16xf32>
        %max3A_1041 = arith.maximumf %max3A_1036, %max3A_1037 : vector<16xf32>
        %max3A_1042 = arith.maximumf %max3A_1038, %max3A_1039 : vector<16xf32>
        %max3A_1043 = arith.maximumf %max3A_1040, %max3A_1041 : vector<16xf32>
        %max3A_1044 = arith.maximumf %max3A_1042, %get3A_1022 : vector<16xf32>
        %max3A_1045 = arith.maximumf %max3A_1043, %max3A_1044 : vector<16xf32>
        %gt3A_1046 = vector.broadcast %scan3A_919 : f32 to vector<16xf32>
        %gt3A_1047 = arith.cmpf ogt, %max3A_1045, %gt3A_1046 : vector<16xf32>
        %all_reduce_population_count3A = tpu.all_reduce %gt3A_1047 {dim = 0 : i64, kind = #tpu.reduction_kind<sum>} : vector<16xi1> -> vector<16xi32>
        %slice3A_1048 = vector.extract_strided_slice %all_reduce_population_count3A {offsets = [0], sizes = [1], strides = [1]} : vector<16xi32> to vector<1xi32>
        %squeeze3A_1049 = vector.extract %slice3A_1048[0] : i32 from vector<1xi32>
        %gt3A_1050 = arith.constant 0 : i32
        %gt3A_1051 = arith.cmpi sgt, %squeeze3A_1049, %gt3A_1050 : i32
        %jit3A = arith.constant 5 : i32
        %jit3A_1052 = arith.constant 0 : i32
        %select_n3A_1053 = arith.select %gt3A_1051, %jit3A, %jit3A_1052 : i32
        %while3A_1054 = arith.constant 0 : i32
        %while3A_1055 = arith.subi %select_n3A_1053, %while3A_1054 : i32
        %while3A_1056 = arith.addi %while3A_1054, %while3A_1055 : i32
        %while3A_1057 = arith.constant 1 : i32
        %while3A_1058 = arith.divsi %while3A_1055, %while3A_1057 : i32
        %while3A_1059 = arith.muli %while3A_1058, %while3A_1057 : i32
        %while3A_1060 = arith.addi %while3A_1054, %while3A_1059 : i32
        %while3A_1061 = arith.constant 1 : i32
        %while3A_1062 = scf.for %while3A_1092 = %while3A_1054 to %while3A_1060 step %while3A_1061 iter_args(%while3A_1093 = %scan3A_920) -> (vector<16xi32>)  : i32 {
          %mul3A_1094 = arith.constant 5 : i32
          %mul3A_1095 = arith.muli %while3A_1092, %mul3A_1094 : i32
          %add3A_1096 = arith.constant 0 : i32
          %add3A_1097 = arith.addi %mul3A_1095, %add3A_1096 : i32
          %mul3A_1098 = arith.constant 16 : i32
          %mul3A_1099 = arith.muli %add3A_1097, %mul3A_1098 : i32
          %add3A_1100 = arith.addi %mul3A_922, %mul3A_1099 : i32
          %get3A_1101 = arith.index_cast %add3A_1100 : i32 to index
          %get3A_1102 = tpu.vector_load %arg6[%get3A_1101] {strides = array<i32>} : memref<50000xf32, #tpu.memory_space<vmem>>, vector<16xf32>,
          %gt3A_1103 = vector.broadcast %scan3A_919 : f32 to vector<16xf32>
          %gt3A_1104 = arith.cmpf ogt, %get3A_1102, %gt3A_1103 : vector<16xf32>
          %mul3A_1105 = arith.constant 16 : i32
          %mul3A_1106 = vector.broadcast %mul3A_1105 : i32 to vector<16xi32>
          %mul3A_1107 = arith.muli %while3A_1093, %mul3A_1106 : vector<16xi32>
          %add3A_1108 = arith.addi %mul3A_1107, %iota3A : vector<16xi32>
          %add3A_1109 = arith.constant 50000 : i32
          %add3A_1110 = arith.addi %add3A_1109, %add3A_1100 : i32
          %add3A_1111 = vector.broadcast %add3A_1110 : i32 to vector<16xi32>
          %add3A_1112 = arith.addi %add3A_1111, %iota3A : vector<16xi32>
          tpu.vector_store_idx %arg7[%add3A_1108], %get3A_1102 masked %gt3A_1104 : memref<1024xf32, #tpu.memory_space<vmem>>[vector<16xi32>], vector<16xf32>, vector<16xi1>
          tpu.vector_store_idx %arg8[%add3A_1108], %add3A_1112 masked %gt3A_1104 : memref<1024xi32, #tpu.memory_space<vmem>>[vector<16xi32>], vector<16xi32>, vector<16xi1>
          %jit3A_1113 = arith.constant 1 : i32
          %jit3A_1114 = arith.constant 0 : i32
          %broadcast_in_dim3A_1115 = vector.broadcast %jit3A_1113 : i32 to vector<16xi32>
          %broadcast_in_dim3A_1116 = vector.broadcast %jit3A_1114 : i32 to vector<16xi32>
          %select_n3A_1117 = arith.select %gt3A_1104, %broadcast_in_dim3A_1115, %broadcast_in_dim3A_1116 : vector<16xi1>, vector<16xi32>
          %add3A_1118 = arith.addi %while3A_1093, %select_n3A_1117 : vector<16xi32>
          %mul3A_1119 = arith.constant 5 : i32
          %mul3A_1120 = arith.muli %while3A_1092, %mul3A_1119 : i32
          %add3A_1121 = arith.constant 1 : i32
          %add3A_1122 = arith.addi %mul3A_1120, %add3A_1121 : i32
          %mul3A_1123 = arith.constant 16 : i32
          %mul3A_1124 = arith.muli %add3A_1122, %mul3A_1123 : i32
          %add3A_1125 = arith.addi %mul3A_922, %mul3A_1124 : i32
          %get3A_1126 = arith.index_cast %add3A_1125 : i32 to index
          %get3A_1127 = tpu.vector_load %arg6[%get3A_1126] {strides = array<i32>} : memref<50000xf32, #tpu.memory_space<vmem>>, vector<16xf32>,
          %gt3A_1128 = vector.broadcast %scan3A_919 : f32 to vector<16xf32>
          %gt3A_1129 = arith.cmpf ogt, %get3A_1127, %gt3A_1128 : vector<16xf32>
          %mul3A_1130 = arith.constant 16 : i32
          %mul3A_1131 = vector.broadcast %mul3A_1130 : i32 to vector<16xi32>
          %mul3A_1132 = arith.muli %add3A_1118, %mul3A_1131 : vector<16xi32>
          %add3A_1133 = arith.addi %mul3A_1132, %iota3A : vector<16xi32>
          %add3A_1134 = arith.constant 50000 : i32
          %add3A_1135 = arith.addi %add3A_1134, %add3A_1125 : i32
          %add3A_1136 = vector.broadcast %add3A_1135 : i32 to vector<16xi32>
          %add3A_1137 = arith.addi %add3A_1136, %iota3A : vector<16xi32>
          tpu.vector_store_idx %arg7[%add3A_1133], %get3A_1127 masked %gt3A_1129 : memref<1024xf32, #tpu.memory_space<vmem>>[vector<16xi32>], vector<16xf32>, vector<16xi1>
          tpu.vector_store_idx %arg8[%add3A_1133], %add3A_1137 masked %gt3A_1129 : memref<1024xi32, #tpu.memory_space<vmem>>[vector<16xi32>], vector<16xi32>, vector<16xi1>
          %jit3A_1138 = arith.constant 1 : i32
          %jit3A_1139 = arith.constant 0 : i32
          %broadcast_in_dim3A_1140 = vector.broadcast %jit3A_1138 : i32 to vector<16xi32>
          %broadcast_in_dim3A_1141 = vector.broadcast %jit3A_1139 : i32 to vector<16xi32>
          %select_n3A_1142 = arith.select %gt3A_1129, %broadcast_in_dim3A_1140, %broadcast_in_dim3A_1141 : vector<16xi1>, vector<16xi32>
          %add3A_1143 = arith.addi %add3A_1118, %select_n3A_1142 : vector<16xi32>
          %mul3A_1144 = arith.constant 5 : i32
          %mul3A_1145 = arith.muli %while3A_1092, %mul3A_1144 : i32
          %add3A_1146 = arith.constant 2 : i32
          %add3A_1147 = arith.addi %mul3A_1145, %add3A_1146 : i32
          %mul3A_1148 = arith.constant 16 : i32
          %mul3A_1149 = arith.muli %add3A_1147, %mul3A_1148 : i32
          %add3A_1150 = arith.addi %mul3A_922, %mul3A_1149 : i32
          %get3A_1151 = arith.index_cast %add3A_1150 : i32 to index
          %get3A_1152 = tpu.vector_load %arg6[%get3A_1151] {strides = array<i32>} : memref<50000xf32, #tpu.memory_space<vmem>>, vector<16xf32>,
          %gt3A_1153 = vector.broadcast %scan3A_919 : f32 to vector<16xf32>
          %gt3A_1154 = arith.cmpf ogt, %get3A_1152, %gt3A_1153 : vector<16xf32>
          %mul3A_1155 = arith.constant 16 : i32
          %mul3A_1156 = vector.broadcast %mul3A_1155 : i32 to vector<16xi32>
          %mul3A_1157 = arith.muli %add3A_1143, %mul3A_1156 : vector<16xi32>
          %add3A_1158 = arith.addi %mul3A_1157, %iota3A : vector<16xi32>
          %add3A_1159 = arith.constant 50000 : i32
          %add3A_1160 = arith.addi %add3A_1159, %add3A_1150 : i32
          %add3A_1161 = vector.broadcast %add3A_1160 : i32 to vector<16xi32>
          %add3A_1162 = arith.addi %add3A_1161, %iota3A : vector<16xi32>
          tpu.vector_store_idx %arg7[%add3A_1158], %get3A_1152 masked %gt3A_1154 : memref<1024xf32, #tpu.memory_space<vmem>>[vector<16xi32>], vector<16xf32>, vector<16xi1>
          tpu.vector_store_idx %arg8[%add3A_1158], %add3A_1162 masked %gt3A_1154 : memref<1024xi32, #tpu.memory_space<vmem>>[vector<16xi32>], vector<16xi32>, vector<16xi1>
          %jit3A_1163 = arith.constant 1 : i32
          %jit3A_1164 = arith.constant 0 : i32
          %broadcast_in_dim3A_1165 = vector.broadcast %jit3A_1163 : i32 to vector<16xi32>
          %broadcast_in_dim3A_1166 = vector.broadcast %jit3A_1164 : i32 to vector<16xi32>
          %select_n3A_1167 = arith.select %gt3A_1154, %broadcast_in_dim3A_1165, %broadcast_in_dim3A_1166 : vector<16xi1>, vector<16xi32>
          %add3A_1168 = arith.addi %add3A_1143, %select_n3A_1167 : vector<16xi32>
          %mul3A_1169 = arith.constant 5 : i32
          %mul3A_1170 = arith.muli %while3A_1092, %mul3A_1169 : i32
          %add3A_1171 = arith.constant 3 : i32
          %add3A_1172 = arith.addi %mul3A_1170, %add3A_1171 : i32
          %mul3A_1173 = arith.constant 16 : i32
          %mul3A_1174 = arith.muli %add3A_1172, %mul3A_1173 : i32
          %add3A_1175 = arith.addi %mul3A_922, %mul3A_1174 : i32
          %get3A_1176 = arith.index_cast %add3A_1175 : i32 to index
          %get3A_1177 = tpu.vector_load %arg6[%get3A_1176] {strides = array<i32>} : memref<50000xf32, #tpu.memory_space<vmem>>, vector<16xf32>,
          %gt3A_1178 = vector.broadcast %scan3A_919 : f32 to vector<16xf32>
          %gt3A_1179 = arith.cmpf ogt, %get3A_1177, %gt3A_1178 : vector<16xf32>
          %mul3A_1180 = arith.constant 16 : i32
          %mul3A_1181 = vector.broadcast %mul3A_1180 : i32 to vector<16xi32>
          %mul3A_1182 = arith.muli %add3A_1168, %mul3A_1181 : vector<16xi32>
          %add3A_1183 = arith.addi %mul3A_1182, %iota3A : vector<16xi32>
          %add3A_1184 = arith.constant 50000 : i32
          %add3A_1185 = arith.addi %add3A_1184, %add3A_1175 : i32
          %add3A_1186 = vector.broadcast %add3A_1185 : i32 to vector<16xi32>
          %add3A_1187 = arith.addi %add3A_1186, %iota3A : vector<16xi32>
          tpu.vector_store_idx %arg7[%add3A_1183], %get3A_1177 masked %gt3A_1179 : memref<1024xf32, #tpu.memory_space<vmem>>[vector<16xi32>], vector<16xf32>, vector<16xi1>
          tpu.vector_store_idx %arg8[%add3A_1183], %add3A_1187 masked %gt3A_1179 : memref<1024xi32, #tpu.memory_space<vmem>>[vector<16xi32>], vector<16xi32>, vector<16xi1>
          %jit3A_1188 = arith.constant 1 : i32
          %jit3A_1189 = arith.constant 0 : i32
          %broadcast_in_dim3A_1190 = vector.broadcast %jit3A_1188 : i32 to vector<16xi32>
          %broadcast_in_dim3A_1191 = vector.broadcast %jit3A_1189 : i32 to vector<16xi32>
          %select_n3A_1192 = arith.select %gt3A_1179, %broadcast_in_dim3A_1190, %broadcast_in_dim3A_1191 : vector<16xi1>, vector<16xi32>
          %add3A_1193 = arith.addi %add3A_1168, %select_n3A_1192 : vector<16xi32>
          %mul3A_1194 = arith.constant 5 : i32
          %mul3A_1195 = arith.muli %while3A_1092, %mul3A_1194 : i32
          %add3A_1196 = arith.constant 4 : i32
          %add3A_1197 = arith.addi %mul3A_1195, %add3A_1196 : i32
          %mul3A_1198 = arith.constant 16 : i32
          %mul3A_1199 = arith.muli %add3A_1197, %mul3A_1198 : i32
          %add3A_1200 = arith.addi %mul3A_922, %mul3A_1199 : i32
          %get3A_1201 = arith.index_cast %add3A_1200 : i32 to index
          %get3A_1202 = tpu.vector_load %arg6[%get3A_1201] {strides = array<i32>} : memref<50000xf32, #tpu.memory_space<vmem>>, vector<16xf32>,
          %gt3A_1203 = vector.broadcast %scan3A_919 : f32 to vector<16xf32>
          %gt3A_1204 = arith.cmpf ogt, %get3A_1202, %gt3A_1203 : vector<16xf32>
          %mul3A_1205 = arith.constant 16 : i32
          %mul3A_1206 = vector.broadcast %mul3A_1205 : i32 to vector<16xi32>
          %mul3A_1207 = arith.muli %add3A_1193, %mul3A_1206 : vector<16xi32>
          %add3A_1208 = arith.addi %mul3A_1207, %iota3A : vector<16xi32>
          %add3A_1209 = arith.constant 50000 : i32
          %add3A_1210 = arith.addi %add3A_1209, %add3A_1200 : i32
          %add3A_1211 = vector.broadcast %add3A_1210 : i32 to vector<16xi32>
          %add3A_1212 = arith.addi %add3A_1211, %iota3A : vector<16xi32>
          tpu.vector_store_idx %arg7[%add3A_1208], %get3A_1202 masked %gt3A_1204 : memref<1024xf32, #tpu.memory_space<vmem>>[vector<16xi32>], vector<16xf32>, vector<16xi1>
          tpu.vector_store_idx %arg8[%add3A_1208], %add3A_1212 masked %gt3A_1204 : memref<1024xi32, #tpu.memory_space<vmem>>[vector<16xi32>], vector<16xi32>, vector<16xi1>
          %jit3A_1213 = arith.constant 1 : i32
          %jit3A_1214 = arith.constant 0 : i32
          %broadcast_in_dim3A_1215 = vector.broadcast %jit3A_1213 : i32 to vector<16xi32>
          %broadcast_in_dim3A_1216 = vector.broadcast %jit3A_1214 : i32 to vector<16xi32>
          %select_n3A_1217 = arith.select %gt3A_1204, %broadcast_in_dim3A_1215, %broadcast_in_dim3A_1216 : vector<16xi1>, vector<16xi32>
          %add3A_1218 = arith.addi %add3A_1193, %select_n3A_1217 : vector<16xi32>
          scf.yield %add3A_1218 : vector<16xi32>
        }
        %while3A_1063 = arith.constant 1 : i32
        %while3A_1064 = scf.for %while3A_1092 = %while3A_1060 to %while3A_1056 step %while3A_1063 iter_args(%while3A_1093 = %while3A_1062) -> (vector<16xi32>)  : i32 {
          %mul3A_1094 = arith.constant 5 : i32
          %mul3A_1095 = arith.muli %while3A_1092, %mul3A_1094 : i32
          %add3A_1096 = arith.constant 0 : i32
          %add3A_1097 = arith.addi %mul3A_1095, %add3A_1096 : i32
          %mul3A_1098 = arith.constant 16 : i32
          %mul3A_1099 = arith.muli %add3A_1097, %mul3A_1098 : i32
          %add3A_1100 = arith.addi %mul3A_922, %mul3A_1099 : i32
          %get3A_1101 = arith.index_cast %add3A_1100 : i32 to index
          %get3A_1102 = tpu.vector_load %arg6[%get3A_1101] {strides = array<i32>} : memref<50000xf32, #tpu.memory_space<vmem>>, vector<16xf32>,
          %gt3A_1103 = vector.broadcast %scan3A_919 : f32 to vector<16xf32>
          %gt3A_1104 = arith.cmpf ogt, %get3A_1102, %gt3A_1103 : vector<16xf32>
          %mul3A_1105 = arith.constant 16 : i32
          %mul3A_1106 = vector.broadcast %mul3A_1105 : i32 to vector<16xi32>
          %mul3A_1107 = arith.muli %while3A_1093, %mul3A_1106 : vector<16xi32>
          %add3A_1108 = arith.addi %mul3A_1107, %iota3A : vector<16xi32>
          %add3A_1109 = arith.constant 50000 : i32
          %add3A_1110 = arith.addi %add3A_1109, %add3A_1100 : i32
          %add3A_1111 = vector.broadcast %add3A_1110 : i32 to vector<16xi32>
          %add3A_1112 = arith.addi %add3A_1111, %iota3A : vector<16xi32>
          tpu.vector_store_idx %arg7[%add3A_1108], %get3A_1102 masked %gt3A_1104 : memref<1024xf32, #tpu.memory_space<vmem>>[vector<16xi32>], vector<16xf32>, vector<16xi1>
          tpu.vector_store_idx %arg8[%add3A_1108], %add3A_1112 masked %gt3A_1104 : memref<1024xi32, #tpu.memory_space<vmem>>[vector<16xi32>], vector<16xi32>, vector<16xi1>
          %jit3A_1113 = arith.constant 1 : i32
          %jit3A_1114 = arith.constant 0 : i32
          %broadcast_in_dim3A_1115 = vector.broadcast %jit3A_1113 : i32 to vector<16xi32>
          %broadcast_in_dim3A_1116 = vector.broadcast %jit3A_1114 : i32 to vector<16xi32>
          %select_n3A_1117 = arith.select %gt3A_1104, %broadcast_in_dim3A_1115, %broadcast_in_dim3A_1116 : vector<16xi1>, vector<16xi32>
          %add3A_1118 = arith.addi %while3A_1093, %select_n3A_1117 : vector<16xi32>
          %mul3A_1119 = arith.constant 5 : i32
          %mul3A_1120 = arith.muli %while3A_1092, %mul3A_1119 : i32
          %add3A_1121 = arith.constant 1 : i32
          %add3A_1122 = arith.addi %mul3A_1120, %add3A_1121 : i32
          %mul3A_1123 = arith.constant 16 : i32
          %mul3A_1124 = arith.muli %add3A_1122, %mul3A_1123 : i32
          %add3A_1125 = arith.addi %mul3A_922, %mul3A_1124 : i32
          %get3A_1126 = arith.index_cast %add3A_1125 : i32 to index
          %get3A_1127 = tpu.vector_load %arg6[%get3A_1126] {strides = array<i32>} : memref<50000xf32, #tpu.memory_space<vmem>>, vector<16xf32>,
          %gt3A_1128 = vector.broadcast %scan3A_919 : f32 to vector<16xf32>
          %gt3A_1129 = arith.cmpf ogt, %get3A_1127, %gt3A_1128 : vector<16xf32>
          %mul3A_1130 = arith.constant 16 : i32
          %mul3A_1131 = vector.broadcast %mul3A_1130 : i32 to vector<16xi32>
          %mul3A_1132 = arith.muli %add3A_1118, %mul3A_1131 : vector<16xi32>
          %add3A_1133 = arith.addi %mul3A_1132, %iota3A : vector<16xi32>
          %add3A_1134 = arith.constant 50000 : i32
          %add3A_1135 = arith.addi %add3A_1134, %add3A_1125 : i32
          %add3A_1136 = vector.broadcast %add3A_1135 : i32 to vector<16xi32>
          %add3A_1137 = arith.addi %add3A_1136, %iota3A : vector<16xi32>
          tpu.vector_store_idx %arg7[%add3A_1133], %get3A_1127 masked %gt3A_1129 : memref<1024xf32, #tpu.memory_space<vmem>>[vector<16xi32>], vector<16xf32>, vector<16xi1>
          tpu.vector_store_idx %arg8[%add3A_1133], %add3A_1137 masked %gt3A_1129 : memref<1024xi32, #tpu.memory_space<vmem>>[vector<16xi32>], vector<16xi32>, vector<16xi1>
          %jit3A_1138 = arith.constant 1 : i32
          %jit3A_1139 = arith.constant 0 : i32
          %broadcast_in_dim3A_1140 = vector.broadcast %jit3A_1138 : i32 to vector<16xi32>
          %broadcast_in_dim3A_1141 = vector.broadcast %jit3A_1139 : i32 to vector<16xi32>
          %select_n3A_1142 = arith.select %gt3A_1129, %broadcast_in_dim3A_1140, %broadcast_in_dim3A_1141 : vector<16xi1>, vector<16xi32>
          %add3A_1143 = arith.addi %add3A_1118, %select_n3A_1142 : vector<16xi32>
          %mul3A_1144 = arith.constant 5 : i32
          %mul3A_1145 = arith.muli %while3A_1092, %mul3A_1144 : i32
          %add3A_1146 = arith.constant 2 : i32
          %add3A_1147 = arith.addi %mul3A_1145, %add3A_1146 : i32
          %mul3A_1148 = arith.constant 16 : i32
          %mul3A_1149 = arith.muli %add3A_1147, %mul3A_1148 : i32
          %add3A_1150 = arith.addi %mul3A_922, %mul3A_1149 : i32
          %get3A_1151 = arith.index_cast %add3A_1150 : i32 to index
          %get3A_1152 = tpu.vector_load %arg6[%get3A_1151] {strides = array<i32>} : memref<50000xf32, #tpu.memory_space<vmem>>, vector<16xf32>,
          %gt3A_1153 = vector.broadcast %scan3A_919 : f32 to vector<16xf32>
          %gt3A_1154 = arith.cmpf ogt, %get3A_1152, %gt3A_1153 : vector<16xf32>
          %mul3A_1155 = arith.constant 16 : i32
          %mul3A_1156 = vector.broadcast %mul3A_1155 : i32 to vector<16xi32>
          %mul3A_1157 = arith.muli %add3A_1143, %mul3A_1156 : vector<16xi32>
          %add3A_1158 = arith.addi %mul3A_1157, %iota3A : vector<16xi32>
          %add3A_1159 = arith.constant 50000 : i32
          %add3A_1160 = arith.addi %add3A_1159, %add3A_1150 : i32
          %add3A_1161 = vector.broadcast %add3A_1160 : i32 to vector<16xi32>
          %add3A_1162 = arith.addi %add3A_1161, %iota3A : vector<16xi32>
          tpu.vector_store_idx %arg7[%add3A_1158], %get3A_1152 masked %gt3A_1154 : memref<1024xf32, #tpu.memory_space<vmem>>[vector<16xi32>], vector<16xf32>, vector<16xi1>
          tpu.vector_store_idx %arg8[%add3A_1158], %add3A_1162 masked %gt3A_1154 : memref<1024xi32, #tpu.memory_space<vmem>>[vector<16xi32>], vector<16xi32>, vector<16xi1>
          %jit3A_1163 = arith.constant 1 : i32
          %jit3A_1164 = arith.constant 0 : i32
          %broadcast_in_dim3A_1165 = vector.broadcast %jit3A_1163 : i32 to vector<16xi32>
          %broadcast_in_dim3A_1166 = vector.broadcast %jit3A_1164 : i32 to vector<16xi32>
          %select_n3A_1167 = arith.select %gt3A_1154, %broadcast_in_dim3A_1165, %broadcast_in_dim3A_1166 : vector<16xi1>, vector<16xi32>
          %add3A_1168 = arith.addi %add3A_1143, %select_n3A_1167 : vector<16xi32>
          %mul3A_1169 = arith.constant 5 : i32
          %mul3A_1170 = arith.muli %while3A_1092, %mul3A_1169 : i32
          %add3A_1171 = arith.constant 3 : i32
          %add3A_1172 = arith.addi %mul3A_1170, %add3A_1171 : i32
          %mul3A_1173 = arith.constant 16 : i32
          %mul3A_1174 = arith.muli %add3A_1172, %mul3A_1173 : i32
          %add3A_1175 = arith.addi %mul3A_922, %mul3A_1174 : i32
          %get3A_1176 = arith.index_cast %add3A_1175 : i32 to index
          %get3A_1177 = tpu.vector_load %arg6[%get3A_1176] {strides = array<i32>} : memref<50000xf32, #tpu.memory_space<vmem>>, vector<16xf32>,
          %gt3A_1178 = vector.broadcast %scan3A_919 : f32 to vector<16xf32>
          %gt3A_1179 = arith.cmpf ogt, %get3A_1177, %gt3A_1178 : vector<16xf32>
          %mul3A_1180 = arith.constant 16 : i32
          %mul3A_1181 = vector.broadcast %mul3A_1180 : i32 to vector<16xi32>
          %mul3A_1182 = arith.muli %add3A_1168, %mul3A_1181 : vector<16xi32>
          %add3A_1183 = arith.addi %mul3A_1182, %iota3A : vector<16xi32>
          %add3A_1184 = arith.constant 50000 : i32
          %add3A_1185 = arith.addi %add3A_1184, %add3A_1175 : i32
          %add3A_1186 = vector.broadcast %add3A_1185 : i32 to vector<16xi32>
          %add3A_1187 = arith.addi %add3A_1186, %iota3A : vector<16xi32>
          tpu.vector_store_idx %arg7[%add3A_1183], %get3A_1177 masked %gt3A_1179 : memref<1024xf32, #tpu.memory_space<vmem>>[vector<16xi32>], vector<16xf32>, vector<16xi1>
          tpu.vector_store_idx %arg8[%add3A_1183], %add3A_1187 masked %gt3A_1179 : memref<1024xi32, #tpu.memory_space<vmem>>[vector<16xi32>], vector<16xi32>, vector<16xi1>
          %jit3A_1188 = arith.constant 1 : i32
          %jit3A_1189 = arith.constant 0 : i32
          %broadcast_in_dim3A_1190 = vector.broadcast %jit3A_1188 : i32 to vector<16xi32>
          %broadcast_in_dim3A_1191 = vector.broadcast %jit3A_1189 : i32 to vector<16xi32>
          %select_n3A_1192 = arith.select %gt3A_1179, %broadcast_in_dim3A_1190, %broadcast_in_dim3A_1191 : vector<16xi1>, vector<16xi32>
          %add3A_1193 = arith.addi %add3A_1168, %select_n3A_1192 : vector<16xi32>
          %mul3A_1194 = arith.constant 5 : i32
          %mul3A_1195 = arith.muli %while3A_1092, %mul3A_1194 : i32
          %add3A_1196 = arith.constant 4 : i32
          %add3A_1197 = arith.addi %mul3A_1195, %add3A_1196 : i32
          %mul3A_1198 = arith.constant 16 : i32
          %mul3A_1199 = arith.muli %add3A_1197, %mul3A_1198 : i32
          %add3A_1200 = arith.addi %mul3A_922, %mul3A_1199 : i32
          %get3A_1201 = arith.index_cast %add3A_1200 : i32 to index
          %get3A_1202 = tpu.vector_load %arg6[%get3A_1201] {strides = array<i32>} : memref<50000xf32, #tpu.memory_space<vmem>>, vector<16xf32>,
          %gt3A_1203 = vector.broadcast %scan3A_919 : f32 to vector<16xf32>
          %gt3A_1204 = arith.cmpf ogt, %get3A_1202, %gt3A_1203 : vector<16xf32>
          %mul3A_1205 = arith.constant 16 : i32
          %mul3A_1206 = vector.broadcast %mul3A_1205 : i32 to vector<16xi32>
          %mul3A_1207 = arith.muli %add3A_1193, %mul3A_1206 : vector<16xi32>
          %add3A_1208 = arith.addi %mul3A_1207, %iota3A : vector<16xi32>
          %add3A_1209 = arith.constant 50000 : i32
          %add3A_1210 = arith.addi %add3A_1209, %add3A_1200 : i32
          %add3A_1211 = vector.broadcast %add3A_1210 : i32 to vector<16xi32>
          %add3A_1212 = arith.addi %add3A_1211, %iota3A : vector<16xi32>
          tpu.vector_store_idx %arg7[%add3A_1208], %get3A_1202 masked %gt3A_1204 : memref<1024xf32, #tpu.memory_space<vmem>>[vector<16xi32>], vector<16xf32>, vector<16xi1>
          tpu.vector_store_idx %arg8[%add3A_1208], %add3A_1212 masked %gt3A_1204 : memref<1024xi32, #tpu.memory_space<vmem>>[vector<16xi32>], vector<16xi32>, vector<16xi1>
          %jit3A_1213 = arith.constant 1 : i32
          %jit3A_1214 = arith.constant 0 : i32
          %broadcast_in_dim3A_1215 = vector.broadcast %jit3A_1213 : i32 to vector<16xi32>
          %broadcast_in_dim3A_1216 = vector.broadcast %jit3A_1214 : i32 to vector<16xi32>
          %select_n3A_1217 = arith.select %gt3A_1204, %broadcast_in_dim3A_1215, %broadcast_in_dim3A_1216 : vector<16xi1>, vector<16xi32>
          %add3A_1218 = arith.addi %add3A_1193, %select_n3A_1217 : vector<16xi32>
          scf.yield %add3A_1218 : vector<16xi32>
        }
        %gt3A_1065 = arith.constant 38 : i32
        %gt3A_1066 = vector.broadcast %gt3A_1065 : i32 to vector<16xi32>
        %gt3A_1067 = arith.cmpi sgt, %while3A_1064, %gt3A_1066 : vector<16xi32>
        %all_reduce_population_count3A_1068 = tpu.all_reduce %gt3A_1067 {dim = 0 : i64, kind = #tpu.reduction_kind<sum>} : vector<16xi1> -> vector<16xi32>
        %slice3A_1069 = vector.extract_strided_slice %all_reduce_population_count3A_1068 {offsets = [0], sizes = [1], strides = [1]} : vector<16xi32> to vector<1xi32>
        %squeeze3A_1070 = vector.extract %slice3A_1069[0] : i32 from vector<1xi32>
        %gt3A_1071 = arith.constant 0 : i32
        %gt3A_1072 = arith.cmpi sgt, %squeeze3A_1070, %gt3A_1071 : i32
        %jit3A_1073 = arith.constant 64 : i32
        %jit3A_1074 = arith.constant 0 : i32
        %select_n3A_1075 = arith.select %gt3A_1072, %jit3A_1073, %jit3A_1074 : i32
        %while3A_1076 = arith.constant 0 : i32
        %while3A_1077 = arith.subi %select_n3A_1075, %while3A_1076 : i32
        %while3A_1078 = arith.addi %while3A_1076, %while3A_1077 : i32
        %while3A_1079 = arith.constant 1 : i32
        %while3A_1080 = arith.divsi %while3A_1077, %while3A_1079 : i32
        %while3A_1081 = arith.muli %while3A_1080, %while3A_1079 : i32
        %while3A_1082 = arith.addi %while3A_1076, %while3A_1081 : i32
        %while3A_1083 = arith.constant 1 : i32
        %while3A_1084:3 = scf.for %while3A_1092 = %while3A_1076 to %while3A_1082 step %while3A_1083 iter_args(%while3A_1093 = %scan3A_917, %while3A_1094 = %scan3A_918, %while3A_1095 = %scan3A_919) -> (vector<16xf32>, vector<16xi32>, f32)  : i32 {
          %mul3A_1096 = arith.constant 16 : i32
          %mul3A_1097 = arith.muli %while3A_1092, %mul3A_1096 : i32
          %get3A_1098 = arith.index_cast %mul3A_1097 : i32 to index
          %get3A_1099 = tpu.vector_load %arg7[%get3A_1098] {strides = array<i32>} : memref<1024xf32, #tpu.memory_space<vmem>>, vector<16xf32>,
          %mul3A_1100 = arith.constant 16 : i32
          %mul3A_1101 = arith.muli %while3A_1092, %mul3A_1100 : i32
          %get3A_1102 = arith.index_cast %mul3A_1101 : i32 to index
          %get3A_1103 = tpu.vector_load %arg8[%get3A_1102] {strides = array<i32>} : memref<1024xi32, #tpu.memory_space<vmem>>, vector<16xi32>,
          %lt3A = vector.broadcast %while3A_1092 : i32 to vector<16xi32>
          %lt3A_1104 = arith.cmpi slt, %lt3A, %while3A_1064 : vector<16xi32>
          %jit3A_1105 = arith.constant 0.000000e+00 : f32
          %broadcast_in_dim3A_1106 = vector.broadcast %jit3A_1105 : f32 to vector<16xf32>
          %select_n3A_1107 = arith.select %lt3A_1104, %get3A_1099, %broadcast_in_dim3A_1106 : vector<16xi1>, vector<16xf32>
          %jit3A_1108 = arith.constant 0 : i32
          %broadcast_in_dim3A_1109 = vector.broadcast %jit3A_1108 : i32 to vector<16xi32>
          %select_n3A_1110 = arith.select %lt3A_1104, %get3A_1103, %broadcast_in_dim3A_1109 : vector<16xi1>, vector<16xi32>
          %masked_sort3A_1111 = arith.constant dense<true> : vector<16xi1>
          %masked_sort3A_1112, %masked_sort3A_1113, %masked_sort3A_1114 = tpu.sort %select_n3A_1107, %select_n3A_1110 masked %masked_sort3A_1111 {descending = true} : (vector<16xf32>, vector<16xi32>, vector<16xi1>) -> (vector<16xi1>, vector<16xf32>, vector<16xi32>)
          %gt3A_1115 = arith.cmpf ogt, %masked_sort3A_1113, %while3A_1093 : vector<16xf32>
          %select_n3A_1116 = arith.select %gt3A_1115, %masked_sort3A_1113, %while3A_1093 : vector<16xi1>, vector<16xf32>
          %select_n3A_1117 = arith.select %gt3A_1115, %masked_sort3A_1114, %while3A_1094 : vector<16xi1>, vector<16xi32>
          %masked_sort3A_1118 = arith.constant dense<true> : vector<16xi1>
          %masked_sort3A_1119, %masked_sort3A_1120, %masked_sort3A_1121 = tpu.sort %select_n3A_1116, %select_n3A_1117 masked %masked_sort3A_1118 : (vector<16xf32>, vector<16xi32>, vector<16xi1>) -> (vector<16xi1>, vector<16xf32>, vector<16xi32>)
          %slice3A_1122 = vector.extract_strided_slice %masked_sort3A_1120 {offsets = [0], sizes = [1], strides = [1]} : vector<16xf32> to vector<1xf32>
          %squeeze3A_1123 = vector.extract %slice3A_1122[0] : f32 from vector<1xf32>
          %max3A_1124 = arith.maximumf %while3A_1095, %squeeze3A_1123 : f32
          scf.yield %masked_sort3A_1120, %masked_sort3A_1121, %max3A_1124 : vector<16xf32>, vector<16xi32>, f32
        }
        %while3A_1085 = arith.constant 1 : i32
        %while3A_1086:3 = scf.for %while3A_1092 = %while3A_1082 to %while3A_1078 step %while3A_1085 iter_args(%while3A_1093 = %while3A_1084#0, %while3A_1094 = %while3A_1084#1, %while3A_1095 = %while3A_1084#2) -> (vector<16xf32>, vector<16xi32>, f32)  : i32 {
          %mul3A_1096 = arith.constant 16 : i32
          %mul3A_1097 = arith.muli %while3A_1092, %mul3A_1096 : i32
          %get3A_1098 = arith.index_cast %mul3A_1097 : i32 to index
          %get3A_1099 = tpu.vector_load %arg7[%get3A_1098] {strides = array<i32>} : memref<1024xf32, #tpu.memory_space<vmem>>, vector<16xf32>,
          %mul3A_1100 = arith.constant 16 : i32
          %mul3A_1101 = arith.muli %while3A_1092, %mul3A_1100 : i32
          %get3A_1102 = arith.index_cast %mul3A_1101 : i32 to index
          %get3A_1103 = tpu.vector_load %arg8[%get3A_1102] {strides = array<i32>} : memref<1024xi32, #tpu.memory_space<vmem>>, vector<16xi32>,
          %lt3A = vector.broadcast %while3A_1092 : i32 to vector<16xi32>
          %lt3A_1104 = arith.cmpi slt, %lt3A, %while3A_1064 : vector<16xi32>
          %jit3A_1105 = arith.constant 0.000000e+00 : f32
          %broadcast_in_dim3A_1106 = vector.broadcast %jit3A_1105 : f32 to vector<16xf32>
          %select_n3A_1107 = arith.select %lt3A_1104, %get3A_1099, %broadcast_in_dim3A_1106 : vector<16xi1>, vector<16xf32>
          %jit3A_1108 = arith.constant 0 : i32
          %broadcast_in_dim3A_1109 = vector.broadcast %jit3A_1108 : i32 to vector<16xi32>
          %select_n3A_1110 = arith.select %lt3A_1104, %get3A_1103, %broadcast_in_dim3A_1109 : vector<16xi1>, vector<16xi32>
          %masked_sort3A_1111 = arith.constant dense<true> : vector<16xi1>
          %masked_sort3A_1112, %masked_sort3A_1113, %masked_sort3A_1114 = tpu.sort %select_n3A_1107, %select_n3A_1110 masked %masked_sort3A_1111 {descending = true} : (vector<16xf32>, vector<16xi32>, vector<16xi1>) -> (vector<16xi1>, vector<16xf32>, vector<16xi32>)
          %gt3A_1115 = arith.cmpf ogt, %masked_sort3A_1113, %while3A_1093 : vector<16xf32>
          %select_n3A_1116 = arith.select %gt3A_1115, %masked_sort3A_1113, %while3A_1093 : vector<16xi1>, vector<16xf32>
          %select_n3A_1117 = arith.select %gt3A_1115, %masked_sort3A_1114, %while3A_1094 : vector<16xi1>, vector<16xi32>
          %masked_sort3A_1118 = arith.constant dense<true> : vector<16xi1>
          %masked_sort3A_1119, %masked_sort3A_1120, %masked_sort3A_1121 = tpu.sort %select_n3A_1116, %select_n3A_1117 masked %masked_sort3A_1118 : (vector<16xf32>, vector<16xi32>, vector<16xi1>) -> (vector<16xi1>, vector<16xf32>, vector<16xi32>)
          %slice3A_1122 = vector.extract_strided_slice %masked_sort3A_1120 {offsets = [0], sizes = [1], strides = [1]} : vector<16xf32> to vector<1xf32>
          %squeeze3A_1123 = vector.extract %slice3A_1122[0] : f32 from vector<1xf32>
          %max3A_1124 = arith.maximumf %while3A_1095, %squeeze3A_1123 : f32
          scf.yield %masked_sort3A_1120, %masked_sort3A_1121, %max3A_1124 : vector<16xf32>, vector<16xi32>, f32
        }
        %gt3A_1087 = arith.constant 0 : i32
        %gt3A_1088 = arith.cmpi sgt, %select_n3A_1075, %gt3A_1087 : i32
        %broadcast_in_dim3A_1089 = arith.constant 0 : i32
        %broadcast_in_dim3A_1090 = vector.broadcast %broadcast_in_dim3A_1089 : i32 to vector<16xi32>
        %select_n3A_1091 = arith.select %gt3A_1088, %broadcast_in_dim3A_1090, %while3A_1064 : vector<16xi32>
        scf.yield %while3A_1086#0, %while3A_1086#1, %while3A_1086#2, %select_n3A_1091 : vector<16xf32>, vector<16xi32>, f32, vector<16xi32>
      }
      %scan3A_878 = arith.constant 125 : i32
      %masked_sort3A_879 = arith.constant dense<true> : vector<16xi1>
      %masked_sort3A_880 = arith.constant -2147483648 : i32
      %masked_sort3A_881 = vector.broadcast %masked_sort3A_880 : i32 to vector<16xi32>
      %masked_sort3A_882 = arith.xori %scan3A_877#3, %masked_sort3A_881 : vector<16xi32>
      %masked_sort3A_883, %masked_sort3A_884, %masked_sort3A_885 = tpu.sort %masked_sort3A_882, %scan3A_877#3 masked %masked_sort3A_879 : (vector<16xi32>, vector<16xi32>, vector<16xi1>) -> (vector<16xi1>, vector<16xi32>, vector<16xi32>)
      %masked_sort3A_886 = arith.xori %masked_sort3A_884, %masked_sort3A_881 : vector<16xi32>
      %slice3A_887 = vector.extract_strided_slice %masked_sort3A_886 {offsets = [15], sizes = [1], strides = [1]} : vector<16xi32> to vector<1xi32>
      %squeeze3A_888 = vector.extract %slice3A_887[0] : i32 from vector<1xi32>
      %while3A = arith.constant 0 : i32
      %while3A_889 = arith.subi %squeeze3A_888, %while3A : i32
      %while3A_890 = arith.addi %while3A, %while3A_889 : i32
      %while3A_891 = arith.constant 1 : i32
      %while3A_892 = arith.divsi %while3A_889, %while3A_891 : i32
      %while3A_893 = arith.muli %while3A_892, %while3A_891 : i32
      %while3A_894 = arith.addi %while3A, %while3A_893 : i32
      %while3A_895 = arith.constant 1 : i32
      %while3A_896:3 = scf.for %while3A_916 = %while3A to %while3A_894 step %while3A_895 iter_args(%while3A_917 = %scan3A_877#0, %while3A_918 = %scan3A_877#1, %while3A_919 = %scan3A_877#2) -> (vector<16xf32>, vector<16xi32>, f32)  : i32 {
        %mul3A_920 = arith.constant 16 : i32
        %mul3A_921 = arith.muli %while3A_916, %mul3A_920 : i32
        %get3A_922 = arith.index_cast %mul3A_921 : i32 to index
        %get3A_923 = tpu.vector_load %arg7[%get3A_922] {strides = array<i32>} : memref<1024xf32, #tpu.memory_space<vmem>>, vector<16xf32>,
        %mul3A_924 = arith.constant 16 : i32
        %mul3A_925 = arith.muli %while3A_916, %mul3A_924 : i32
        %get3A_926 = arith.index_cast %mul3A_925 : i32 to index
        %get3A_927 = tpu.vector_load %arg8[%get3A_926] {strides = array<i32>} : memref<1024xi32, #tpu.memory_space<vmem>>, vector<16xi32>,
        %lt3A = vector.broadcast %while3A_916 : i32 to vector<16xi32>
        %lt3A_928 = arith.cmpi slt, %lt3A, %scan3A_877#3 : vector<16xi32>
        %jit3A = arith.constant 0.000000e+00 : f32
        %broadcast_in_dim3A_929 = vector.broadcast %jit3A : f32 to vector<16xf32>
        %select_n3A_930 = arith.select %lt3A_928, %get3A_923, %broadcast_in_dim3A_929 : vector<16xi1>, vector<16xf32>
        %jit3A_931 = arith.constant 0 : i32
        %broadcast_in_dim3A_932 = vector.broadcast %jit3A_931 : i32 to vector<16xi32>
        %select_n3A_933 = arith.select %lt3A_928, %get3A_927, %broadcast_in_dim3A_932 : vector<16xi1>, vector<16xi32>
        %masked_sort3A_934 = arith.constant dense<true> : vector<16xi1>
        %masked_sort3A_935, %masked_sort3A_936, %masked_sort3A_937 = tpu.sort %select_n3A_930, %select_n3A_933 masked %masked_sort3A_934 {descending = true} : (vector<16xf32>, vector<16xi32>, vector<16xi1>) -> (vector<16xi1>, vector<16xf32>, vector<16xi32>)
        %gt3A_938 = arith.cmpf ogt, %masked_sort3A_936, %while3A_917 : vector<16xf32>
        %select_n3A_939 = arith.select %gt3A_938, %masked_sort3A_936, %while3A_917 : vector<16xi1>, vector<16xf32>
        %select_n3A_940 = arith.select %gt3A_938, %masked_sort3A_937, %while3A_918 : vector<16xi1>, vector<16xi32>
        %masked_sort3A_941 = arith.constant dense<true> : vector<16xi1>
        %masked_sort3A_942, %masked_sort3A_943, %masked_sort3A_944 = tpu.sort %select_n3A_939, %select_n3A_940 masked %masked_sort3A_941 : (vector<16xf32>, vector<16xi32>, vector<16xi1>) -> (vector<16xi1>, vector<16xf32>, vector<16xi32>)
        %slice3A_945 = vector.extract_strided_slice %masked_sort3A_943 {offsets = [0], sizes = [1], strides = [1]} : vector<16xf32> to vector<1xf32>
        %squeeze3A_946 = vector.extract %slice3A_945[0] : f32 from vector<1xf32>
        %max3A = arith.maximumf %while3A_919, %squeeze3A_946 : f32
        scf.yield %masked_sort3A_943, %masked_sort3A_944, %max3A : vector<16xf32>, vector<16xi32>, f32
      }
      %while3A_897 = arith.constant 1 : i32
      %while3A_898:3 = scf.for %while3A_916 = %while3A_894 to %while3A_890 step %while3A_897 iter_args(%while3A_917 = %while3A_896#0, %while3A_918 = %while3A_896#1, %while3A_919 = %while3A_896#2) -> (vector<16xf32>, vector<16xi32>, f32)  : i32 {
        %mul3A_920 = arith.constant 16 : i32
        %mul3A_921 = arith.muli %while3A_916, %mul3A_920 : i32
        %get3A_922 = arith.index_cast %mul3A_921 : i32 to index
        %get3A_923 = tpu.vector_load %arg7[%get3A_922] {strides = array<i32>} : memref<1024xf32, #tpu.memory_space<vmem>>, vector<16xf32>,
        %mul3A_924 = arith.constant 16 : i32
        %mul3A_925 = arith.muli %while3A_916, %mul3A_924 : i32
        %get3A_926 = arith.index_cast %mul3A_925 : i32 to index
        %get3A_927 = tpu.vector_load %arg8[%get3A_926] {strides = array<i32>} : memref<1024xi32, #tpu.memory_space<vmem>>, vector<16xi32>,
        %lt3A = vector.broadcast %while3A_916 : i32 to vector<16xi32>
        %lt3A_928 = arith.cmpi slt, %lt3A, %scan3A_877#3 : vector<16xi32>
        %jit3A = arith.constant 0.000000e+00 : f32
        %broadcast_in_dim3A_929 = vector.broadcast %jit3A : f32 to vector<16xf32>
        %select_n3A_930 = arith.select %lt3A_928, %get3A_923, %broadcast_in_dim3A_929 : vector<16xi1>, vector<16xf32>
        %jit3A_931 = arith.constant 0 : i32
        %broadcast_in_dim3A_932 = vector.broadcast %jit3A_931 : i32 to vector<16xi32>
        %select_n3A_933 = arith.select %lt3A_928, %get3A_927, %broadcast_in_dim3A_932 : vector<16xi1>, vector<16xi32>
        %masked_sort3A_934 = arith.constant dense<true> : vector<16xi1>
        %masked_sort3A_935, %masked_sort3A_936, %masked_sort3A_937 = tpu.sort %select_n3A_930, %select_n3A_933 masked %masked_sort3A_934 {descending = true} : (vector<16xf32>, vector<16xi32>, vector<16xi1>) -> (vector<16xi1>, vector<16xf32>, vector<16xi32>)
        %gt3A_938 = arith.cmpf ogt, %masked_sort3A_936, %while3A_917 : vector<16xf32>
        %select_n3A_939 = arith.select %gt3A_938, %masked_sort3A_936, %while3A_917 : vector<16xi1>, vector<16xf32>
        %select_n3A_940 = arith.select %gt3A_938, %masked_sort3A_937, %while3A_918 : vector<16xi1>, vector<16xi32>
        %masked_sort3A_941 = arith.constant dense<true> : vector<16xi1>
        %masked_sort3A_942, %masked_sort3A_943, %masked_sort3A_944 = tpu.sort %select_n3A_939, %select_n3A_940 masked %masked_sort3A_941 : (vector<16xf32>, vector<16xi32>, vector<16xi1>) -> (vector<16xi1>, vector<16xf32>, vector<16xi32>)
        %slice3A_945 = vector.extract_strided_slice %masked_sort3A_943 {offsets = [0], sizes = [1], strides = [1]} : vector<16xf32> to vector<1xf32>
        %squeeze3A_946 = vector.extract %slice3A_945[0] : f32 from vector<1xf32>
        %max3A = arith.maximumf %while3A_919, %squeeze3A_946 : f32
        scf.yield %masked_sort3A_943, %masked_sort3A_944, %max3A : vector<16xf32>, vector<16xi32>, f32
      }
      %gt3A_899 = arith.constant 0 : i32
      %gt3A_900 = arith.cmpi sgt, %squeeze3A_888, %gt3A_899 : i32
      %broadcast_in_dim3A_901 = arith.constant 0 : i32
      %broadcast_in_dim3A_902 = vector.broadcast %broadcast_in_dim3A_901 : i32 to vector<16xi32>
      %select_n3A_903 = arith.select %gt3A_900, %broadcast_in_dim3A_902, %scan3A_877#3 : vector<16xi32>
      %masked_sort3A_904 = arith.constant dense<true> : vector<16xi1>
      %masked_sort3A_905 = arith.constant -2147483648 : i32
      %masked_sort3A_906 = vector.broadcast %masked_sort3A_905 : i32 to vector<16xi32>
      %masked_sort3A_907 = arith.xori %while3A_898#1, %masked_sort3A_906 : vector<16xi32>
      %masked_sort3A_908, %masked_sort3A_909, %masked_sort3A_910 = tpu.sort %masked_sort3A_907, %while3A_898#0 masked %masked_sort3A_904 : (vector<16xi32>, vector<16xf32>, vector<16xi1>) -> (vector<16xi1>, vector<16xi32>, vector<16xf32>)
      %masked_sort3A_911 = arith.xori %masked_sort3A_909, %masked_sort3A_906 : vector<16xi32>
      %swap3A = arith.constant 0 : index
      %swap3A_912 = tpu.vector_load %arg9[%swap3A] {strides = array<i32>} : memref<16xf32, #tpu.memory_space<vmem>>, vector<16xf32>,
      tpu.vector_store %arg9[%swap3A], %masked_sort3A_910 {strides = array<i32>} : memref<16xf32, #tpu.memory_space<vmem>>, vector<16xf32>,
      %swap3A_913 = arith.constant 0 : index
      %swap3A_914 = tpu.vector_load %arg10[%swap3A_913] {strides = array<i32>} : memref<16xi32, #tpu.memory_space<vmem>>, vector<16xi32>,
      tpu.vector_store %arg10[%swap3A_913], %masked_sort3A_911 {strides = array<i32>} : memref<16xi32, #tpu.memory_space<vmem>>, vector<16xi32>,
      "tpu.region"() ({
        %run_scoped3A = tpu.sem_alloc : memref<!tpu.dma_semaphore, #tpu.memory_space<semaphore_mem>>
        %dma_start3A_916 = arith.constant 0 : i32
        %dma_start3A_917 = tpu.memref_slice %arg3[%add3A, %scan3A_25, %dma_start3A_916] : memref<32x8x16xf32, #tpu.memory_space<hbm>> -> memref<1x1x16xf32, #tpu.memory_space<hbm>>
        %dma_start3A_918 = tpu.memref_squeeze %dma_start3A_917 : memref<1x1x16xf32, #tpu.memory_space<hbm>> -> memref<16xf32, #tpu.memory_space<hbm>>
        %dma_start3A_919 = arith.constant 0 : i32
        %dma_start3A_920 = tpu.memref_slice %arg3[%add3A, %scan3A_25, %dma_start3A_919] : memref<32x8x16xf32, #tpu.memory_space<hbm>> -> memref<1x1x16xf32, #tpu.memory_space<hbm>>
        %dma_start3A_921 = tpu.memref_squeeze %dma_start3A_920 : memref<1x1x16xf32, #tpu.memory_space<hbm>> -> memref<16xf32, #tpu.memory_space<hbm>>
        tpu.enqueue_dma source(%arg9 : memref<16xf32, #tpu.memory_space<vmem>>) target(%dma_start3A_921 : memref<16xf32, #tpu.memory_space<hbm>>) target_semaphore(%run_scoped3A : memref<!tpu.dma_semaphore, #tpu.memory_space<semaphore_mem>>)
        %dma_wait3A_922 = arith.constant 0 : i32
        %dma_wait3A_923 = tpu.memref_slice %arg3[%add3A, %scan3A_25, %dma_wait3A_922] : memref<32x8x16xf32, #tpu.memory_space<hbm>> -> memref<1x1x16xf32, #tpu.memory_space<hbm>>
        %dma_wait3A_924 = tpu.memref_squeeze %dma_wait3A_923 : memref<1x1x16xf32, #tpu.memory_space<hbm>> -> memref<16xf32, #tpu.memory_space<hbm>>
        %dma_wait3A_925 = arith.constant 0 : i32
        %dma_wait3A_926 = tpu.memref_slice %arg3[%add3A, %scan3A_25, %dma_wait3A_925] : memref<32x8x16xf32, #tpu.memory_space<hbm>> -> memref<1x1x16xf32, #tpu.memory_space<hbm>>
        %dma_wait3A_927 = tpu.memref_squeeze %dma_wait3A_926 : memref<1x1x16xf32, #tpu.memory_space<hbm>> -> memref<16xf32, #tpu.memory_space<hbm>>
        tpu.wait_dma2 semaphore(%run_scoped3A : memref<!tpu.dma_semaphore, #tpu.memory_space<semaphore_mem>>) src(%arg9 : memref<16xf32, #tpu.memory_space<vmem>>) dst(%dma_wait3A_927 : memref<16xf32, #tpu.memory_space<hbm>>)
        tpu.yield
      }) : () -> ()
      "tpu.region"() ({
        %run_scoped3A = tpu.sem_alloc : memref<!tpu.dma_semaphore, #tpu.memory_space<semaphore_mem>>
        %dma_start3A_916 = arith.constant 0 : i32
        %dma_start3A_917 = tpu.memref_slice %arg4[%add3A, %scan3A_25, %dma_start3A_916] : memref<32x8x16xi32, #tpu.memory_space<hbm>> -> memref<1x1x16xi32, #tpu.memory_space<hbm>>
        %dma_start3A_918 = tpu.memref_squeeze %dma_start3A_917 : memref<1x1x16xi32, #tpu.memory_space<hbm>> -> memref<16xi32, #tpu.memory_space<hbm>>
        %dma_start3A_919 = arith.constant 0 : i32
        %dma_start3A_920 = tpu.memref_slice %arg4[%add3A, %scan3A_25, %dma_start3A_919] : memref<32x8x16xi32, #tpu.memory_space<hbm>> -> memref<1x1x16xi32, #tpu.memory_space<hbm>>
        %dma_start3A_921 = tpu.memref_squeeze %dma_start3A_920 : memref<1x1x16xi32, #tpu.memory_space<hbm>> -> memref<16xi32, #tpu.memory_space<hbm>>
        tpu.enqueue_dma source(%arg10 : memref<16xi32, #tpu.memory_space<vmem>>) target(%dma_start3A_921 : memref<16xi32, #tpu.memory_space<hbm>>) target_semaphore(%run_scoped3A : memref<!tpu.dma_semaphore, #tpu.memory_space<semaphore_mem>>)
        %dma_wait3A_922 = arith.constant 0 : i32
        %dma_wait3A_923 = tpu.memref_slice %arg4[%add3A, %scan3A_25, %dma_wait3A_922] : memref<32x8x16xi32, #tpu.memory_space<hbm>> -> memref<1x1x16xi32, #tpu.memory_space<hbm>>
        %dma_wait3A_924 = tpu.memref_squeeze %dma_wait3A_923 : memref<1x1x16xi32, #tpu.memory_space<hbm>> -> memref<16xi32, #tpu.memory_space<hbm>>
        %dma_wait3A_925 = arith.constant 0 : i32
        %dma_wait3A_926 = tpu.memref_slice %arg4[%add3A, %scan3A_25, %dma_wait3A_925] : memref<32x8x16xi32, #tpu.memory_space<hbm>> -> memref<1x1x16xi32, #tpu.memory_space<hbm>>
        %dma_wait3A_927 = tpu.memref_squeeze %dma_wait3A_926 : memref<1x1x16xi32, #tpu.memory_space<hbm>> -> memref<16xi32, #tpu.memory_space<hbm>>
        tpu.wait_dma2 semaphore(%run_scoped3A : memref<!tpu.dma_semaphore, #tpu.memory_space<semaphore_mem>>) src(%arg10 : memref<16xi32, #tpu.memory_space<vmem>>) dst(%dma_wait3A_927 : memref<16xi32, #tpu.memory_space<hbm>>)
        tpu.yield
      }) : () -> ()
      %scan3A_915 = arith.constant 0 : i32
      scf.yield %scan3A_915 : i32
    }
    %scan3A_15 = arith.constant 8 : i32
    %mul3A_16 = arith.constant 8 : i32
    %mul3A_17 = arith.muli %add3A, %mul3A_16 : i32
    %add3A_18 = arith.constant 7 : i32
    %add3A_19 = arith.addi %mul3A_17, %add3A_18 : i32
    %dma_wait3A = arith.constant 0 : i32
    %dma_wait3A_20 = tpu.memref_slice %arg2[%add3A_19, %dma_wait3A] : memref<256x100000xf32, #tpu.memory_space<hbm>> -> memref<1x50000xf32, #tpu.memory_space<hbm>>
    %dma_wait3A_21 = tpu.memref_squeeze %dma_wait3A_20 : memref<1x50000xf32, #tpu.memory_space<hbm>> -> memref<50000xf32, #tpu.memory_space<hbm>>
    %dma_wait3A_22 = arith.constant 0 : i32
    %dma_wait3A_23 = tpu.memref_slice %arg2[%add3A_19, %dma_wait3A_22] : memref<256x100000xf32, #tpu.memory_space<hbm>> -> memref<1x50000xf32, #tpu.memory_space<hbm>>
    %dma_wait3A_24 = tpu.memref_squeeze %dma_wait3A_23 : memref<1x50000xf32, #tpu.memory_space<hbm>> -> memref<50000xf32, #tpu.memory_space<hbm>>
    tpu.wait_dma2 semaphore(%arg11 : memref<!tpu.dma_semaphore, #tpu.memory_space<semaphore_mem>>) src(%dma_wait3A_24 : memref<50000xf32, #tpu.memory_space<hbm>>) dst(%arg5 : memref<50000xf32, #tpu.memory_space<vmem>>)
    return
  }
}

</mosaic_0001>

<sc_bundles>
// kernel: kernel.3.cloned.1.call-start
scs
__scs_entry_jumppad:
0x0: {  	(pc) =	sbr.rel $0x88, $3  }
0x1: {  	(tag) =	ssettag $0x0;
	lr =	simm.s32 $0x1  }
0x2: {  	[smem:$0x3F9D] =	sst lr;
	_ =	strace $0xD0000000  }
0x3: {  	_ = 	snop  }
0x4: {  	_ = 	snop  }
0x5: {  	_ = 	snop  }
0x6: {  	_ = 	snop  }
0x7: {  	_ = 	snop  }
__scs_overlays_trampoline_lowered:
0x8: {  	[smem:$0x3FAC] =	sst s0  }
0x9: {  	[smem:$0x3FAD] =	sst s1  }
0xa: {  	[smem:$0x3FAE] =	sst s2  }
0xb: {  	[smem:$0x3FAF] =	sst s3  }
0xc: {  	[smem:$0x3FB0] =	sst s4  }
0xd: {  	[smem:$0x3FB1] =	sst s5  }
0xe: {  	[smem:$0x3FB2] =	sst s6  }
0xf: {  	[smem:$0x3FB3] =	sst s7  }
0x10: {  	[smem:$0x3FB4] =	sst s8  }
0x11: {  	[smem:$0x3FB5] =	sst s9;
	s0 =	simm.s32 @!p0 $0x0  }
0x12: {  	s1 =	sld [smem:$0x3F9B];
	s0 =	simm.s32 @p0 $0x1  }
0x13: {  	[smem:$0x3FB6] =	sst s0;
	s0 =	simm.s32 @!p1 $0x0  }
0x14: {  	s2 =	sld [smem:$0x3F9A];
	s0 =	simm.s32 @p1 $0x1  }
0x15: {  	[smem:$0x3FB7] =	sst s0;
	s0 =	simm.s32 @!p2 $0x0  }
0x16: {  	s3 =	sld [smem:$0x3FDB];
	s0 =	simm.s32 @p2 $0x1  }
0x17: {  	s4 =	simm.s32 $0x1BF5;
	[smem:$0x3FB9] =	sst s0  }
0x18: {  	s0 =	sld [smem:$0x3F9C];
	_ =	swait.ge [sflag:s4], $0x0  }
0x19: {  	s7 =	sld [smem:$0x3F9D]  }
0x1a: {  	s8 =	sadd.s32 $0xFFFFE003, lr  }
0x1b: {  	s9 =	sadd.s32 $0xFFFFFEF7, lr;
	s5 =	simm.s32 $0xFFFFFFFF;
	p2 =	slt.u32 s8, $0xFFFFF086  }
0x1c: {  	p1 =	slt.u32 s9, $0xF7A;
	s5 =	simm.s32 @!p2 $0x0  }
0x1d: {  	s5 =	simm.s32 @p1 $0x1;
	p0 =	seq.s32 s7, s2  }
0x1e: {  	s7 =	smul.u32 @!p0 $0xF7A, s2;
	p2 =	seq.s32 @!p0 s5, $0x0  }
0x1f: {  	s9 =	smul.u32 $0xF7A, s1;
	s8 =	simm.s32 @!p0 $0x1BF5;
	p2 =	por !p2, p0  }
0x20: {  	[sflag:s8] =	ssyncset.s32 @!p0 $0xFFFFF086;
	s6 =	sadd.s32 @!p0 s3, s7;
	s7 =	simm.s32 @!p0 $0x108  }
0x21: {  	s3 =	sadd.s32 s3, s9;
	s6 =	sadd.s32 @!p0 $0x88, s6;
	s7 =	simm.s32 @p2 $0x1082  }
0x22: {  	[simem:s7], [sflag:s8] =	dma.local @!p0 [hbm:s6], $0xF7A  }
0x23: {  	s9 =	sor.u32 $0xD0000000, s2;
	s6 =	simm.s32 $0x108;
	_ =	swait.ge @!p0 [sflag:s8], $0x0  }
0x24: {  	s3 =	sadd.s32 $0x88, s3;
	s6 =	simm.s32 @!p1 $0x1082;
	[sflag:s4] =	ssyncset.s32 $0xFFFFF086  }
0x25: {  	[simem:s6], [sflag:s4] =	dma.local [hbm:s3], $0xF7A  }
0x26: {  	[smem:$0x3F9D] =	sst s1;
	(tag) =	ssettag s2;
	_ =	strace s9  }
0x27: {  	s1 =	sld [smem:$0x3FAD]  }
0x28: {  	s2 =	sld [smem:$0x3FAE]  }
0x29: {  	s4 =	sld [smem:$0x3FB0]  }
0x2a: {  	p0 =	seq.s32 s5, $0x0;
	s5 =	sld [smem:$0x3FB1]  }
0x2b: {  	s6 =	sld [smem:$0x3FB2]  }
0x2c: {  	s7 =	sld [smem:$0x3FB3]  }
0x2d: {  	s3 =	simm.s32 $0x108;
	s8 =	sld [smem:$0x3FB4]  }
0x2e: {  	s3 =	simm.s32 @!p0 $0x1082;
	s9 =	sld [smem:$0x3FB5]  }
0x2f: {  	lr =	sadd.s32 s0, s3;
	s0 =	sld [smem:$0x3FAC]  }
0x30: {  	s3 =	sld [smem:$0x3FAF]  }
0x31: {  	[smem:$0x3FB8] =	sst s10  }
0x32: {  	s10 =	sld [smem:$0x3FB6];
	_ =	sdelay $0x3  }
0x33: {  	p0 =	seq.s32 s10, $0x1;
	s10 =	sld [smem:$0x3FB8];
	_ =	sdelay $0x3  }
0x34: {  	[smem:$0x3FB8] =	sst s10  }
0x35: {  	s10 =	sld [smem:$0x3FB7];
	_ =	sdelay $0x3  }
0x36: {  	p1 =	seq.s32 s10, $0x1;
	s10 =	sld [smem:$0x3FB8];
	_ =	sdelay $0x3  }
0x37: {  	[smem:$0x3FB8] =	sst s10  }
0x38: {  	s10 =	sld [smem:$0x3FB9]  }
0x39: {  	_ = 	snop;
	(pc) =	sbr.ind lr, $3  }
0x3a: {  	_ = 	snop  }
0x3b: {  	_ = 	snop  }
0x3c: {  	p2 =	seq.s32 s10, $0x1;
	s10 =	sld [smem:$0x3FB8]  }
0x3d: {  	_ =	shalt  }
0x3e: {  	_ =	shalt  }
0x3f: {  	_ =	shalt  }
0x40: {  	_ =	shalt  }
0x41: {  	_ =	shalt  }
0x42: {  	_ =	shalt  }
0x43: {  	_ =	shalt  }
0x44: {  	_ =	shalt  }
0x45: {  	_ =	shalt  }
0x46: {  	_ =	shalt  }
0x47: {  	_ =	shalt  }
0x48: {  	_ =	shalt  }
0x49: {  	_ =	shalt  }
0x4a: {  	_ =	shalt  }
0x4b: {  	_ =	shalt  }
0x4c: {  	_ =	shalt  }
0x4d: {  	_ =	shalt  }
0x4e: {  	_ =	shalt  }
0x4f: {  	_ =	shalt  }
0x50: {  	_ =	shalt  }
0x51: {  	_ =	shalt  }
0x52: {  	_ =	shalt  }
0x53: {  	_ =	shalt  }
0x54: {  	_ =	shalt  }
0x55: {  	_ =	shalt  }
0x56: {  	_ =	shalt  }
0x57: {  	_ =	shalt  }
0x58: {  	_ =	shalt  }
0x59: {  	_ =	shalt  }
0x5a: {  	_ =	shalt  }
0x5b: {  	_ =	shalt  }
0x5c: {  	_ =	shalt  }
0x5d: {  	_ =	shalt  }
0x5e: {  	_ =	shalt  }
0x5f: {  	_ =	shalt  }
0x60: {  	_ =	shalt  }
0x61: {  	_ =	shalt  }
0x62: {  	_ =	shalt  }
0x63: {  	_ =	shalt  }
0x64: {  	_ =	shalt  }
0x65: {  	_ =	shalt  }
0x66: {  	_ =	shalt  }
0x67: {  	_ =	shalt  }
0x68: {  	_ =	shalt  }
0x69: {  	_ =	shalt  }
0x6a: {  	_ =	shalt  }
0x6b: {  	_ =	shalt  }
0x6c: {  	_ =	shalt  }
0x6d: {  	_ =	shalt  }
0x6e: {  	_ =	shalt  }
0x6f: {  	_ =	shalt  }
0x70: {  	_ =	shalt  }
0x71: {  	_ =	shalt  }
0x72: {  	_ =	shalt  }
0x73: {  	_ =	shalt  }
0x74: {  	_ =	shalt  }
0x75: {  	_ =	shalt  }
0x76: {  	_ =	shalt  }
0x77: {  	_ =	shalt  }
0x78: {  	_ =	shalt  }
0x79: {  	_ =	shalt  }
0x7a: {  	_ =	shalt  }
0x7b: {  	_ =	shalt  }
0x7c: {  	_ =	shalt  }
0x7d: {  	_ =	shalt  }
0x7e: {  	_ =	shalt  }
0x7f: {  	_ =	shalt  }
0x80: {  	_ =	shalt  }
0x81: {  	_ =	shalt  }
0x82: {  	_ =	shalt  }
0x83: {  	_ =	shalt  }
0x84: {  	_ =	shalt  }
0x85: {  	_ =	shalt  }
0x86: {  	_ =	shalt  }
0x87: {  	_ =	shalt  }
.Lfunc_end0:
.L_simem_size_0:
called_computation_lowered:
.L_overlay_start_0:
0x88: {  	s2 =	sld [smem:$0x3FD9]  }
0x89: {  	s3 =	sld [smem:$0x3FFE];
	_ =	sdelay $0x1  }
0x8a: {  	s1 =	srdreg.scid  }
0x8b: {  	s0 =	sand.u32 $0x1, s1  }
0x8c: {  	s16 =	sshll.u32 s0, $0xA;
	s2 =	sadd.s32 s3, s2  }
0x8d: {  	s2 =	sadd.s32 s2, s16  }
0x8e: {  	[smem:$0x3FC4] =	sst s2  }
0x8f: {  	_ = 	snop  }
0x90: {  	(tm) =	ssettm $0x1  }
0x91: {  	s17 =	sld [smem:$0x3FFB];
	_ =	sdelay $0x3  }
0x92: {  	_ =	strace s17  }
0x93: {  	s2 =	sld [smem:$0x3FFC];
	_ =	sdelay $0x3  }
0x94: {  	_ =	strace s2  }
0x95: {  	s2 =	sld [smem:$0x3FFD];
	_ =	sdelay $0x3  }
0x96: {  	_ =	strace s2  }
0x97: {  	_ =	strace $0x8FFFFFFF  }
0x98: {  	s18 =	sld [smem:$0x3FDB];
	_ =	sdelay $0x1  }
0x99: {  	s19 =	simm.s32 $_scs_section_size  }
0x9a: {  	s4 =	simm.s32 $_size__tile_overlayer_lowered;
	s5 =	simm.s32 $_tile_overlayer_lowered  }
0x9b: {  	s22 =	simm.s32 $0x1BFF;
	s21 =	sshll.u32 s5, $0x1;
	s2 =	sadd.s32 s19, s18  }
0x9c: {  	s6 =	simm.s32 $0x0;
	s20 =	sshll.u32 s4, $0x1;
	s4 =	sadd.s32 s21, s2  }
0x9d: {  	[timem:s6], [sflag:s22] =	dma.local [hbm:s4], s20  }
0x9e: {  	_ =	swait.ge [sflag:s22], s20  }
0x9f: {  	s3 =	ssub.s32 $0x0, s20;
	[sflag:s22] =	ssyncset.done $0x0  }
0xa0: {  	[sflag:s22] =	ssyncadd.s32 s3;
	_ =	sdelay $0x1  }
0xa1: {  	s23 =	simm.s32 $0x1B8B  }
0xa2: {  	_ =	swait.ge [sflag:s23], $0x1  }
0xa3: {  	[sflag:s23] =	ssyncset.done $0x0  }
0xa4: {  	s25 =	simm.s32 $0x1B8E;
	s24 =	sld [smem:$0x3FFE];
	[sflag:s23] =	ssyncadd.s32 $0xFFFFFFFF  }
0xa5: {  	s26 =	simm.s32 $execute0_lowered;
	[smem:$0x3FD2] =	sst s25  }
0xa6: {  	s4 =	sshll.u32 s26, $0x1;
	_ =	strace $0x80000046;
	[dreg:$0x1] =	wrdreg $0xFFFFFFFF  }
0xa7: {  	s28 =	simm.s32 $_size_execute0_lowered;
	s2 =	sadd.s32 s2, s4;
	[dreg:$0x0] =	wrdreg $0x0  }
0xa8: {  	s4 =	sshll.u32 s28, $0x1;
	[dreg:$0x2] =	wrdreg s2  }
0xa9: {  	[dreg:$0x3] =	wrdreg s4  }
0xaa: {  	[dreg:$0x4] =	wrdreg $0xC0  }
0xab: {  	_ =	task [dreg:s6], $0x5FFFF  }
0xac: {  	[dreg:$0x1] =	wrdreg $0xFFFFFFFF  }
0xad: {  	[dreg:$0x0] =	wrdreg $0x60  }
0xae: {  	[dreg:$0x2] =	wrdreg s24  }
0xaf: {  	[dreg:$0x3] =	wrdreg $0x9  }
0xb0: {  	_ =	task.clear_ibuf [dreg:s6], $0x4FFFF;
	_ =	strace $0x90000046  }
0xb1: {  	s29 =	simm.s32 $0x9;
	_ =	strace $0x80000048  }
0xb2: {  	_ =	swait.ge [sflag:s29], $0x1  }
0xb3: {  	[sflag:s29] =	ssyncadd.s32 $0xFFFFFFFF  }
0xb4: {  	_ =	strace $0x90000048  }
0xb5: {  	_ =	sfence  }
0xb6: {  	s30 =	sld [smem:$0x0];
	_ =	sdelay $0x2  }
0xb7: {  	s31 =	sshll.u32 s1, $0xD;
	s1 =	sshrl.u32 s1, $0x2  }
0xb8: {  	s3 =	sand.u32 $0x4000, s31;
	s1 =	sadd.s32 s1, s30  }
0xb9: {  	s0 =	sor.u32 s3, s0;
	s1 =	sshll.u32 s1, $0x11  }
0xba: {  	s0 =	sor.u32 s1, s0  }
0xbb: {  	s0 =	sadd.s32 $0x8F2B, s0  }
0xbc: {  	[sflag:s0] =	ssyncadd.remote.s32 $0x1  }
0xbd: {  	_ =	sfence.sel $0xFFFF  }
0xbe: {  	[dreg:$0x0] =	wrdreg $0xFFFFFFFF;
	(pc) =	sbr.abs _section_cstart, $3  }
0xbf: {  	[dreg:$0x1] =	wrdreg $0xFFFFFFFF  }
0xc0: {  	_ =	task.clear_ibuf [dreg:s6], $0x2FFFF;
	_ =	strace $0x9FFFFFFF  }
0xc1: {  	(tm) =	ssettm $0x7FFFFFFF  }
tec
execute0_lowered:
.L_overlay_start_1:
0x0: {  	(tag) =	ssettag $0x1  }
0x1: {  	v0 =	vlaneseq.u32  }
0x2: {  	v50 =	vimm.s32 $0x0;
	v1 =	vor.u32 $0x10, v0  }
0x3: {  	v15 =	vor.u32 $0xF0, v0;
	v16 =	vor.u32 $0x100, v0;
	v17 =	vor.u32 $0x110, v0  }
0x4: {  	v18 =	vor.u32 $0x120, v0;
	v19 =	vor.u32 $0x130, v0;
	[tilespmem:$0x1FF20] =	vst v1;
	v1 =	vor.u32 $0x20, v0  }
0x5: {  	v20 =	vor.u32 $0x140, v0;
	v21 =	vor.u32 $0x150, v0;
	[tilespmem:$0x1FF30] =	vst v1;
	v1 =	vor.u32 $0x30, v0  }
0x6: {  	v22 =	vor.u32 $0x160, v0;
	v23 =	vor.u32 $0x170, v0;
	[tilespmem:$0x1FF40] =	vst v1;
	v1 =	vor.u32 $0x40, v0  }
0x7: {  	v24 =	vor.u32 $0x180, v0;
	v25 =	vor.u32 $0x190, v0;
	[tilespmem:$0x1FF50] =	vst v1;
	v1 =	vor.u32 $0x50, v0  }
0x8: {  	s1 =	rddreg [dreg:$0x0];
	v26 =	vor.u32 $0x1A0, v0;
	v27 =	vor.u32 $0x1B0, v0;
	[tilespmem:$0x1FF60] =	vst v1;
	v1 =	vor.u32 $0x60, v0  }
0x9: {  	s0 =	rddreg [dreg:$0x1];
	s3 =	simm.s32 $0x0;
	v28 =	vor.u32 $0x1C0, v0;
	v29 =	vor.u32 $0x1D0, v0;
	[tilespmem:$0x1FF70] =	vst v1;
	v1 =	vor.u32 $0x70, v0  }
0xa: {  	s4 =	srdreg.scid;
	s2 =	stileid.u32;
	s11 =	simm.s32 $0xC350;
	v30 =	vor.u32 $0x1E0, v0;
	v31 =	vor.u32 $0x1F0, v0;
	[tilespmem:$0x1FF80] =	vst v1;
	v1 =	vor.u32 $0x80, v0  }
0xb: {  	s12 =	simm.s32 $0x186A0;
	s13 =	simm.s32 $0x18AA0;
	s14 =	simm.s32 $0x2;
	v32 =	vor.u32 $0x200, v0;
	v33 =	vor.u32 $0x210, v0;
	[tilespmem:$0x1FF90] =	vst v1;
	v1 =	vor.u32 $0x90, v0  }
0xc: {  	s15 =	simm.s32 $0x18EA0;
	s16 =	simm.s32 $0x3;
	s17 =	simm.s32 $0x18EB0;
	v34 =	vor.u32 $0x220, v0;
	v35 =	vor.u32 $0x230, v0;
	[tilespmem:$0x1FFA0] =	vst v1;
	v1 =	vor.u32 $0xA0, v0  }
0xd: {  	s18 =	simm.s32 $0x0;
	s4 =	sand.u32 $0x1, s4;
	s5 =	sshll.u32 s2, $0x1;
	v36 =	vor.u32 $0x240, v0;
	v37 =	vor.u32 $0x250, v0;
	[tilespmem:$0x1FFB0] =	vst v1;
	v1 =	vor.u32 $0xB0, v0  }
.Ltmp0:
0xe: {  	v38 =	vor.u32 $0x260, v0;
	v39 =	vor.u32 $0x270, v0;
	s6 =	ssub.s32 $0x2, s4;
	s8 =	sor.u32 s4, s5;
	[tilespmem:$0x1FFC0] =	vst v1;
	v1 =	vor.u32 $0xC0, v0;
	(pc) =	sbr.rel .LBB2_1-.Ltmp0, $4  }
0xf: {  	[smem:$0x7FF] =	sst s3;
	v40 =	vor.u32 $0x280, v0;
	v41 =	vor.u32 $0x290, v0;
	s7 =	sshrl.u32 s6, $0x1;
	s9 =	smul.u32 $0x186A0, s8;
	[tilespmem:$0x1FFD0] =	vst v1;
	v1 =	vor.u32 $0xD0, v0  }
0x10: {  	v42 =	vor.u32 $0x2A0, v0;
	v43 =	vor.u32 $0x2B0, v0;
	s4 =	sadd.s32 $0x30E000, s1;
	s5 =	sadd.s32 $0x200, s1;
	s10 =	ssub.s32 s6, s7;
	[tilespmem:$0x1FFE0] =	vst v1;
	v1 =	vor.u32 $0xE0, v0  }
0x11: {  	v44 =	vor.u32 $0x2C0, v0;
	v45 =	vor.u32 $0x2D0, v0;
	v46 =	vor.u32 $0x2E0, v0;
	s6 =	sshll.u32 s8, $0x3;
	s8 =	sshll.u32 s8, $0x4;
	s7 =	sadd.s32 s4, s9;
	[tilespmem:$0x1FFF0] =	vst v1  }
0x12: {  	v47 =	vor.u32 $0x2F0, v0;
	v48 =	vor.u32 $0x300, v0;
	v49 =	vor.u32 $0x310, v0;
	s9 =	smax.u32 s10, $0x1;
	s10 =	simm.s32 $0x1;
	_ =	strace $0x80000047  }
.LBB2_27:
0x13: {  	s18 =	sadd.s32 $0x1, s18  }
0x14: {  	p0 =	sne.s32 s18, s9  }
.Ltmp1:
0x15: {  	_ = 	snop;
	(pc) =	sbr.rel @!p0 .LBB2_28-.Ltmp1, $4  }
0x16: {  	_ = 	snop  }
0x17: {  	_ =	swait.ge [sflag:s10], $0xC350  }
0x18: {  	[sflag:s10] =	ssyncset.done $0x0  }
0x19: {  	[sflag:s10] =	ssyncadd.s32 $0xFFFF3CB0  }
.LBB2_1:
.Ltmp2:
0x1a: {  	(pc) =	sbr.rel .LBB2_2-.Ltmp2, $3  }
0x1b: {  	_ =	sdelay $0x1  }
0x1c: {  	[tilespmem:s3], [sflag:$0x1] =	stream.linear.gather [hbm4b:s7+s3], $0xC350, $0x38;
	[tilespmem:$0x18EC0] =	vst v63  }
0x1d: {  	s20 =	simm.s32 $0x0  }
.LBB2_22:
0x1e: {  	_ = 	snop  }
.LBB2_25:
0x1f: {  	v1, v2, _ =	vpop (xrf1)  }
0x20: {  	v3, v4, _ =	vpop @p0 (xrf1)  }
0x21: {  	v3 =	vpsel p0, v3, v53  }
0x22: {  	v4 =	vpsel p0, v4, v52;
	vm0 =	vgt.f32 v1, v3  }
0x23: {  	v1 =	vsel vm0, v1, v3;
	v2 =	vsel vm0, v2, v4  }
0x24: {  	(xrf1) =	vsort.ascd.msk.f32 $0xffff, v1, v2;
	_ =	sdelay $0xd  }
0x25: {  	v53, v52, _ =	vpop (xrf1)  }
.LBB2_26:
0x26: {  	v1 =	vxor.u32 $0x80000000, v52  }
0x27: {  	(xrf1) =	vsort.ascd.msk.u32 $0xffff, v1, v53;
	_ =	sdelay $0xd  }
0x28: {  	s19 =	sshll.u32 s19, $0x1;
	v1, v2, _ =	vpop (xrf1)  }
0x29: {  	s19 =	sadd.s32 s8, s19;
	v1 =	vxor.u32 $0x80000000, v1;
	[tilespmem:$0x18EA0] =	vst v2  }
0x2a: {  	s21 =	sadd.s32 s1, s19;
	[tilespmem:$0x18EB0] =	vst v1  }
0x2b: {  	[hbm4b:s21+s3] =	stream.linear.scatter [tilespmem:s15], [sflag:$0x3], $0x10, $0x38;
	[tilespmem:$0x18EC0] =	vst v63  }
0x2c: {  	_ =	swait.ge [sflag:s16], $0x10  }
0x2d: {  	p0 =	sne.s32 s20, $0x8;
	[sflag:s16] =	ssyncset.done $0x0  }
.Ltmp3:
0x2e: {  	s19 =	sadd.s32 s5, s19;
	[sflag:s16] =	ssyncadd.s32 $0xFFFFFFF0;
	(pc) =	sbr.rel @!p0 .LBB2_27-.Ltmp3, $4  }
0x2f: {  	[hbm4b:s19+s3] =	stream.linear.scatter [tilespmem:s17], [sflag:$0x3], $0x10, $0x38;
	[tilespmem:$0x18EC0] =	vst v63  }
0x30: {  	_ =	swait.ge [sflag:s16], $0x10  }
0x31: {  	[sflag:s16] =	ssyncset.done $0x0  }
0x32: {  	[sflag:s16] =	ssyncadd.s32 $0xFFFFFFF0  }
.LBB2_2:
0x33: {  	s31 =	sadd.s32 s6, s20  }
0x34: {  	s19 =	smov.u32 s20;
	s20 =	smul.u32 $0x186A0, s31;
	_ =	sdelay $0x1  }
0x35: {  	_ =	swait.ge [sflag:s10], $0xC350;
	s20 =	sshrl.u32 s20, $0x3  }
0x36: {  	[sflag:s10] =	ssyncset.done $0x0;
	s20 =	sadd.s32 s4, s20  }
0x37: {  	[sflag:s10] =	ssyncadd.s32 $0xFFFF3CB0;
	s21 =	sadd.s32 $0x186A, s20;
	s20 =	simm.s32 $0x0  }
0x38: {  	[tilespmem:s11], [sflag:$0x2] =	stream.linear.gather [hbm4b:s21+s20], $0xC350, $0x38;
	[tilespmem:$0x18EC0] =	vst v63  }
0x39: {  	v51 =	vld [tilespmem:$0x0];
	_ =	sdelay $0x4  }
0x3a: {  	(xrf1) =	vsort.dscd.msk.f32 $0xffff, v51, v0;
	_ =	sdelay $0xb  }
0x3b: {  	v1 =	vld [tilespmem:$0x1FF20]  }
0x3c: {  	v9 =	vld [tilespmem:$0x10]  }
0x3d: {  	v52, v53, _ =	vpop (xrf1)  }
0x3e: {  	vm0 =	vgt.f32 v52, $0.0e+00  }
0x3f: {  	v52 =	vnsel vm0, $0x0, v52;
	v53 =	vnsel vm0, $0x0, v53  }
0x40: {  	(xrf1) =	vsort.ascd.msk.f32 $0xffff, v52, v53  }
0x41: {  	(xrf1) =	vsort.dscd.msk.f32 $0xffff, v9, v1;
	_ =	sdelay $0xb  }
0x42: {  	v11 =	vld [tilespmem:$0x20]  }
0x43: {  	v1 =	vld [tilespmem:$0x1FF30];
	v10, v52, _ =	vpop (xrf1)  }
0x44: {  	v54, v55, _ =	vpop (xrf1)  }
0x45: {  	vm15 =	vgt.f32 v54, v10  }
0x46: {  	v51 =	vsel vm15, v54, v10;
	v52 =	vsel vm15, v55, v52  }
0x47: {  	(xrf1) =	vsort.ascd.msk.f32 $0xffff, v51, v52  }
0x48: {  	(xrf1) =	vsort.dscd.msk.f32 $0xffff, v11, v1;
	_ =	sdelay $0xb  }
0x49: {  	v57 =	vld [tilespmem:$0x30]  }
0x4a: {  	v1 =	vld [tilespmem:$0x1FF40];
	v51, v52, _ =	vpop (xrf1)  }
0x4b: {  	v58, v59, _ =	vpop (xrf1)  }
0x4c: {  	vm4 =	vgt.f32 v58, v51  }
0x4d: {  	v51 =	vsel vm4, v58, v51;
	v52 =	vsel vm4, v59, v52  }
0x4e: {  	(xrf1) =	vsort.ascd.msk.f32 $0xffff, v51, v52  }
0x4f: {  	(xrf1) =	vsort.dscd.msk.f32 $0xffff, v57, v1;
	_ =	sdelay $0xb  }
0x50: {  	v60 =	vld [tilespmem:$0x40]  }
0x51: {  	v1 =	vld [tilespmem:$0x1FF50];
	v51, v52, _ =	vpop (xrf1)  }
0x52: {  	v61, v62, _ =	vpop (xrf1)  }
0x53: {  	vm5 =	vgt.f32 v61, v51  }
0x54: {  	v51 =	vsel vm5, v61, v51;
	v52 =	vsel vm5, v62, v52  }
0x55: {  	(xrf1) =	vsort.ascd.msk.f32 $0xffff, v51, v52  }
0x56: {  	(xrf1) =	vsort.dscd.msk.f32 $0xffff, v60, v1;
	_ =	sdelay $0xb  }
0x57: {  	v63 =	vld [tilespmem:$0x50]  }
0x58: {  	v1 =	vld [tilespmem:$0x1FF60];
	v51, v52, _ =	vpop (xrf1)  }
0x59: {  	v4, v5, _ =	vpop (xrf1)  }
0x5a: {  	vm6 =	vgt.f32 v4, v51  }
0x5b: {  	v51 =	vsel vm6, v4, v51;
	v52 =	vsel vm6, v5, v52  }
0x5c: {  	(xrf1) =	vsort.ascd.msk.f32 $0xffff, v51, v52  }
0x5d: {  	(xrf1) =	vsort.dscd.msk.f32 $0xffff, v63, v1;
	_ =	sdelay $0xb  }
0x5e: {  	v6 =	vld [tilespmem:$0x60]  }
0x5f: {  	v1 =	vld [tilespmem:$0x1FF70];
	v51, v52, _ =	vpop (xrf1)  }
0x60: {  	v7, v8, _ =	vpop (xrf1)  }
0x61: {  	vm7 =	vgt.f32 v7, v51  }
0x62: {  	v51 =	vsel vm7, v7, v51;
	v52 =	vsel vm7, v8, v52  }
0x63: {  	(xrf1) =	vsort.ascd.msk.f32 $0xffff, v51, v52  }
0x64: {  	(xrf1) =	vsort.dscd.msk.f32 $0xffff, v6, v1;
	_ =	sdelay $0xb  }
0x65: {  	v9 =	vld [tilespmem:$0x70]  }
0x66: {  	v1 =	vld [tilespmem:$0x1FF80];
	v51, v52, _ =	vpop (xrf1)  }
0x67: {  	v10, v11, _ =	vpop (xrf1)  }
0x68: {  	vm8 =	vgt.f32 v10, v51  }
0x69: {  	v51 =	vsel vm8, v10, v51;
	v52 =	vsel vm8, v11, v52  }
0x6a: {  	(xrf1) =	vsort.ascd.msk.f32 $0xffff, v51, v52  }
0x6b: {  	(xrf1) =	vsort.dscd.msk.f32 $0xffff, v9, v1;
	_ =	sdelay $0xb  }
0x6c: {  	v57 =	vld [tilespmem:$0x80]  }
0x6d: {  	v1 =	vld [tilespmem:$0x1FF90];
	v51, v52, _ =	vpop (xrf1)  }
0x6e: {  	v58, v59, _ =	vpop (xrf1)  }
0x6f: {  	vm9 =	vgt.f32 v58, v51  }
0x70: {  	v51 =	vsel vm9, v58, v51;
	v52 =	vsel vm9, v59, v52  }
0x71: {  	(xrf1) =	vsort.ascd.msk.f32 $0xffff, v51, v52  }
0x72: {  	(xrf1) =	vsort.dscd.msk.f32 $0xffff, v57, v1;
	_ =	sdelay $0xb  }
0x73: {  	v60 =	vld [tilespmem:$0x90]  }
0x74: {  	v1 =	vld [tilespmem:$0x1FFA0];
	v51, v52, _ =	vpop (xrf1)  }
0x75: {  	v61, v62, _ =	vpop (xrf1)  }
0x76: {  	vm10 =	vgt.f32 v61, v51  }
0x77: {  	v51 =	vsel vm10, v61, v51;
	v52 =	vsel vm10, v62, v52  }
0x78: {  	(xrf1) =	vsort.ascd.msk.f32 $0xffff, v51, v52  }
0x79: {  	(xrf1) =	vsort.dscd.msk.f32 $0xffff, v60, v1;
	_ =	sdelay $0xb  }
0x7a: {  	v63 =	vld [tilespmem:$0xA0]  }
0x7b: {  	v1 =	vld [tilespmem:$0x1FFB0];
	v51, v52, _ =	vpop (xrf1)  }
0x7c: {  	v4, v5, _ =	vpop (xrf1)  }
0x7d: {  	vm11 =	vgt.f32 v4, v51  }
0x7e: {  	v51 =	vsel vm11, v4, v51;
	v52 =	vsel vm11, v5, v52  }
0x7f: {  	(xrf1) =	vsort.ascd.msk.f32 $0xffff, v51, v52  }
0x80: {  	(xrf1) =	vsort.dscd.msk.f32 $0xffff, v63, v1;
	_ =	sdelay $0xb  }
0x81: {  	v6 =	vld [tilespmem:$0xB0]  }
0x82: {  	v1 =	vld [tilespmem:$0x1FFC0];
	v51, v52, _ =	vpop (xrf1)  }
0x83: {  	v7, v8, _ =	vpop (xrf1)  }
0x84: {  	vm12 =	vgt.f32 v7, v51  }
0x85: {  	v51 =	vsel vm12, v7, v51;
	v52 =	vsel vm12, v8, v52  }
0x86: {  	(xrf1) =	vsort.ascd.msk.f32 $0xffff, v51, v52  }
0x87: {  	(xrf1) =	vsort.dscd.msk.f32 $0xffff, v6, v1;
	_ =	sdelay $0xb  }
0x88: {  	v9 =	vld [tilespmem:$0xC0]  }
0x89: {  	v1 =	vld [tilespmem:$0x1FFD0];
	v51, v52, _ =	vpop (xrf1)  }
0x8a: {  	v10, v11, _ =	vpop (xrf1)  }
0x8b: {  	vm13 =	vgt.f32 v10, v51  }
0x8c: {  	v51 =	vsel vm13, v10, v51;
	v52 =	vsel vm13, v11, v52  }
0x8d: {  	(xrf1) =	vsort.ascd.msk.f32 $0xffff, v51, v52  }
0x8e: {  	(xrf1) =	vsort.dscd.msk.f32 $0xffff, v9, v1;
	_ =	sdelay $0xb  }
0x8f: {  	v57 =	vld [tilespmem:$0xD0]  }
0x90: {  	v1 =	vld [tilespmem:$0x1FFE0];
	v51, v52, _ =	vpop (xrf1)  }
0x91: {  	v58, v59, _ =	vpop (xrf1)  }
0x92: {  	vm14 =	vgt.f32 v58, v51  }
0x93: {  	v51 =	vsel vm14, v58, v51;
	v52 =	vsel vm14, v59, v52  }
0x94: {  	(xrf1) =	vsort.ascd.msk.f32 $0xffff, v51, v52  }
0x95: {  	(xrf1) =	vsort.dscd.msk.f32 $0xffff, v57, v1;
	_ =	sdelay $0xb  }
0x96: {  	v60 =	vld [tilespmem:$0xE0]  }
0x97: {  	v1 =	vld [tilespmem:$0x1FFF0];
	v51, v52, _ =	vpop (xrf1)  }
0x98: {  	v61, v62, _ =	vpop (xrf1)  }
0x99: {  	vm15 =	vgt.f32 v61, v51  }
0x9a: {  	v51 =	vsel vm15, v61, v51;
	v52 =	vsel vm15, v62, v52  }
0x9b: {  	(xrf1) =	vsort.ascd.msk.f32 $0xffff, v51, v52  }
0x9c: {  	(xrf1) =	vsort.dscd.msk.f32 $0xffff, v60, v1;
	_ =	sdelay $0xc  }
0x9d: {  	v63 =	vld [tilespmem:$0xF0];
	v51, v52, _ =	vpop (xrf1)  }
0x9e: {  	v4, v5, _ =	vpop (xrf1)  }
0x9f: {  	vm4 =	vgt.f32 v4, v51  }
0xa0: {  	v51 =	vsel vm4, v4, v51;
	v52 =	vsel vm4, v5, v52  }
0xa1: {  	(xrf1) =	vsort.ascd.msk.f32 $0xffff, v51, v52  }
0xa2: {  	(xrf1) =	vsort.dscd.msk.f32 $0xffff, v63, v15;
	_ =	sdelay $0xc  }
0xa3: {  	v6 =	vld [tilespmem:$0x100];
	v51, v52, _ =	vpop (xrf1)  }
0xa4: {  	v7, v8, _ =	vpop (xrf1)  }
0xa5: {  	vm5 =	vgt.f32 v7, v51  }
0xa6: {  	v51 =	vsel vm5, v7, v51;
	v52 =	vsel vm5, v8, v52  }
0xa7: {  	(xrf1) =	vsort.ascd.msk.f32 $0xffff, v51, v52  }
0xa8: {  	(xrf1) =	vsort.dscd.msk.f32 $0xffff, v6, v16;
	_ =	sdelay $0xc  }
0xa9: {  	v9 =	vld [tilespmem:$0x110];
	v51, v52, _ =	vpop (xrf1)  }
0xaa: {  	v10, v11, _ =	vpop (xrf1)  }
0xab: {  	vm6 =	vgt.f32 v10, v51  }
0xac: {  	v51 =	vsel vm6, v10, v51;
	v52 =	vsel vm6, v11, v52  }
0xad: {  	(xrf1) =	vsort.ascd.msk.f32 $0xffff, v51, v52  }
0xae: {  	(xrf1) =	vsort.dscd.msk.f32 $0xffff, v9, v17;
	_ =	sdelay $0xc  }
0xaf: {  	v57 =	vld [tilespmem:$0x120];
	v51, v52, _ =	vpop (xrf1)  }
0xb0: {  	v58, v59, _ =	vpop (xrf1)  }
0xb1: {  	vm7 =	vgt.f32 v58, v51  }
0xb2: {  	v51 =	vsel vm7, v58, v51;
	v52 =	vsel vm7, v59, v52  }
0xb3: {  	(xrf1) =	vsort.ascd.msk.f32 $0xffff, v51, v52  }
0xb4: {  	(xrf1) =	vsort.dscd.msk.f32 $0xffff, v57, v18;
	_ =	sdelay $0xc  }
0xb5: {  	v60 =	vld [tilespmem:$0x130];
	v51, v52, _ =	vpop (xrf1)  }
0xb6: {  	v61, v62, _ =	vpop (xrf1)  }
0xb7: {  	vm8 =	vgt.f32 v61, v51  }
0xb8: {  	v51 =	vsel vm8, v61, v51;
	v52 =	vsel vm8, v62, v52  }
0xb9: {  	(xrf1) =	vsort.ascd.msk.f32 $0xffff, v51, v52  }
0xba: {  	(xrf1) =	vsort.dscd.msk.f32 $0xffff, v60, v19;
	_ =	sdelay $0xc  }
0xbb: {  	v63 =	vld [tilespmem:$0x140];
	v51, v52, _ =	vpop (xrf1)  }
0xbc: {  	v4, v5, _ =	vpop (xrf1)  }
0xbd: {  	vm9 =	vgt.f32 v4, v51  }
0xbe: {  	v51 =	vsel vm9, v4, v51;
	v52 =	vsel vm9, v5, v52  }
0xbf: {  	(xrf1) =	vsort.ascd.msk.f32 $0xffff, v51, v52  }
0xc0: {  	(xrf1) =	vsort.dscd.msk.f32 $0xffff, v63, v20;
	_ =	sdelay $0xc  }
0xc1: {  	v6 =	vld [tilespmem:$0x150];
	v51, v52, _ =	vpop (xrf1)  }
0xc2: {  	v7, v8, _ =	vpop (xrf1)  }
0xc3: {  	vm10 =	vgt.f32 v7, v51  }
0xc4: {  	v51 =	vsel vm10, v7, v51;
	v52 =	vsel vm10, v8, v52  }
0xc5: {  	(xrf1) =	vsort.ascd.msk.f32 $0xffff, v51, v52  }
0xc6: {  	(xrf1) =	vsort.dscd.msk.f32 $0xffff, v6, v21;
	_ =	sdelay $0xc  }
0xc7: {  	v9 =	vld [tilespmem:$0x160];
	v51, v52, _ =	vpop (xrf1)  }
0xc8: {  	v10, v11, _ =	vpop (xrf1)  }
0xc9: {  	vm11 =	vgt.f32 v10, v51  }
0xca: {  	v51 =	vsel vm11, v10, v51;
	v52 =	vsel vm11, v11, v52  }
0xcb: {  	(xrf1) =	vsort.ascd.msk.f32 $0xffff, v51, v52  }
0xcc: {  	(xrf1) =	vsort.dscd.msk.f32 $0xffff, v9, v22;
	_ =	sdelay $0xc  }
0xcd: {  	v57 =	vld [tilespmem:$0x170];
	v51, v52, _ =	vpop (xrf1)  }
0xce: {  	v58, v59, _ =	vpop (xrf1)  }
0xcf: {  	vm12 =	vgt.f32 v58, v51  }
0xd0: {  	v51 =	vsel vm12, v58, v51;
	v52 =	vsel vm12, v59, v52  }
0xd1: {  	(xrf1) =	vsort.ascd.msk.f32 $0xffff, v51, v52  }
0xd2: {  	(xrf1) =	vsort.dscd.msk.f32 $0xffff, v57, v23;
	_ =	sdelay $0xc  }
0xd3: {  	v60 =	vld [tilespmem:$0x180];
	v51, v52, _ =	vpop (xrf1)  }
0xd4: {  	v61, v62, _ =	vpop (xrf1)  }
0xd5: {  	vm13 =	vgt.f32 v61, v51  }
0xd6: {  	v51 =	vsel vm13, v61, v51;
	v52 =	vsel vm13, v62, v52  }
0xd7: {  	(xrf1) =	vsort.ascd.msk.f32 $0xffff, v51, v52  }
0xd8: {  	(xrf1) =	vsort.dscd.msk.f32 $0xffff, v60, v24;
	_ =	sdelay $0xc  }
0xd9: {  	v63 =	vld [tilespmem:$0x190];
	v51, v52, _ =	vpop (xrf1)  }
0xda: {  	v4, v5, _ =	vpop (xrf1)  }
0xdb: {  	vm14 =	vgt.f32 v4, v51  }
0xdc: {  	v51 =	vsel vm14, v4, v51;
	v52 =	vsel vm14, v5, v52  }
0xdd: {  	(xrf1) =	vsort.ascd.msk.f32 $0xffff, v51, v52  }
0xde: {  	(xrf1) =	vsort.dscd.msk.f32 $0xffff, v63, v25;
	_ =	sdelay $0xc  }
0xdf: {  	v6 =	vld [tilespmem:$0x1A0];
	v51, v52, _ =	vpop (xrf1)  }
0xe0: {  	v7, v8, _ =	vpop (xrf1)  }
0xe1: {  	vm15 =	vgt.f32 v7, v51  }
0xe2: {  	v51 =	vsel vm15, v7, v51;
	v52 =	vsel vm15, v8, v52  }
0xe3: {  	(xrf1) =	vsort.ascd.msk.f32 $0xffff, v51, v52  }
0xe4: {  	(xrf1) =	vsort.dscd.msk.f32 $0xffff, v6, v26;
	_ =	sdelay $0xc  }
0xe5: {  	v9 =	vld [tilespmem:$0x1B0];
	v51, v52, _ =	vpop (xrf1)  }
0xe6: {  	v10, v11, _ =	vpop (xrf1)  }
0xe7: {  	vm4 =	vgt.f32 v10, v51  }
0xe8: {  	v51 =	vsel vm4, v10, v51;
	v52 =	vsel vm4, v11, v52  }
0xe9: {  	(xrf1) =	vsort.ascd.msk.f32 $0xffff, v51, v52  }
0xea: {  	(xrf1) =	vsort.dscd.msk.f32 $0xffff, v9, v27;
	_ =	sdelay $0xc  }
0xeb: {  	v57 =	vld [tilespmem:$0x1C0];
	v51, v52, _ =	vpop (xrf1)  }
0xec: {  	v58, v59, _ =	vpop (xrf1)  }
0xed: {  	vm5 =	vgt.f32 v58, v51  }
0xee: {  	v51 =	vsel vm5, v58, v51;
	v52 =	vsel vm5, v59, v52  }
0xef: {  	(xrf1) =	vsort.ascd.msk.f32 $0xffff, v51, v52  }
0xf0: {  	(xrf1) =	vsort.dscd.msk.f32 $0xffff, v57, v28;
	_ =	sdelay $0xc  }
0xf1: {  	v60 =	vld [tilespmem:$0x1D0];
	v51, v52, _ =	vpop (xrf1)  }
0xf2: {  	v61, v62, _ =	vpop (xrf1)  }
0xf3: {  	vm6 =	vgt.f32 v61, v51  }
0xf4: {  	v51 =	vsel vm6, v61, v51;
	v52 =	vsel vm6, v62, v52  }
0xf5: {  	(xrf1) =	vsort.ascd.msk.f32 $0xffff, v51, v52  }
0xf6: {  	(xrf1) =	vsort.dscd.msk.f32 $0xffff, v60, v29;
	_ =	sdelay $0xc  }
0xf7: {  	v63 =	vld [tilespmem:$0x1E0];
	v51, v52, _ =	vpop (xrf1)  }
0xf8: {  	v4, v5, _ =	vpop (xrf1)  }
0xf9: {  	vm7 =	vgt.f32 v4, v51  }
0xfa: {  	v51 =	vsel vm7, v4, v51;
	v52 =	vsel vm7, v5, v52  }
0xfb: {  	(xrf1) =	vsort.ascd.msk.f32 $0xffff, v51, v52  }
0xfc: {  	(xrf1) =	vsort.dscd.msk.f32 $0xffff, v63, v30;
	_ =	sdelay $0xc  }
0xfd: {  	v6 =	vld [tilespmem:$0x1F0];
	v51, v52, _ =	vpop (xrf1)  }
0xfe: {  	v7, v8, _ =	vpop (xrf1)  }
0xff: {  	vm8 =	vgt.f32 v7, v51  }
0x100: {  	v51 =	vsel vm8, v7, v51;
	v52 =	vsel vm8, v8, v52  }
0x101: {  	(xrf1) =	vsort.ascd.msk.f32 $0xffff, v51, v52  }
0x102: {  	(xrf1) =	vsort.dscd.msk.f32 $0xffff, v6, v31;
	_ =	sdelay $0xc  }
0x103: {  	v9 =	vld [tilespmem:$0x200];
	v51, v52, _ =	vpop (xrf1)  }
0x104: {  	v10, v11, _ =	vpop (xrf1)  }
0x105: {  	vm9 =	vgt.f32 v10, v51  }
0x106: {  	v51 =	vsel vm9, v10, v51;
	v52 =	vsel vm9, v11, v52  }
0x107: {  	(xrf1) =	vsort.ascd.msk.f32 $0xffff, v51, v52  }
0x108: {  	(xrf1) =	vsort.dscd.msk.f32 $0xffff, v9, v32;
	_ =	sdelay $0xc  }
0x109: {  	v57 =	vld [tilespmem:$0x210];
	v51, v52, _ =	vpop (xrf1)  }
0x10a: {  	v58, v59, _ =	vpop (xrf1)  }
0x10b: {  	vm10 =	vgt.f32 v58, v51  }
0x10c: {  	v51 =	vsel vm10, v58, v51;
	v52 =	vsel vm10, v59, v52  }
0x10d: {  	(xrf1) =	vsort.ascd.msk.f32 $0xffff, v51, v52  }
0x10e: {  	(xrf1) =	vsort.dscd.msk.f32 $0xffff, v57, v33;
	_ =	sdelay $0xc  }
0x10f: {  	v60 =	vld [tilespmem:$0x220];
	v51, v52, _ =	vpop (xrf1)  }
0x110: {  	v61, v62, _ =	vpop (xrf1)  }
0x111: {  	vm11 =	vgt.f32 v61, v51  }
0x112: {  	v51 =	vsel vm11, v61, v51;
	v52 =	vsel vm11, v62, v52  }
0x113: {  	(xrf1) =	vsort.ascd.msk.f32 $0xffff, v51, v52  }
0x114: {  	(xrf1) =	vsort.dscd.msk.f32 $0xffff, v60, v34;
	_ =	sdelay $0xc  }
0x115: {  	v63 =	vld [tilespmem:$0x230];
	v51, v52, _ =	vpop (xrf1)  }
0x116: {  	v4, v5, _ =	vpop (xrf1)  }
0x117: {  	vm12 =	vgt.f32 v4, v51  }
0x118: {  	v51 =	vsel vm12, v4, v51;
	v52 =	vsel vm12, v5, v52  }
0x119: {  	(xrf1) =	vsort.ascd.msk.f32 $0xffff, v51, v52  }
0x11a: {  	(xrf1) =	vsort.dscd.msk.f32 $0xffff, v63, v35;
	_ =	sdelay $0xc  }
0x11b: {  	v6 =	vld [tilespmem:$0x240];
	v51, v52, _ =	vpop (xrf1)  }
0x11c: {  	v7, v8, _ =	vpop (xrf1)  }
0x11d: {  	vm13 =	vgt.f32 v7, v51  }
0x11e: {  	v51 =	vsel vm13, v7, v51;
	v52 =	vsel vm13, v8, v52  }
0x11f: {  	(xrf1) =	vsort.ascd.msk.f32 $0xffff, v51, v52  }
0x120: {  	(xrf1) =	vsort.dscd.msk.f32 $0xffff, v6, v36;
	_ =	sdelay $0xc  }
0x121: {  	v9 =	vld [tilespmem:$0x250];
	v51, v52, _ =	vpop (xrf1)  }
0x122: {  	v10, v11, _ =	vpop (xrf1)  }
0x123: {  	vm14 =	vgt.f32 v10, v51  }
0x124: {  	v51 =	vsel vm14, v10, v51;
	v52 =	vsel vm14, v11, v52  }
0x125: {  	(xrf1) =	vsort.ascd.msk.f32 $0xffff, v51, v52  }
0x126: {  	(xrf1) =	vsort.dscd.msk.f32 $0xffff, v9, v37;
	_ =	sdelay $0xc  }
0x127: {  	v57 =	vld [tilespmem:$0x260];
	v51, v52, _ =	vpop (xrf1)  }
0x128: {  	v58, v59, _ =	vpop (xrf1)  }
0x129: {  	vm15 =	vgt.f32 v58, v51  }
0x12a: {  	v51 =	vsel vm15, v58, v51;
	v52 =	vsel vm15, v59, v52  }
0x12b: {  	(xrf1) =	vsort.ascd.msk.f32 $0xffff, v51, v52  }
0x12c: {  	(xrf1) =	vsort.dscd.msk.f32 $0xffff, v57, v38;
	_ =	sdelay $0xc  }
0x12d: {  	v60 =	vld [tilespmem:$0x270];
	v51, v52, _ =	vpop (xrf1)  }
0x12e: {  	v61, v62, _ =	vpop (xrf1)  }
0x12f: {  	vm4 =	vgt.f32 v61, v51  }
0x130: {  	v51 =	vsel vm4, v61, v51;
	v52 =	vsel vm4, v62, v52  }
0x131: {  	(xrf1) =	vsort.ascd.msk.f32 $0xffff, v51, v52  }
0x132: {  	(xrf1) =	vsort.dscd.msk.f32 $0xffff, v60, v39;
	_ =	sdelay $0xc  }
0x133: {  	v63 =	vld [tilespmem:$0x280];
	v51, v52, _ =	vpop (xrf1)  }
0x134: {  	v4, v5, _ =	vpop (xrf1)  }
0x135: {  	vm5 =	vgt.f32 v4, v51  }
0x136: {  	v51 =	vsel vm5, v4, v51;
	v52 =	vsel vm5, v5, v52  }
0x137: {  	(xrf1) =	vsort.ascd.msk.f32 $0xffff, v51, v52  }
0x138: {  	(xrf1) =	vsort.dscd.msk.f32 $0xffff, v63, v40;
	_ =	sdelay $0xc  }
0x139: {  	v6 =	vld [tilespmem:$0x290];
	v51, v52, _ =	vpop (xrf1)  }
0x13a: {  	v7, v8, _ =	vpop (xrf1)  }
0x13b: {  	vm6 =	vgt.f32 v7, v51  }
0x13c: {  	v51 =	vsel vm6, v7, v51;
	v52 =	vsel vm6, v8, v52  }
0x13d: {  	(xrf1) =	vsort.ascd.msk.f32 $0xffff, v51, v52  }
0x13e: {  	(xrf1) =	vsort.dscd.msk.f32 $0xffff, v6, v41;
	_ =	sdelay $0xc  }
0x13f: {  	v9 =	vld [tilespmem:$0x2A0];
	v51, v52, _ =	vpop (xrf1)  }
0x140: {  	v10, v11, _ =	vpop (xrf1)  }
0x141: {  	vm7 =	vgt.f32 v10, v51  }
0x142: {  	v51 =	vsel vm7, v10, v51;
	v52 =	vsel vm7, v11, v52  }
0x143: {  	(xrf1) =	vsort.ascd.msk.f32 $0xffff, v51, v52  }
0x144: {  	(xrf1) =	vsort.dscd.msk.f32 $0xffff, v9, v42;
	_ =	sdelay $0xc  }
0x145: {  	v57 =	vld [tilespmem:$0x2B0];
	v51, v52, _ =	vpop (xrf1)  }
0x146: {  	v58, v59, _ =	vpop (xrf1)  }
0x147: {  	vm8 =	vgt.f32 v58, v51  }
0x148: {  	v51 =	vsel vm8, v58, v51;
	v52 =	vsel vm8, v59, v52  }
0x149: {  	(xrf1) =	vsort.ascd.msk.f32 $0xffff, v51, v52  }
0x14a: {  	(xrf1) =	vsort.dscd.msk.f32 $0xffff, v57, v43;
	_ =	sdelay $0xc  }
0x14b: {  	v60 =	vld [tilespmem:$0x2C0];
	v51, v52, _ =	vpop (xrf1)  }
0x14c: {  	v61, v62, _ =	vpop (xrf1)  }
0x14d: {  	vm9 =	vgt.f32 v61, v51  }
0x14e: {  	v51 =	vsel vm9, v61, v51;
	v52 =	vsel vm9, v62, v52  }
0x14f: {  	(xrf1) =	vsort.ascd.msk.f32 $0xffff, v51, v52  }
0x150: {  	(xrf1) =	vsort.dscd.msk.f32 $0xffff, v60, v44;
	_ =	sdelay $0xc  }
0x151: {  	v63 =	vld [tilespmem:$0x2D0];
	v51, v52, _ =	vpop (xrf1)  }
0x152: {  	v4, v5, _ =	vpop (xrf1)  }
0x153: {  	vm10 =	vgt.f32 v4, v51  }
0x154: {  	v51 =	vsel vm10, v4, v51;
	v52 =	vsel vm10, v5, v52  }
0x155: {  	(xrf1) =	vsort.ascd.msk.f32 $0xffff, v51, v52  }
0x156: {  	(xrf1) =	vsort.dscd.msk.f32 $0xffff, v63, v45;
	_ =	sdelay $0xc  }
0x157: {  	v6 =	vld [tilespmem:$0x2E0];
	v51, v52, _ =	vpop (xrf1)  }
0x158: {  	v7, v8, _ =	vpop (xrf1)  }
0x159: {  	vm11 =	vgt.f32 v7, v51  }
0x15a: {  	v51 =	vsel vm11, v7, v51;
	v52 =	vsel vm11, v8, v52  }
0x15b: {  	(xrf1) =	vsort.ascd.msk.f32 $0xffff, v51, v52  }
0x15c: {  	(xrf1) =	vsort.dscd.msk.f32 $0xffff, v6, v46;
	_ =	sdelay $0xc  }
0x15d: {  	v9 =	vld [tilespmem:$0x2F0];
	v51, v52, _ =	vpop (xrf1)  }
0x15e: {  	v10, v11, _ =	vpop (xrf1)  }
0x15f: {  	vm12 =	vgt.f32 v10, v51  }
0x160: {  	v51 =	vsel vm12, v10, v51;
	v52 =	vsel vm12, v11, v52  }
0x161: {  	(xrf1) =	vsort.ascd.msk.f32 $0xffff, v51, v52  }
0x162: {  	(xrf1) =	vsort.dscd.msk.f32 $0xffff, v9, v47;
	_ =	sdelay $0xc  }
0x163: {  	v57 =	vld [tilespmem:$0x300];
	v51, v52, _ =	vpop (xrf1)  }
0x164: {  	v58, v59, _ =	vpop (xrf1)  }
0x165: {  	vm13 =	vgt.f32 v58, v51  }
0x166: {  	v51 =	vsel vm13, v58, v51;
	v52 =	vsel vm13, v59, v52  }
0x167: {  	(xrf1) =	vsort.ascd.msk.f32 $0xffff, v51, v52  }
0x168: {  	(xrf1) =	vsort.dscd.msk.f32 $0xffff, v57, v48;
	_ =	sdelay $0xc  }
0x169: {  	v60 =	vld [tilespmem:$0x310];
	v51, v52, _ =	vpop (xrf1)  }
0x16a: {  	v61, v62, _ =	vpop (xrf1)  }
0x16b: {  	vm14 =	vgt.f32 v61, v51  }
0x16c: {  	v51 =	vsel vm14, v61, v51;
	v52 =	vsel vm14, v62, v52  }
0x16d: {  	(xrf1) =	vsort.ascd.msk.f32 $0xffff, v51, v52  }
0x16e: {  	(xrf1) =	vsort.dscd.msk.f32 $0xffff, v60, v49;
	_ =	sdelay $0xc  }
0x16f: {  	v51, v52, _ =	vpop (xrf1)  }
0x170: {  	v53, v63, _ =	vpop (xrf1)  }
0x171: {  	vm15 =	vgt.f32 v53, v51  }
0x172: {  	v51 =	vsel vm15, v53, v51;
	v52 =	vsel vm15, v63, v52  }
0x173: {  	(xrf1) =	vsort.ascd.msk.f32 $0xffff, v51, v52;
	_ =	sdelay $0xd  }
0x174: {  	v53, v52, _ =	vpop (xrf1)  }
0x175: {  	(v2sf) =	vpush v53, $0x0;
	_ =	sdelay $0xa  }
.Ltmp4:
0x176: {  	_ = 	snop;
	(pc) =	sbr.rel .LBB2_3-.Ltmp4, $2  }
0x177: {  	_ =	sdelay $0x2  }
0x178: {  	s22 =	simm.s32 $0x2;
	s23 =	simm.s32 $0x360;
	v51 =	vimm.s32 $0x0;
	s21 =	spop (v2sf)  }
.LBB2_9:
0x179: {  	v1 =	vmov s26;
	_ =	sdelay $0x1  }
0x17a: {  	v2, v3, _ =	vpop (xrf1)  }
0x17b: {  	vm0 =	vlt.s32 v1, v51;
	v1, v4, _ =	vpop (xrf1)  }
0x17c: {  	v5 =	vnsel vm0, $0x0, v52;
	v6 =	vnsel vm0, $0x0, v53;
	vm14 =	vgt.f32 v2, v1  }
0x17d: {  	(xrf1) =	vsort.dscd.msk.f32 $0xffff, v5, v6;
	v2 =	vsel vm14, v2, v1;
	v3 =	vsel vm14, v3, v4  }
0x17e: {  	(xrf1) =	vsort.ascd.msk.f32 $0xffff, v2, v3;
	_ =	sdelay $0xc  }
0x17f: {  	v2, v3, _ =	vpop (xrf1)  }
0x180: {  	v63, v62, _ =	vpop (xrf1)  }
0x181: {  	vm15 =	vgt.f32 v2, v63  }
0x182: {  	v2 =	vsel vm15, v2, v63;
	v3 =	vsel vm15, v3, v62  }
0x183: {  	(xrf1) =	vsort.ascd.msk.f32 $0xffff, v2, v3;
	_ =	sdelay $0xc  }
0x184: {  	(v2sf) =	vpush v1, $0x0  }
0x185: {  	(v2sf) =	vpush v63, $0x0;
	v53, v52, _ =	vpop (xrf1)  }
0x186: {  	(v2sf) =	vpush v53, $0x0;
	_ =	sdelay $0xb  }
0x187: {  	s24 =	spop (v2sf)  }
0x188: {  	s21 =	smax.f32 s21, s24;
	s29 =	spop (v2sf)  }
0x189: {  	s21 =	smax.f32 s21, s29;
	s30 =	spop (v2sf)  }
0x18a: {  	s21 =	smax.f32 s21, s30;
	s31 =	spop (v2sf)  }
0x18b: {  	v51 =	vimm.s32 $0x0;
	s21 =	smax.f32 s21, s31  }
.LBB2_10:
0x18c: {  	s22 =	sadd.s32 $0x1, s22  }
0x18d: {  	p0 =	sne.s32 s22, $0x7D  }
.Ltmp5:
0x18e: {  	_ = 	snop;
	(pc) =	sbr.rel @!p0 .LBB2_11-.Ltmp5, $2  }
0x18f: {  	_ =	sdelay $0x2  }
0x190: {  	s20 =	sadd.s32 $0x190, s20;
	s23 =	sadd.s32 $0x190, s23  }
.LBB2_3:
0x191: {  	s24 =	smul.u32 $0x190, s22;
	_ =	sdelay $0x1  }
0x192: {  	v54 =	vld [tilespmem:s24+$0x0]  }
0x193: {  	v55 =	vld [tilespmem:s24+$0x10]  }
0x194: {  	v56 =	vld [tilespmem:s24+$0x20]  }
0x195: {  	v57 =	vld [tilespmem:s24+$0x30]  }
0x196: {  	v58 =	vld [tilespmem:s24+$0x40]  }
0x197: {  	v59 =	vld [tilespmem:s24+$0x50]  }
0x198: {  	v60 =	vld [tilespmem:s24+$0x60]  }
0x199: {  	v61 =	vld [tilespmem:s24+$0x70]  }
0x19a: {  	v62 =	vld [tilespmem:s24+$0x80]  }
0x19b: {  	v63 =	vld [tilespmem:s24+$0x90]  }
0x19c: {  	v1 =	vld [tilespmem:s24+$0xA0]  }
0x19d: {  	v2 =	vld [tilespmem:s24+$0xB0]  }
0x19e: {  	v3 =	vld [tilespmem:s24+$0xC0]  }
0x19f: {  	v4 =	vld [tilespmem:s24+$0xD0]  }
0x1a0: {  	v5 =	vld [tilespmem:s24+$0xE0]  }
0x1a1: {  	v6 =	vld [tilespmem:s24+$0xF0]  }
0x1a2: {  	v7 =	vld [tilespmem:s24+$0x100]  }
0x1a3: {  	v8 =	vld [tilespmem:s24+$0x110]  }
0x1a4: {  	v9 =	vld [tilespmem:s24+$0x120]  }
0x1a5: {  	v10 =	vld [tilespmem:s24+$0x130]  }
0x1a6: {  	v11 =	vld [tilespmem:s24+$0x140]  }
0x1a7: {  	v12 =	vld [tilespmem:s24+$0x150]  }
0x1a8: {  	v13 =	vld [tilespmem:s24+$0x160]  }
0x1a9: {  	v14 =	vld [tilespmem:s24+$0x170];
	_ =	sdelay $0x1  }
0x1aa: {  	v54 =	vmax.f32 v54, v55;
	v55 =	vmax.f32 v56, v57;
	v56 =	vmax.f32 v58, v59  }
0x1ab: {  	v60 =	vmax.f32 v60, v61;
	v58 =	vmax.f32 v62, v63;
	v1 =	vmax.f32 v1, v2  }
0x1ac: {  	v2 =	vld [tilespmem:s24+$0x180];
	v3 =	vmax.f32 v3, v4;
	v4 =	vmax.f32 v5, v6;
	v5 =	vmax.f32 v7, v8  }
0x1ad: {  	v61 =	vmax.f32 v9, v10;
	v62 =	vmax.f32 v11, v12;
	v63 =	vmax.f32 v13, v14  }
0x1ae: {  	v59 =	vmax.f32 v54, v55;
	v60 =	vmax.f32 v56, v60;
	v1 =	vmax.f32 v58, v1  }
0x1af: {  	v3 =	vmax.f32 v3, v4;
	v61 =	vmax.f32 v5, v61;
	v62 =	vmax.f32 v62, v63  }
0x1b0: {  	v63 =	vmax.f32 v59, v60;
	v1 =	vmax.f32 v1, v3;
	v3 =	vmax.f32 v61, v62  }
0x1b1: {  	v1 =	vmax.f32 v63, v1;
	v2 =	vmax.f32 v3, v2  }
0x1b2: {  	v1 =	vmax.f32 v1, v2  }
0x1b3: {  	vm0 =	vgt.f32 v1, s21  }
0x1b4: {  	v1 =	vmpcnt.ones.xlane vm0;
	_ =	sdelay $0x1  }
0x1b5: {  	(v2sf) =	vpush v1, $0x0;
	_ =	sdelay $0xe  }
0x1b6: {  	s31 =	spop (v2sf)  }
0x1b7: {  	p0 =	slt.s32 s31, $0x1  }
.Ltmp6:
0x1b8: {  	_ = 	snop;
	(pc) =	sbr.rel @p0 .LBB2_6-.Ltmp6, $1  }
0x1b9: {  	_ =	sdelay $0x3  }
0x1ba: {  	v54 =	vmov s21;
	s24 =	smov.u32 s23;
	s25 =	simm.s32 $0x0  }
.LBB2_5:
0x1bb: {  	v1 =	vld [tilespmem:s24+$0xFFFFFFC0];
	_ =	sdelay $0x4  }
0x1bc: {  	v2 =	vshll.u32 v51, $0x4;
	vm0 =	vgt.f32 v1, v54  }
0x1bd: {  	v2 =	vor.u32 v0, v2;
	_ =	sdelay $0x2  }
0x1be: {  	s26 =	sadd.s32 s25, s20  }
0x1bf: {  	s28 =	sadd.s32 $0x320, s26  }
0x1c0: {  	v3 =	vor.u32 s28, v0;
	[tilespmem:v2+s12+$0x0] =	vst.idx.msk vm0, v1  }
0x1c1: {  	[tilespmem:v2+s13+$0x0] =	vst.idx.msk vm0, v3  }
0x1c2: {  	v1 =	vld [tilespmem:s24+$0xFFFFFFD0];
	_ =	sdelay $0x2  }
0x1c3: {  	v2 =	vsel vm0, $0x1, v50  }
0x1c4: {  	v2 =	vadd.s32 v2, v51  }
0x1c5: {  	v3 =	vshll.u32 v2, $0x4;
	vm12 =	vgt.f32 v1, v54  }
0x1c6: {  	v3 =	vor.u32 v0, v3;
	_ =	sdelay $0x3  }
0x1c7: {  	s29 =	sadd.s32 $0x330, s26  }
0x1c8: {  	v4 =	vor.u32 s29, v0;
	[tilespmem:v3+s12+$0x0] =	vst.idx.msk vm12, v1  }
0x1c9: {  	[tilespmem:v3+s13+$0x0] =	vst.idx.msk vm12, v4  }
0x1ca: {  	v1 =	vld [tilespmem:s24+$0xFFFFFFE0];
	_ =	sdelay $0x2  }
0x1cb: {  	v3 =	vsel vm12, $0x1, v50  }
0x1cc: {  	v2 =	vadd.s32 v3, v2  }
0x1cd: {  	v3 =	vshll.u32 v2, $0x4;
	vm13 =	vgt.f32 v1, v54  }
0x1ce: {  	v3 =	vor.u32 v0, v3;
	_ =	sdelay $0x3  }
0x1cf: {  	s30 =	sadd.s32 $0x340, s26  }
0x1d0: {  	v61 =	vor.u32 s30, v0;
	[tilespmem:v3+s12+$0x0] =	vst.idx.msk vm13, v1  }
0x1d1: {  	[tilespmem:v3+s13+$0x0] =	vst.idx.msk vm13, v61  }
0x1d2: {  	v1 =	vld [tilespmem:s24+$0xFFFFFFF0];
	_ =	sdelay $0x2  }
0x1d3: {  	v3 =	vsel vm13, $0x1, v50  }
0x1d4: {  	v2 =	vadd.s32 v3, v2  }
0x1d5: {  	v3 =	vshll.u32 v2, $0x4;
	vm14 =	vgt.f32 v1, v54  }
0x1d6: {  	v3 =	vor.u32 v0, v3;
	_ =	sdelay $0x3  }
0x1d7: {  	s31 =	sadd.s32 $0x350, s26  }
0x1d8: {  	v62 =	vor.u32 s31, v0;
	[tilespmem:v3+s12+$0x0] =	vst.idx.msk vm14, v1  }
0x1d9: {  	[tilespmem:v3+s13+$0x0] =	vst.idx.msk vm14, v62  }
0x1da: {  	v1 =	vld [tilespmem:s24+$0x0];
	_ =	sdelay $0x2  }
0x1db: {  	v3 =	vsel vm14, $0x1, v50  }
0x1dc: {  	v2 =	vadd.s32 v3, v2  }
0x1dd: {  	v3 =	vshll.u32 v2, $0x4;
	vm15 =	vgt.f32 v1, v54  }
0x1de: {  	v3 =	vor.u32 v0, v3  }
0x1df: {  	p0 =	sne.s32 s25, $0x140  }
.Ltmp7:
0x1e0: {  	_ = 	snop;
	(pc) =	sbr.rel @p0 .LBB2_5-.Ltmp7, $4  }
0x1e1: {  	_ = 	snop  }
0x1e2: {  	s26 =	sadd.s32 $0x360, s26  }
0x1e3: {  	v63 =	vor.u32 s26, v0;
	[tilespmem:v3+s12+$0x0] =	vst.idx.msk vm15, v1;
	v1 =	vsel vm15, $0x1, v50  }
0x1e4: {  	s25 =	sadd.s32 $0x50, s25;
	s24 =	sadd.s32 $0x50, s24;
	[tilespmem:v3+s13+$0x0] =	vst.idx.msk vm15, v63;
	v51 =	vadd.s32 v1, v2  }
.LBB2_6:
0x1e5: {  	vm0 =	vgt.s32 v51, $0x26  }
0x1e6: {  	v1 =	vmpcnt.ones.xlane vm0;
	_ =	sdelay $0x1  }
0x1e7: {  	(v2sf) =	vpush v1, $0x0;
	_ =	sdelay $0xe  }
0x1e8: {  	s24 =	spop (v2sf)  }
0x1e9: {  	p0 =	slt.s32 s24, $0x1  }
.Ltmp8:
0x1ea: {  	_ = 	snop;
	(pc) =	sbr.rel @p0 .LBB2_10-.Ltmp8, $1  }
0x1eb: {  	_ =	sdelay $0x3  }
0x1ec: {  	s24 =	simm.s32 $0x186A0  }
0x1ed: {  	s25 =	simm.s32 $0x18AA0;
	v1 =	vld [tilespmem:s24+$0x0]  }
0x1ee: {  	v2 =	vld [tilespmem:s25+$0x0];
	_ =	sdelay $0x1  }
0x1ef: {  	s30 =	simm.s32 $0x0  }
0x1f0: {  	v3 =	vmov s30  }
0x1f1: {  	vm0 =	vlt.s32 v3, v51  }
0x1f2: {  	v1 =	vnsel vm0, $0x0, v1;
	v2 =	vnsel vm0, $0x0, v2  }
0x1f3: {  	(xrf1) =	vsort.dscd.msk.f32 $0xffff, v1, v2;
	_ =	sdelay $0x7  }
0x1f4: {  	s31 =	simm.s32 $0x186B0  }
0x1f5: {  	s25 =	simm.s32 $0x18AB0;
	v1 =	vld [tilespmem:s31+$0x0]  }
0x1f6: {  	v2 =	vld [tilespmem:s25+$0x0];
	_ =	sdelay $0x1  }
0x1f7: {  	s26 =	simm.s32 $0x1  }
0x1f8: {  	v3 =	vmov s26  }
0x1f9: {  	vm12 =	vlt.s32 v3, v51;
	v4, v5, _ =	vpop (xrf1)  }
0x1fa: {  	v1 =	vnsel vm12, $0x0, v1;
	v2 =	vnsel vm12, $0x0, v2;
	vm13 =	vgt.f32 v4, v53  }
0x1fb: {  	(xrf1) =	vsort.dscd.msk.f32 $0xffff, v1, v2;
	v1 =	vsel vm13, v4, v53;
	v2 =	vsel vm13, v5, v52  }
0x1fc: {  	(xrf1) =	vsort.ascd.msk.f32 $0xffff, v1, v2;
	_ =	sdelay $0x7  }
0x1fd: {  	s29 =	simm.s32 $0x186C0  }
0x1fe: {  	s30 =	simm.s32 $0x18AC0;
	v1 =	vld [tilespmem:s29+$0x0]  }
0x1ff: {  	s31 =	simm.s32 $0x2;
	v2 =	vld [tilespmem:s30+$0x0]  }
0x200: {  	v3 =	vmov s31;
	_ =	sdelay $0x1  }
0x201: {  	v62, v63, _ =	vpop (xrf1)  }
0x202: {  	vm14 =	vlt.s32 v3, v51;
	v3, v6, _ =	vpop (xrf1)  }
0x203: {  	v1 =	vnsel vm14, $0x0, v1;
	v2 =	vnsel vm14, $0x0, v2;
	vm15 =	vgt.f32 v62, v3  }
0x204: {  	(xrf1) =	vsort.dscd.msk.f32 $0xffff, v1, v2;
	(v2sf) =	vpush v3, $0x0;
	v1 =	vsel vm15, v62, v3;
	v2 =	vsel vm15, v63, v6  }
0x205: {  	(xrf1) =	vsort.ascd.msk.f32 $0xffff, v1, v2;
	_ =	sdelay $0x7  }
0x206: {  	s24 =	simm.s32 $0x186D0  }
0x207: {  	s25 =	simm.s32 $0x18AD0;
	v52 =	vld [tilespmem:s24+$0x0]  }
0x208: {  	v53 =	vld [tilespmem:s25+$0x0];
	_ =	sdelay $0x1  }
0x209: {  	s28 =	simm.s32 $0x4;
	s26 =	simm.s32 $0x3  }
.LBB2_8:
0x20a: {  	p0 =	sne.s32 s28, $0x3F;
	v5 =	vmov s26;
	v2, v3, _ =	vpop (xrf1);
	s26 =	smov.u32 s28;
	s28 =	sadd.s32 $0x1, s28  }
0x20b: {  	vm0 =	vlt.s32 v5, v51;
	v1, v4, _ =	vpop (xrf1);
	s29 =	spop (v2sf)  }
0x20c: {  	v5 =	vnsel vm0, $0x0, v52;
	v6 =	vnsel vm0, $0x0, v53;
	vm0 =	vgt.f32 v2, v1;
	s21 =	smax.f32 s21, s29  }
0x20d: {  	(xrf1) =	vsort.dscd.msk.f32 $0xffff, v5, v6;
	v2 =	vsel vm0, v2, v1;
	v3 =	vsel vm0, v3, v4;
	(v2sf) =	vpush v1, $0x0  }
0x20e: {  	(xrf1) =	vsort.ascd.msk.f32 $0xffff, v2, v3;
	_ =	sdelay $0x5  }
.Ltmp9:
0x20f: {  	(pc) =	sbr.rel @p0 .LBB2_8-.Ltmp9, $4  }
0x210: {  	_ = 	snop  }
0x211: {  	s24 =	sadd.s32 $0x10, s24  }
0x212: {  	s25 =	sadd.s32 $0x10, s25;
	v52 =	vld [tilespmem:s24+$0x0]  }
0x213: {  	v53 =	vld [tilespmem:s25+$0x0]  }
.Ltmp10:
0x214: {  	_ = 	snop;
	(pc) =	sbr.rel .LBB2_9-.Ltmp10, $1  }
0x215: {  	_ =	sdelay $0x3  }
.LBB2_11:
0x216: {  	s20 =	sadd.s32 $0x1, s19  }
0x217: {  	p0 =	slt.s32 s20, $0x7;
	s22 =	smov.u32 s20  }
0x218: {  	s22 =	simm.s32 @!p0 $0x7  }
0x219: {  	s22 =	sor.u32 s6, s22  }
0x21a: {  	s22 =	smul.u32 $0x30D4, s22  }
.Ltmp11:
0x21b: {  	_ =	swait.ge [sflag:s14], $0xC350;
	(pc) =	sbr.rel .LBB2_12-.Ltmp11, $4  }
0x21c: {  	[sflag:s14] =	ssyncset.done $0x0  }
0x21d: {  	[sflag:s14] =	ssyncadd.s32 $0xFFFF3CB0;
	s23 =	sadd.s32 s4, s22;
	s22 =	simm.s32 $0x0  }
0x21e: {  	[tilespmem:s22], [sflag:$0x1] =	stream.linear.gather [hbm4b:s23+s22], $0xC350, $0x38;
	[tilespmem:$0x18EC0] =	vst v63  }
0x21f: {  	s24 =	simm.s32 $0x0;
	s23 =	simm.s32 $0xC370  }
.LBB2_18:
0x220: {  	v1 =	vmov s28;
	_ =	sdelay $0x1  }
0x221: {  	v2, v3, _ =	vpop (xrf1)  }
0x222: {  	vm0 =	vlt.s32 v1, v51;
	v1, v4, _ =	vpop (xrf1)  }
0x223: {  	v5 =	vnsel vm0, $0x0, v52;
	v6 =	vnsel vm0, $0x0, v53;
	vm14 =	vgt.f32 v2, v1  }
0x224: {  	(xrf1) =	vsort.dscd.msk.f32 $0xffff, v5, v6;
	v2 =	vsel vm14, v2, v1;
	v3 =	vsel vm14, v3, v4  }
0x225: {  	(xrf1) =	vsort.ascd.msk.f32 $0xffff, v2, v3;
	_ =	sdelay $0xc  }
0x226: {  	v2, v3, _ =	vpop (xrf1)  }
0x227: {  	v63, v62, _ =	vpop (xrf1)  }
0x228: {  	vm15 =	vgt.f32 v2, v63  }
0x229: {  	v2 =	vsel vm15, v2, v63;
	v3 =	vsel vm15, v3, v62  }
0x22a: {  	(xrf1) =	vsort.ascd.msk.f32 $0xffff, v2, v3;
	_ =	sdelay $0xc  }
0x22b: {  	(v2sf) =	vpush v1, $0x0  }
0x22c: {  	(v2sf) =	vpush v63, $0x0;
	v53, v52, _ =	vpop (xrf1)  }
0x22d: {  	(v2sf) =	vpush v53, $0x0;
	_ =	sdelay $0xb  }
0x22e: {  	s25 =	spop (v2sf)  }
0x22f: {  	s21 =	smax.f32 s21, s25;
	s29 =	spop (v2sf)  }
0x230: {  	s21 =	smax.f32 s21, s29;
	s30 =	spop (v2sf)  }
0x231: {  	s21 =	smax.f32 s21, s30;
	s31 =	spop (v2sf)  }
0x232: {  	v51 =	vimm.s32 $0x0;
	s21 =	smax.f32 s21, s31  }
.LBB2_19:
0x233: {  	s24 =	sadd.s32 $0x1, s24  }
0x234: {  	p0 =	sne.s32 s24, $0x7D  }
.Ltmp12:
0x235: {  	_ = 	snop;
	(pc) =	sbr.rel @!p0 .LBB2_20-.Ltmp12, $2  }
0x236: {  	_ =	sdelay $0x2  }
0x237: {  	s22 =	sadd.s32 $0x190, s22;
	s23 =	sadd.s32 $0x190, s23  }
.LBB2_12:
0x238: {  	s25 =	smul.u32 $0x190, s24;
	_ =	sdelay $0x1  }
0x239: {  	v1 =	vld [tilespmem:s25+$0xC350]  }
0x23a: {  	v2 =	vld [tilespmem:s25+$0xC360]  }
0x23b: {  	v3 =	vld [tilespmem:s25+$0xC370]  }
0x23c: {  	v4 =	vld [tilespmem:s25+$0xC380]  }
0x23d: {  	v5 =	vld [tilespmem:s25+$0xC390]  }
0x23e: {  	v6 =	vld [tilespmem:s25+$0xC3A0]  }
0x23f: {  	v7 =	vld [tilespmem:s25+$0xC3B0]  }
0x240: {  	v8 =	vld [tilespmem:s25+$0xC3C0]  }
0x241: {  	v9 =	vld [tilespmem:s25+$0xC3D0]  }
0x242: {  	v10 =	vld [tilespmem:s25+$0xC3E0]  }
0x243: {  	v11 =	vld [tilespmem:s25+$0xC3F0]  }
0x244: {  	v12 =	vld [tilespmem:s25+$0xC400]  }
0x245: {  	v13 =	vld [tilespmem:s25+$0xC410]  }
0x246: {  	v14 =	vld [tilespmem:s25+$0xC420]  }
0x247: {  	v54 =	vld [tilespmem:s25+$0xC430]  }
0x248: {  	v55 =	vld [tilespmem:s25+$0xC440]  }
0x249: {  	v56 =	vld [tilespmem:s25+$0xC450]  }
0x24a: {  	v57 =	vld [tilespmem:s25+$0xC460]  }
0x24b: {  	v58 =	vld [tilespmem:s25+$0xC470]  }
0x24c: {  	v59 =	vld [tilespmem:s25+$0xC480]  }
0x24d: {  	v60 =	vld [tilespmem:s25+$0xC490]  }
0x24e: {  	v61 =	vld [tilespmem:s25+$0xC4A0]  }
0x24f: {  	v62 =	vld [tilespmem:s25+$0xC4B0]  }
0x250: {  	v63 =	vld [tilespmem:s25+$0xC4C0];
	_ =	sdelay $0x1  }
0x251: {  	v1 =	vmax.f32 v1, v2;
	v2 =	vmax.f32 v3, v4;
	v3 =	vmax.f32 v5, v6  }
0x252: {  	v4 =	vmax.f32 v7, v8;
	v5 =	vmax.f32 v9, v10;
	v6 =	vmax.f32 v11, v12  }
0x253: {  	v7 =	vld [tilespmem:s25+$0xC4D0];
	v8 =	vmax.f32 v13, v14;
	v55 =	vmax.f32 v54, v55;
	v57 =	vmax.f32 v56, v57  }
0x254: {  	v59 =	vmax.f32 v58, v59;
	v12 =	vmax.f32 v60, v61;
	v13 =	vmax.f32 v62, v63  }
0x255: {  	v1 =	vmax.f32 v1, v2;
	v2 =	vmax.f32 v3, v4;
	v3 =	vmax.f32 v5, v6  }
0x256: {  	v61 =	vmax.f32 v8, v55;
	v62 =	vmax.f32 v57, v59;
	v63 =	vmax.f32 v12, v13  }
0x257: {  	v1 =	vmax.f32 v1, v2;
	v2 =	vmax.f32 v3, v61;
	v3 =	vmax.f32 v62, v63  }
0x258: {  	v1 =	vmax.f32 v1, v2;
	v2 =	vmax.f32 v3, v7  }
0x259: {  	v1 =	vmax.f32 v1, v2  }
0x25a: {  	vm0 =	vgt.f32 v1, s21  }
0x25b: {  	v1 =	vmpcnt.ones.xlane vm0;
	_ =	sdelay $0x1  }
0x25c: {  	(v2sf) =	vpush v1, $0x0;
	_ =	sdelay $0xe  }
0x25d: {  	s31 =	spop (v2sf)  }
0x25e: {  	p0 =	slt.s32 s31, $0x1  }
.Ltmp13:
0x25f: {  	_ = 	snop;
	(pc) =	sbr.rel @p0 .LBB2_15-.Ltmp13, $1  }
0x260: {  	_ =	sdelay $0x3  }
0x261: {  	v54 =	vmov s21;
	s25 =	smov.u32 s23;
	s26 =	simm.s32 $0x0  }
.LBB2_14:
0x262: {  	v1 =	vld [tilespmem:s25+$0xFFFFFFE0];
	_ =	sdelay $0x4  }
0x263: {  	v2 =	vshll.u32 v51, $0x4;
	vm0 =	vgt.f32 v1, v54  }
0x264: {  	v2 =	vor.u32 v0, v2;
	_ =	sdelay $0x2  }
0x265: {  	s28 =	sadd.s32 s26, s22  }
0x266: {  	s29 =	sadd.s32 $0xC350, s28  }
0x267: {  	v3 =	vor.u32 s29, v0;
	[tilespmem:v2+s12+$0x0] =	vst.idx.msk vm0, v1  }
0x268: {  	[tilespmem:v2+s13+$0x0] =	vst.idx.msk vm0, v3  }
0x269: {  	v1 =	vld [tilespmem:s25+$0xFFFFFFF0];
	_ =	sdelay $0x2  }
0x26a: {  	v2 =	vsel vm0, $0x1, v50  }
0x26b: {  	v2 =	vadd.s32 v2, v51  }
0x26c: {  	v3 =	vshll.u32 v2, $0x4;
	vm12 =	vgt.f32 v1, v54  }
0x26d: {  	v3 =	vor.u32 v0, v3;
	_ =	sdelay $0x3  }
0x26e: {  	s31 =	sadd.s32 $0xC360, s28  }
0x26f: {  	v4 =	vor.u32 s31, v0;
	[tilespmem:v3+s12+$0x0] =	vst.idx.msk vm12, v1  }
0x270: {  	[tilespmem:v3+s13+$0x0] =	vst.idx.msk vm12, v4  }
0x271: {  	v1 =	vld [tilespmem:s25+$0x0];
	_ =	sdelay $0x2  }
0x272: {  	v3 =	vsel vm12, $0x1, v50  }
0x273: {  	v2 =	vadd.s32 v3, v2  }
0x274: {  	v3 =	vshll.u32 v2, $0x4;
	vm13 =	vgt.f32 v1, v54  }
0x275: {  	v3 =	vor.u32 v0, v3;
	_ =	sdelay $0x3  }
0x276: {  	s30 =	sadd.s32 $0xC370, s28  }
0x277: {  	v61 =	vor.u32 s30, v0;
	[tilespmem:v3+s12+$0x0] =	vst.idx.msk vm13, v1  }
0x278: {  	[tilespmem:v3+s13+$0x0] =	vst.idx.msk vm13, v61  }
0x279: {  	v1 =	vld [tilespmem:s25+$0x10];
	_ =	sdelay $0x2  }
0x27a: {  	v3 =	vsel vm13, $0x1, v50  }
0x27b: {  	v2 =	vadd.s32 v3, v2  }
0x27c: {  	v3 =	vshll.u32 v2, $0x4;
	vm14 =	vgt.f32 v1, v54  }
0x27d: {  	v3 =	vor.u32 v0, v3;
	_ =	sdelay $0x3  }
0x27e: {  	s31 =	sadd.s32 $0xC380, s28  }
0x27f: {  	v62 =	vor.u32 s31, v0;
	[tilespmem:v3+s12+$0x0] =	vst.idx.msk vm14, v1  }
0x280: {  	[tilespmem:v3+s13+$0x0] =	vst.idx.msk vm14, v62  }
0x281: {  	v1 =	vld [tilespmem:s25+$0x20];
	_ =	sdelay $0x2  }
0x282: {  	v3 =	vsel vm14, $0x1, v50  }
0x283: {  	v2 =	vadd.s32 v3, v2  }
0x284: {  	v3 =	vshll.u32 v2, $0x4;
	vm15 =	vgt.f32 v1, v54  }
0x285: {  	v3 =	vor.u32 v0, v3  }
0x286: {  	p0 =	sne.s32 s26, $0x140  }
.Ltmp14:
0x287: {  	_ = 	snop;
	(pc) =	sbr.rel @p0 .LBB2_14-.Ltmp14, $4  }
0x288: {  	_ = 	snop  }
0x289: {  	s28 =	sadd.s32 $0xC390, s28  }
0x28a: {  	v63 =	vor.u32 s28, v0;
	[tilespmem:v3+s12+$0x0] =	vst.idx.msk vm15, v1;
	v1 =	vsel vm15, $0x1, v50  }
0x28b: {  	s26 =	sadd.s32 $0x50, s26;
	s25 =	sadd.s32 $0x50, s25;
	[tilespmem:v3+s13+$0x0] =	vst.idx.msk vm15, v63;
	v51 =	vadd.s32 v1, v2  }
.LBB2_15:
0x28c: {  	vm0 =	vgt.s32 v51, $0x26  }
0x28d: {  	v1 =	vmpcnt.ones.xlane vm0;
	_ =	sdelay $0x1  }
0x28e: {  	(v2sf) =	vpush v1, $0x0;
	_ =	sdelay $0xe  }
0x28f: {  	s25 =	spop (v2sf)  }
0x290: {  	p0 =	slt.s32 s25, $0x1  }
.Ltmp15:
0x291: {  	_ = 	snop;
	(pc) =	sbr.rel @p0 .LBB2_19-.Ltmp15, $1  }
0x292: {  	_ =	sdelay $0x3  }
0x293: {  	s25 =	simm.s32 $0x186A0  }
0x294: {  	s26 =	simm.s32 $0x18AA0;
	v1 =	vld [tilespmem:s25+$0x0]  }
0x295: {  	v2 =	vld [tilespmem:s26+$0x0];
	_ =	sdelay $0x1  }
0x296: {  	s31 =	simm.s32 $0x0  }
0x297: {  	v3 =	vmov s31  }
0x298: {  	vm0 =	vlt.s32 v3, v51  }
0x299: {  	v1 =	vnsel vm0, $0x0, v1;
	v2 =	vnsel vm0, $0x0, v2  }
0x29a: {  	(xrf1) =	vsort.dscd.msk.f32 $0xffff, v1, v2;
	_ =	sdelay $0x7  }
0x29b: {  	s26 =	simm.s32 $0x186B0  }
0x29c: {  	s30 =	simm.s32 $0x18AB0;
	v1 =	vld [tilespmem:s26+$0x0]  }
0x29d: {  	v2 =	vld [tilespmem:s30+$0x0];
	_ =	sdelay $0x1  }
0x29e: {  	s31 =	simm.s32 $0x1  }
0x29f: {  	v3 =	vmov s31  }
0x2a0: {  	vm12 =	vlt.s32 v3, v51;
	v4, v5, _ =	vpop (xrf1)  }
0x2a1: {  	v1 =	vnsel vm12, $0x0, v1;
	v2 =	vnsel vm12, $0x0, v2;
	vm13 =	vgt.f32 v4, v53  }
0x2a2: {  	(xrf1) =	vsort.dscd.msk.f32 $0xffff, v1, v2;
	v1 =	vsel vm13, v4, v53;
	v2 =	vsel vm13, v5, v52  }
0x2a3: {  	(xrf1) =	vsort.ascd.msk.f32 $0xffff, v1, v2;
	_ =	sdelay $0x7  }
0x2a4: {  	s26 =	simm.s32 $0x186C0  }
0x2a5: {  	s30 =	simm.s32 $0x18AC0;
	v1 =	vld [tilespmem:s26+$0x0]  }
0x2a6: {  	s31 =	simm.s32 $0x2;
	v2 =	vld [tilespmem:s30+$0x0]  }
0x2a7: {  	v3 =	vmov s31;
	_ =	sdelay $0x1  }
0x2a8: {  	v62, v63, _ =	vpop (xrf1)  }
0x2a9: {  	vm14 =	vlt.s32 v3, v51;
	v3, v6, _ =	vpop (xrf1)  }
0x2aa: {  	v1 =	vnsel vm14, $0x0, v1;
	v2 =	vnsel vm14, $0x0, v2;
	vm15 =	vgt.f32 v62, v3  }
0x2ab: {  	(xrf1) =	vsort.dscd.msk.f32 $0xffff, v1, v2;
	(v2sf) =	vpush v3, $0x0;
	v1 =	vsel vm15, v62, v3;
	v2 =	vsel vm15, v63, v6  }
0x2ac: {  	(xrf1) =	vsort.ascd.msk.f32 $0xffff, v1, v2;
	_ =	sdelay $0x7  }
0x2ad: {  	s25 =	simm.s32 $0x186D0  }
0x2ae: {  	v52 =	vld [tilespmem:s25+$0x0];
	s26 =	simm.s32 $0x18AD0  }
0x2af: {  	v53 =	vld [tilespmem:s26+$0x0];
	_ =	sdelay $0x1  }
0x2b0: {  	s28 =	simm.s32 $0x3;
	s29 =	simm.s32 $0x4  }
.LBB2_17:
0x2b1: {  	p0 =	sne.s32 s29, $0x3F;
	v5 =	vmov s28;
	v2, v3, _ =	vpop (xrf1);
	s28 =	smov.u32 s29;
	s29 =	sadd.s32 $0x1, s29  }
0x2b2: {  	vm0 =	vlt.s32 v5, v51;
	v1, v4, _ =	vpop (xrf1);
	s30 =	spop (v2sf)  }
0x2b3: {  	v5 =	vnsel vm0, $0x0, v52;
	v6 =	vnsel vm0, $0x0, v53;
	vm0 =	vgt.f32 v2, v1;
	s21 =	smax.f32 s21, s30  }
0x2b4: {  	(xrf1) =	vsort.dscd.msk.f32 $0xffff, v5, v6;
	v2 =	vsel vm0, v2, v1;
	v3 =	vsel vm0, v3, v4;
	(v2sf) =	vpush v1, $0x0  }
0x2b5: {  	(xrf1) =	vsort.ascd.msk.f32 $0xffff, v2, v3;
	_ =	sdelay $0x5  }
.Ltmp16:
0x2b6: {  	(pc) =	sbr.rel @p0 .LBB2_17-.Ltmp16, $4  }
0x2b7: {  	_ = 	snop  }
0x2b8: {  	s25 =	sadd.s32 $0x10, s25  }
0x2b9: {  	s26 =	sadd.s32 $0x10, s26;
	v52 =	vld [tilespmem:s25+$0x0]  }
0x2ba: {  	v53 =	vld [tilespmem:s26+$0x0]  }
.Ltmp17:
0x2bb: {  	_ = 	snop;
	(pc) =	sbr.rel .LBB2_18-.Ltmp17, $1  }
0x2bc: {  	_ =	sdelay $0x3  }
.LBB2_20:
0x2bd: {  	v1 =	vxor.u32 $0x80000000, v51  }
0x2be: {  	(xrf1) =	vsort.ascd.msk.u32 $0xffff, v1, v51;
	_ =	sdelay $0xd  }
0x2bf: {  	v1, _, _ =	vpop (xrf1)  }
0x2c0: {  	(v2sf) =	vpush v1, $0xF;
	_ =	sdelay $0xe  }
0x2c1: {  	s21 =	spop (v2sf)  }
0x2c2: {  	s21 =	sxor.u32 $0x80000000, s21  }
0x2c3: {  	p0 =	slt.s32 s21, $0x1  }
.Ltmp18:
0x2c4: {  	_ = 	snop;
	(pc) =	sbr.rel @p0 .LBB2_26-.Ltmp18, $1  }
0x2c5: {  	_ =	sdelay $0x3  }
0x2c6: {  	s22 =	simm.s32 $0x186A0  }
0x2c7: {  	s23 =	simm.s32 $0x18AA0;
	v1 =	vld [tilespmem:s22+$0x0]  }
0x2c8: {  	v2 =	vld [tilespmem:s23+$0x0];
	_ =	sdelay $0x1  }
0x2c9: {  	s31 =	simm.s32 $0x0  }
0x2ca: {  	v3 =	vmov s31  }
0x2cb: {  	vm0 =	vlt.s32 v3, v51  }
0x2cc: {  	v1 =	vnsel vm0, $0x0, v1;
	v2 =	vnsel vm0, $0x0, v2  }
0x2cd: {  	(xrf1) =	vsort.dscd.msk.f32 $0xffff, v1, v2;
	_ =	sdelay $0x7  }
0x2ce: {  	p1 =	sne.s32 s21, $0x1  }
.Ltmp19:
0x2cf: {  	_ = 	snop;
	(pc) =	sbr.rel @!p1 .LBB2_22-.Ltmp19, $2  }
0x2d0: {  	_ =	sdelay $0x2  }
0x2d1: {  	p0 =	por $0x0, $0x0;
	s23 =	simm.s32 $0x1;
	s22 =	simm.s32 $0x186B0  }
0x2d2: {  	v1 =	vld [tilespmem:s22+$0x0];
	s22 =	simm.s32 $0x18AB0  }
0x2d3: {  	v2 =	vld [tilespmem:s22+$0x0];
	_ =	sdelay $0x2  }
0x2d4: {  	v3 =	vmov s23  }
0x2d5: {  	v4, v5, _ =	vpop (xrf1);
	vm0 =	vlt.s32 v3, v51  }
0x2d6: {  	vm15 =	vgt.f32 v4, v53;
	v1 =	vnsel vm0, $0x0, v1;
	v2 =	vnsel vm0, $0x0, v2  }
0x2d7: {  	(xrf1) =	vsort.dscd.msk.f32 $0xffff, v1, v2;
	v1 =	vsel vm15, v4, v53;
	v2 =	vsel vm15, v5, v52  }
0x2d8: {  	(xrf1) =	vsort.ascd.msk.f32 $0xffff, v1, v2;
	_ =	sdelay $0x6  }
0x2d9: {  	p1 =	sne.s32 s21, $0x2  }
.Ltmp20:
0x2da: {  	_ = 	snop;
	(pc) =	sbr.rel @!p1 .LBB2_25-.Ltmp20, $2  }
0x2db: {  	_ =	sdelay $0x2  }
0x2dc: {  	s23 =	simm.s32 $0x2;
	s24 =	simm.s32 $0x186C0;
	p0 =	por $0x1, $0x1  }
.LBB2_24:
0x2dd: {  	v1 =	vld [tilespmem:s24+$0x0];
	s22 =	sadd.s32 $0x10, s22;
	s25 =	smov.u32 s23  }
0x2de: {  	v2 =	vld [tilespmem:s22+$0x0]  }
0x2df: {  	s23 =	sadd.s32 $0x1, s23  }
0x2e0: {  	p1 =	sne.s32 s21, s23  }
0x2e1: {  	v7 =	vmov s25;
	v4, v5, _ =	vpop (xrf1)  }
0x2e2: {  	vm0 =	vlt.s32 v7, v51;
	v3, v6, _ =	vpop (xrf1)  }
0x2e3: {  	v1 =	vnsel vm0, $0x0, v1;
	v2 =	vnsel vm0, $0x0, v2;
	vm0 =	vgt.f32 v4, v3  }
0x2e4: {  	(xrf1) =	vsort.dscd.msk.f32 $0xffff, v1, v2;
	v1 =	vsel vm0, v4, v3;
	v2 =	vsel vm0, v5, v6  }
0x2e5: {  	(xrf1) =	vsort.ascd.msk.f32 $0xffff, v1, v2;
	_ =	sdelay $0x3  }
.Ltmp21:
0x2e6: {  	(pc) =	sbr.rel @p1 .LBB2_24-.Ltmp21, $2  }
0x2e7: {  	_ =	sdelay $0x2  }
0x2e8: {  	s24 =	sadd.s32 $0x10, s24  }
.Ltmp22:
0x2e9: {  	_ = 	snop;
	(pc) =	sbr.rel .LBB2_25-.Ltmp22, $1  }
0x2ea: {  	_ =	sdelay $0x3  }
.LBB2_28:
0x2eb: {  	_ =	sfence.sel $0x180000  }
0x2ec: {  	[bflag:$0x0] =	sbarrier.arrive $0xFFFF  }
0x2ed: {  	p0 =	sne.s32 s2, $0x0;
	_ =	strace $0x90000047  }
0x2ee: {  	s0 =	sadd.s32 @!p0 $0x100000, s0;
	[bflag:$0x2] =	sbarrier.arrive $0xFFFF  }
0x2ef: {  	[sflag:s0] =	ssyncadd.tile.s32 @!p0 $0x1;
	_ =	shalt  }
.Lfunc_end2:
_tile_overlayer_lowered:
.L_overlay_start_2:
0x2f0: {  	(tag) =	ssettag $0x2  }
0x2f1: {  	s0 =	rddreg [dreg:$0x0];
	s2 =	stileid.u32  }
0x2f2: {  	s1 =	rddreg [dreg:$0x1];
	p0 =	sne.s32 s2, $0x0  }
0x2f3: {  	s3 =	rddreg [dreg:$0x2];
	[bflag:$0x3] =	sbarrier.arrive $0xFFFF;
	s2 =	simm.s32 @!p0 $0x1C03  }
0x2f4: {  	[timem:s3], [sflag:s2] =	dma.local @!p0 [hbm:s0], s1  }
0x2f5: {  	s0 =	simm.s32 @!p0 $0x3  }
0x2f6: {  	_ =	swait.ge @!p0 [sflag:s0], s1  }
0x2f7: {  	s1 =	ssub.s32 @!p0 $0x0, s1;
	[sflag:s0] =	ssyncset.done @!p0 $0x0  }
0x2f8: {  	[sflag:s0] =	ssyncadd.s32 @!p0 s1  }
0x2f9: {  	[bflag:$0x3] =	sbarrier.arrive $0xFFFF  }
0x2fa: {  	_ =	shalt  }

</sc_bundles>
